<compile_context>
chip_gen: v7x
topology: tpu7x:2x2x1
jax: 0.10.2.dev20260603
libtpu: 0.0.44.dev20260713+nightly
codegen_flags: <defaults>
</compile_context>

<pallas_src>
import jax
import jax.numpy as jnp
from jax import lax
from jax.experimental import pallas as pl
from jax.experimental.pallas import tpu as pltpu
from jax.experimental.pallas import tpu_sc as plsc

N = 10000
IN_F = 768
HID = 128

NC = 2
NS = 16
LANES = 16
CH = 128

N_T = 10240
RPT = N_T // NS
RB = 512
NBLK = N_T // RB


def _fill2d(ref, rows, cols, val):
    def body(i, _):
        r = i // (cols // LANES)
        j = i % (cols // LANES)
        ref[r, pl.ds(j * LANES, LANES)] = jnp.full((LANES,), val, jnp.float32)
        return 0
    lax.fori_loop(0, rows * (cols // LANES), body, 0, unroll=False)


def _fill_iota(ref, n, base):
    def body(i, _):
        ref[pl.ds(i * LANES, LANES)] = lax.iota(jnp.int32, LANES) + base + i * LANES
        return 0
    lax.fori_loop(0, n // LANES, body, 0, unroll=False)


def _zero_own_rows(acc, rv, zb_v, s):
    def zb(i, _):
        _fill_iota(rv, CH, s * RPT + i * CH)
        pltpu.sync_copy(zb_v, acc.at[rv])
        return 0
    lax.fori_loop(0, RPT // CH, zb, 0, unroll=False)


def _readout_own_rows(acc, rv, buf_v, o_h, c_sel, s, sem):
    def ob(i, _):
        r = s * RPT + i * CH
        _fill_iota(rv, CH, r)
        pltpu.async_copy(acc.at[rv], buf_v, sem).wait()
        pltpu.sync_copy(buf_v, o_h.at[pl.ds(r, CH)])
        return 0
    lax.fori_loop(0, RPT // CH, ob, 0, unroll=False)


NB = 2
NB_AGG = 1
BATCH = 32


def _make_deg(e_pad):
    chunks = e_pad // (NS * CH)
    mesh = plsc.VectorSubcoreMesh(core_axis_name="c", subcore_axis_name="s",
                                  num_cores=NC, num_subcores=NS)

    def body(src_h, dst_h, dsrc_h, ddst_h, rv, ones_v, zb_v, acc, sem):
        c = lax.axis_index("c")
        s = lax.axis_index("s")
        _fill2d(ones_v, CH, HID, 1.0)
        _fill2d(zb_v, CH, HID, 0.0)
        _zero_own_rows(acc, rv, zb_v, s)
        plsc.subcore_barrier()

        base0 = s * chunks * CH

        def run(i_h, o_h):
            def cb(i, _):
                base = base0 + i * CH
                pltpu.sync_copy(i_h.at[pl.ds(base, CH)], rv)
                pltpu.sync_copy(ones_v, acc.at[rv], add=True)
                return 0
            lax.fori_loop(0, chunks, cb, 0, unroll=False)
            plsc.subcore_barrier()
            _readout_own_rows(acc, rv, zb_v, o_h, c, s, sem)

        @pl.when(c == 0)
        def _():
            run(src_h, dsrc_h)

        @pl.when(c == 1)
        def _():
            run(dst_h, ddst_h)

    return pl.kernel(
        body,
        out_type=(
            jax.ShapeDtypeStruct((N_T, HID), jnp.float32),
            jax.ShapeDtypeStruct((N_T, HID), jnp.float32),
        ),
        mesh=mesh,
        scratch_types=(
            pltpu.VMEM((CH,), jnp.int32),
            pltpu.VMEM((CH, HID), jnp.float32),
            pltpu.VMEM((CH, HID), jnp.float32),
            pltpu.VMEM_SHARED((N_T, HID), jnp.float32),
            pltpu.SemaphoreType.DMA,
        ),
    )


def _make_agg(e_pad):
    chunks = e_pad // (NS * CH)
    mesh = plsc.VectorSubcoreMesh(core_axis_name="c", subcore_axis_name="s",
                                  num_cores=NC, num_subcores=NS)

    def body(t0_h, t1_h, i0_h, i1_h, dst_h, out0_h, out1_h,
             iv0, ov0, iv1, ov1, rv, r0, r1, acc, s0, s1):
        c = lax.axis_index("c")
        s = lax.axis_index("s")
        rows = [r0, r1]
        ivs = [iv0, iv1]
        ovs = [ov0, ov1]
        sems = [s0, s1]
        _fill2d(r0, CH, HID, 0.0)
        _zero_own_rows(acc, rv, r0, s)
        plsc.subcore_barrier()

        base0 = s * chunks * CH

        def run(t_h, i_h, o_h):
            def grp(g, _):
                i0 = g * 2
                descs = []
                for b in range(2):
                    base = base0 + (i0 + b) * CH
                    pltpu.sync_copy(i_h.at[pl.ds(base, CH)], ivs[b])
                    pltpu.sync_copy(dst_h.at[pl.ds(base, CH)], ovs[b])
                    descs.append(
                        pltpu.async_copy(t_h.at[ivs[b]], rows[b], sems[b]))
                for b in range(2):
                    descs[b].wait()
                    pltpu.sync_copy(rows[b], acc.at[ovs[b]], add=True)
                return 0
            lax.fori_loop(0, chunks // 2, grp, 0, unroll=False)
            plsc.subcore_barrier()
            _readout_own_rows(acc, rv, r0, o_h, c, s, sems[0])

        @pl.when(c == 0)
        def _():
            run(t0_h, i0_h, out0_h)

        @pl.when(c == 1)
        def _():
            run(t1_h, i1_h, out1_h)

    return pl.kernel(
        body,
        out_type=(
            jax.ShapeDtypeStruct((N_T, HID), jnp.float32),
            jax.ShapeDtypeStruct((N_T, HID), jnp.float32),
        ),
        mesh=mesh,
        scratch_types=(
            pltpu.VMEM((CH,), jnp.int32),
            pltpu.VMEM((CH,), jnp.int32),
            pltpu.VMEM((CH,), jnp.int32),
            pltpu.VMEM((CH,), jnp.int32),
            pltpu.VMEM((CH,), jnp.int32),
            pltpu.VMEM((CH, HID), jnp.float32),
            pltpu.VMEM((CH, HID), jnp.float32),
            pltpu.VMEM_SHARED((N_T, HID), jnp.float32),
            pltpu.SemaphoreType.DMA,
            pltpu.SemaphoreType.DMA,
        ),
    )


def _make_perm():
    nch = N_T // CH
    nw = NC * NS
    mesh = plsc.VectorSubcoreMesh(core_axis_name="c", subcore_axis_name="s",
                                  num_cores=NC, num_subcores=NS)

    def body(t_h, pidx_h, out_h, iv, rows_v, sem):
        c = lax.axis_index("c")
        s = lax.axis_index("s")
        w = c * NS + s

        def cb(k, _):
            ch = w + nw * k

            @pl.when(ch < nch)
            def _():
                base = ch * CH
                pltpu.sync_copy(pidx_h.at[pl.ds(base, CH)], iv)
                pltpu.async_copy(t_h.at[iv], rows_v, sem).wait()
                pltpu.sync_copy(rows_v, out_h.at[pl.ds(base, CH)])
            return 0
        lax.fori_loop(0, (nch + nw - 1) // nw, cb, 0, unroll=False)

    return pl.kernel(
        body,
        out_type=(jax.ShapeDtypeStruct((N_T, HID), jnp.float32),),
        mesh=mesh,
        scratch_types=(
            pltpu.VMEM((CH,), jnp.int32),
            pltpu.VMEM((CH, HID), jnp.float32),
            pltpu.SemaphoreType.DMA,
        ),
    )


def _enc0_body(x_ref, w_ref, h_ref):
    h_ref[...] = jnp.dot(x_ref[...], w_ref[...],
                         preferred_element_type=jnp.float32)


def _enc0(x_p, w0):
    return pl.pallas_call(
        _enc0_body,
        grid=(NBLK,),
        in_specs=[
            pl.BlockSpec((RB, IN_F), lambda i: (i, 0)),
            pl.BlockSpec((IN_F, HID), lambda i: (0, 0)),
        ],
        out_specs=pl.BlockSpec((RB, HID), lambda i: (i, 0)),
        out_shape=jax.ShapeDtypeStruct((N_T, HID), jnp.float32),
    )(x_p, w0)


def _scale_body(h_ref, hp_ref, dsrc_ref, tpos_ref, tneg_ref):
    r_out = lax.rsqrt(jnp.maximum(dsrc_ref[...][:, :1], 1.0))
    tpos_ref[...] = h_ref[...] * r_out
    tneg_ref[...] = hp_ref[...] * r_out


def _scale(h0, h0p, dsrc2d):
    return pl.pallas_call(
        _scale_body,
        grid=(NBLK,),
        in_specs=[
            pl.BlockSpec((RB, HID), lambda i: (i, 0)),
            pl.BlockSpec((RB, HID), lambda i: (i, 0)),
            pl.BlockSpec((RB, HID), lambda i: (i, 0)),
        ],
        out_specs=[
            pl.BlockSpec((RB, HID), lambda i: (i, 0)),
            pl.BlockSpec((RB, HID), lambda i: (i, 0)),
        ],
        out_shape=[
            jax.ShapeDtypeStruct((N_T, HID), jnp.float32),
            jax.ShapeDtypeStruct((N_T, HID), jnp.float32),
        ],
    )(h0, h0p, dsrc2d)


def _mid_body(ap_ref, an_ref, ddst_ref, dsrc_ref, b0_ref, w1_ref,
              up_ref, un_ref):
    rin = lax.rsqrt(jnp.maximum(ddst_ref[...][:, :1], 1.0))
    rout = lax.rsqrt(jnp.maximum(dsrc_ref[...][:, :1], 1.0))
    b0 = b0_ref[...]
    w1 = w1_ref[...]
    zp = jnp.maximum(ap_ref[...] * rin + b0, 0.0)
    zn = jnp.maximum(an_ref[...] * rin + b0, 0.0)
    up_ref[...] = jnp.dot(zp, w1, preferred_element_type=jnp.float32) * rout
    un_ref[...] = jnp.dot(zn, w1, preferred_element_type=jnp.float32) * rout


def _mid(ap, an, ddst2d, dsrc2d, b0, w1):
    return pl.pallas_call(
        _mid_body,
        grid=(NBLK,),
        in_specs=[
            pl.BlockSpec((RB, HID), lambda i: (i, 0)),
            pl.BlockSpec((RB, HID), lambda i: (i, 0)),
            pl.BlockSpec((RB, HID), lambda i: (i, 0)),
            pl.BlockSpec((RB, HID), lambda i: (i, 0)),
            pl.BlockSpec((1, HID), lambda i: (0, 0)),
            pl.BlockSpec((HID, HID), lambda i: (0, 0)),
        ],
        out_specs=[
            pl.BlockSpec((RB, HID), lambda i: (i, 0)),
            pl.BlockSpec((RB, HID), lambda i: (i, 0)),
        ],
        out_shape=[
            jax.ShapeDtypeStruct((N_T, HID), jnp.float32),
            jax.ShapeDtypeStruct((N_T, HID), jnp.float32),
        ],
    )(ap, an, ddst2d, dsrc2d, b0, w1)


def _softplus(v):
    return jnp.maximum(v, 0.0) + jnp.log(1.0 + jnp.exp(-jnp.abs(v)))


def _head_body(ap_ref, an_ref, ddst_ref, b1_ref, wd_ref, out_ref):
    b1 = b1_ref[...]

    def chunk(i):
        rin = lax.rsqrt(
            jnp.maximum(ddst_ref[pl.ds(i * RB, RB), :][:, :1], 1.0))
        pos = ap_ref[pl.ds(i * RB, RB), :] * rin + b1
        neg = an_ref[pl.ds(i * RB, RB), :] * rin + b1
        rowid = lax.broadcasted_iota(jnp.int32, (RB, 1), 0) + i * RB
        m = (rowid < N).astype(jnp.float32)
        return pos, neg, m

    def body1(i, colsum):
        pos, _, m = chunk(i)
        return colsum + jnp.sum(pos * m, axis=0, keepdims=True)

    colsum = lax.fori_loop(0, NBLK, body1, jnp.zeros((1, HID), jnp.float32))
    summary = 1.0 / (1.0 + jnp.exp(-colsum / N))
    wd = wd_ref[...]
    ws = lax.dot_general(summary, wd, (((1,), (1,)), ((), ())),
                         preferred_element_type=jnp.float32)

    def body2(i, carry):
        l1s, l2s = carry
        pos, neg, m = chunk(i)
        psc = lax.dot_general(pos, ws, (((1,), (1,)), ((), ())),
                              preferred_element_type=jnp.float32)
        nsc = lax.dot_general(neg, ws, (((1,), (1,)), ((), ())),
                              preferred_element_type=jnp.float32)
        l1s = l1s + jnp.sum(_softplus(-psc) * m)
        l2s = l2s + jnp.sum(_softplus(nsc) * m)
        return l1s, l2s

    l1s, l2s = lax.fori_loop(
        0, NBLK, body2, (jnp.float32(0.0), jnp.float32(0.0)))
    out_ref[...] = jnp.reshape((l1s + l2s) / jnp.float32(N), (1, 1))


def _head(ap, an, ddst2d, b1, wd):
    return pl.pallas_call(
        _head_body,
        out_shape=jax.ShapeDtypeStruct((1, 1), jnp.float32),
    )(ap, an, ddst2d, b1, wd)


@jax.jit
def kernel(x, edge_index, W0, b0, W1, b1, Wd, Wc, bc):
    del Wc, bc
    e = edge_index.shape[1]
    unit = NS * CH * 2
    e_pad = ((e + unit - 1) // unit) * unit

    src = edge_index[0].astype(jnp.int32)
    dst = edge_index[1].astype(jnp.int32)
    pad = jnp.full((e_pad - e,), N, jnp.int32)
    src_p = jnp.concatenate([src, pad])
    dst_p = jnp.concatenate([dst, pad])
    perm = jax.random.permutation(jax.random.key(42), N).astype(jnp.int32)
    perm_p = jnp.concatenate([perm, jnp.arange(N, N_T, dtype=jnp.int32)])
    x_p = jnp.pad(x, ((0, N_T - N), (0, 0)))

    dsrc2d, ddst2d = _make_deg(e_pad)(src_p, dst_p)
    h0 = _enc0(x_p, W0)
    (h0p,) = _make_perm()(h0, perm_p)
    tpos, tneg = _scale(h0, h0p, dsrc2d)
    agg = _make_agg(e_pad)
    acc1p, acc1n = agg(tpos, tneg, src_p, src_p, dst_p)
    up, un = _mid(acc1p, acc1n, ddst2d, dsrc2d, jnp.reshape(b0, (1, HID)), W1)
    acc2p, acc2n = agg(up, un, src_p, src_p, dst_p)
    res = _head(acc2p, acc2n, ddst2d, jnp.reshape(b1, (1, HID)), Wd)
    return res[0, 0]

# --- scband reference (transcript-rebuilt; emitter-appended) ---
"""Pipeline reference for scband-dgi-19670950216310 (READ-ONLY COPY).

The authoritative reference and input builder live on the scoring server;
editing this copy changes nothing except your own understanding.
"""

import jax, jax.numpy as jnp
import numpy as np

N = 10000
E = 320000
IN_FEATS = 768
HID = 128
N_CLASSES = 24


def setup_inputs(seed: int = 0) -> dict:
    key = jax.random.key(seed)
    ks = jax.random.split(key, 10)
    x = jax.random.normal(ks[0], (N, IN_FEATS), dtype=jnp.float32)
    edge_index = jax.random.randint(ks[1], (2, E), 0, N, dtype=jnp.int64)
    b_in = 1.0 / np.sqrt(IN_FEATS)
    b_h = 1.0 / np.sqrt(HID)
    W0 = jax.random.uniform(ks[2], (IN_FEATS, HID), jnp.float32, -b_in, b_in)
    b0 = jnp.zeros((HID,), jnp.float32)
    W1 = jax.random.uniform(ks[3], (HID, HID), jnp.float32, -b_h, b_h)
    b1 = jnp.zeros((HID,), jnp.float32)
    Wd = jax.random.uniform(ks[4], (HID, HID), jnp.float32, -b_h, b_h)
    Wc = jax.random.uniform(ks[5], (IN_FEATS, N_CLASSES), jnp.float32, -b_in, b_in)
    bc = jnp.zeros((N_CLASSES,), jnp.float32)
    return {"x": x, "edge_index": edge_index, "W0": W0, "b0": b0, "W1": W1, "b1": b1, "Wd": Wd, "Wc": Wc, "bc": bc}


def _norm_coefs(edge_index):
    src = edge_index[0]
    dst = edge_index[1]
    deg_out = jnp.clip(jnp.bincount(src, length=N).astype(jnp.float32), 1.0, None)
    deg_in = jnp.clip(jnp.bincount(dst, length=N).astype(jnp.float32), 1.0, None)
    norm = jax.lax.rsqrt(deg_out)[src] * jax.lax.rsqrt(deg_in)[dst]
    return src, dst, norm


def _gcn(x, edge_index, W0, b0, W1, b1):
    # 2-layer GCN (input layer + 1 hidden layer, n_layers=1): symmetric-normalized aggregation
    src, dst, norm = _norm_coefs(edge_index)
    h = x @ W0
    msg = h[src] * norm[:, None]
    h = jax.ops.segment_sum(msg, dst, num_segments=N) + b0
    h = jax.nn.relu(h)
    h = h @ W1
    msg = h[src] * norm[:, None]
    h = jax.ops.segment_sum(msg, dst, num_segments=N) + b1
    return h


def reference(x, edge_index, W0, b0, W1, b1, Wd, Wc, bc):
    # positive encoder pass
    positive = _gcn(x, edge_index, W0, b0, W1, b1)
    # corrupted (negative) pass: permute node features
    perm = jax.random.permutation(jax.random.key(42), N)
    negative = _gcn(x[perm], edge_index, W0, b0, W1, b1)
    # mean readout
    summary = jax.nn.sigmoid(jnp.mean(positive, axis=0))
    # classification head (computed in the original forward, result unused)
    _classification = x @ Wc + bc
    # bilinear discriminator: features @ (W @ summary) -> [N]
    ws = Wd @ summary
    pos_score = positive @ ws
    neg_score = negative @ ws
    # BCEWithLogitsLoss: targets ones for positive, zeros for negative
    l1 = jnp.mean(jax.nn.softplus(-pos_score))
    l2 = jnp.mean(jax.nn.softplus(neg_score))
    return l1 + l2

if __name__ == "__main__":
    import jax
    _d = setup_inputs()
    print(jax.jit(kernel)(*tuple(_d.values())))

</pallas_src>

<mosaic_0001>
#map = affine_map<(d0, d1) -> (0, 0)>
#map1 = affine_map<(d0, d1) -> (0)>
module attributes {stable_mosaic.version = 14 : i64} {
  func.func @body(%arg0: i32, %arg1: i32, %arg2: memref<10240x128xf32, #tpu.memory_space<hbm>>, %arg3: memref<10240xi32, #tpu.memory_space<hbm>>, %arg4: memref<10240x128xf32, #tpu.memory_space<hbm>>, %arg5: memref<128xi32, #tpu.memory_space<vmem>>, %arg6: memref<128x128xf32, #tpu.memory_space<vmem>>, %arg7: memref<!tpu.dma_semaphore, #tpu.memory_space<semaphore_mem>>) attributes {dimension_semantics = [#tpu.dimension_semantics<core_parallel>, #tpu.dimension_semantics<subcore_parallel>], iteration_bounds = array<i64: 2, 16>, scalar_prefetch = 0 : i64, scratch_operands = 3 : i64, tpu.core_type = #tpu.core_type<sc_vector_subcore>, window_params = [{transform_indices = #map}, {transform_indices = #map1}, {transform_indices = #map}]} {
    %mul3A = arith.constant 16 : i32
    %mul3A_0 = arith.muli %arg0, %mul3A : i32
    %add3A = arith.addi %mul3A_0, %arg1 : i32
    %scan3A = arith.constant 0 : i32
    %scan3A_1 = arith.constant 0 : i32
    %scan3A_2 = arith.constant 3 : i32
    %scan3A_3 = arith.addi %scan3A_1, %scan3A_2 : i32
    %scan3A_4 = arith.constant 1 : i32
    %scan3A_5 = scf.for %scan3A_7 = %scan3A_1 to %scan3A_3 step %scan3A_4 iter_args(%scan3A_8 = %scan3A) -> (i32)  : i32 {
      %mul3A_9 = arith.constant 32 : i32
      %mul3A_10 = arith.muli %mul3A_9, %scan3A_7 : i32
      %add3A_11 = arith.addi %add3A, %mul3A_10 : i32
      %lt3A = arith.constant 80 : i32
      %lt3A_12 = arith.cmpi slt, %add3A_11, %lt3A : i32
      %convert_element_type3A = arith.extui %lt3A_12 : i1 to i32
      %cond3A = arith.constant 0 : i32
      %cond3A_13 = arith.cmpi ne, %convert_element_type3A, %cond3A : i32
      scf.if %cond3A_13 {
        %mul3A_15 = arith.constant 128 : i32
        %mul3A_16 = arith.muli %add3A_11, %mul3A_15 : i32
        "tpu.region"() ({
          %run_scoped3A = tpu.sem_alloc : memref<!tpu.dma_semaphore, #tpu.memory_space<semaphore_mem>>
          %dma_start3A_21 = tpu.memref_slice %arg3[%mul3A_16] : memref<10240xi32, #tpu.memory_space<hbm>> -> memref<128xi32, #tpu.memory_space<hbm>>
          %dma_start3A_22 = tpu.memref_slice %arg3[%mul3A_16] : memref<10240xi32, #tpu.memory_space<hbm>> -> memref<128xi32, #tpu.memory_space<hbm>>
          tpu.enqueue_dma source(%dma_start3A_22 : memref<128xi32, #tpu.memory_space<hbm>>) target(%arg5 : memref<128xi32, #tpu.memory_space<vmem>>) target_semaphore(%run_scoped3A : memref<!tpu.dma_semaphore, #tpu.memory_space<semaphore_mem>>)
          %dma_wait3A_23 = tpu.memref_slice %arg3[%mul3A_16] : memref<10240xi32, #tpu.memory_space<hbm>> -> memref<128xi32, #tpu.memory_space<hbm>>
          %dma_wait3A_24 = tpu.memref_slice %arg3[%mul3A_16] : memref<10240xi32, #tpu.memory_space<hbm>> -> memref<128xi32, #tpu.memory_space<hbm>>
          tpu.wait_dma2 semaphore(%run_scoped3A : memref<!tpu.dma_semaphore, #tpu.memory_space<semaphore_mem>>) src(%dma_wait3A_24 : memref<128xi32, #tpu.memory_space<hbm>>) dst(%arg5 : memref<128xi32, #tpu.memory_space<vmem>>)
          tpu.yield
        }) : () -> ()
        %dma_start3A = arith.constant 0 : i32
        %dma_start3A_17 = arith.constant 0 : i32
        %dma_start3A_18 = tpu.memref_slice %arg2[%dma_start3A, %dma_start3A_17] : memref<10240x128xf32, #tpu.memory_space<hbm>> -> memref<10240x128xf32, #tpu.memory_space<hbm>>
        tpu.enqueue_indirect_dma source(%dma_start3A_18 : memref<10240x128xf32, #tpu.memory_space<hbm>>) target(%arg6 : memref<128x128xf32, #tpu.memory_space<vmem>>) offsets(%arg5 : memref<128xi32, #tpu.memory_space<vmem>>) semaphore(%arg7 : memref<!tpu.dma_semaphore, #tpu.memory_space<semaphore_mem>>)
        %dma_wait3A = arith.constant 0 : i32
        %dma_wait3A_19 = arith.constant 0 : i32
        %dma_wait3A_20 = tpu.memref_slice %arg2[%dma_wait3A, %dma_wait3A_19] : memref<10240x128xf32, #tpu.memory_space<hbm>> -> memref<10240x128xf32, #tpu.memory_space<hbm>>
        tpu.wait_indirect_dma semaphore(%arg7 : memref<!tpu.dma_semaphore, #tpu.memory_space<semaphore_mem>>) src(%dma_wait3A_20 : memref<10240x128xf32, #tpu.memory_space<hbm>>) dst(%arg6 : memref<128x128xf32, #tpu.memory_space<vmem>>)
        "tpu.region"() ({
          %run_scoped3A = tpu.sem_alloc : memref<!tpu.dma_semaphore, #tpu.memory_space<semaphore_mem>>
          %dma_start3A_21 = arith.constant 0 : i32
          %dma_start3A_22 = tpu.memref_slice %arg4[%mul3A_16, %dma_start3A_21] : memref<10240x128xf32, #tpu.memory_space<hbm>> -> memref<128x128xf32, #tpu.memory_space<hbm>>
          %dma_start3A_23 = arith.constant 0 : i32
          %dma_start3A_24 = tpu.memref_slice %arg4[%mul3A_16, %dma_start3A_23] : memref<10240x128xf32, #tpu.memory_space<hbm>> -> memref<128x128xf32, #tpu.memory_space<hbm>>
          tpu.enqueue_dma source(%arg6 : memref<128x128xf32, #tpu.memory_space<vmem>>) target(%dma_start3A_24 : memref<128x128xf32, #tpu.memory_space<hbm>>) target_semaphore(%run_scoped3A : memref<!tpu.dma_semaphore, #tpu.memory_space<semaphore_mem>>)
          %dma_wait3A_25 = arith.constant 0 : i32
          %dma_wait3A_26 = tpu.memref_slice %arg4[%mul3A_16, %dma_wait3A_25] : memref<10240x128xf32, #tpu.memory_space<hbm>> -> memref<128x128xf32, #tpu.memory_space<hbm>>
          %dma_wait3A_27 = arith.constant 0 : i32
          %dma_wait3A_28 = tpu.memref_slice %arg4[%mul3A_16, %dma_wait3A_27] : memref<10240x128xf32, #tpu.memory_space<hbm>> -> memref<128x128xf32, #tpu.memory_space<hbm>>
          tpu.wait_dma2 semaphore(%run_scoped3A : memref<!tpu.dma_semaphore, #tpu.memory_space<semaphore_mem>>) src(%arg6 : memref<128x128xf32, #tpu.memory_space<vmem>>) dst(%dma_wait3A_28 : memref<128x128xf32, #tpu.memory_space<hbm>>)
          tpu.yield
        }) : () -> ()
      } else {
      }
      %scan3A_14 = arith.constant 0 : i32
      scf.yield %scan3A_14 : i32
    }
    %scan3A_6 = arith.constant 3 : i32
    return
  }
}

#map = affine_map<(d0, d1) -> (0, 0)>
#map1 = affine_map<(d0, d1) -> (0)>
module attributes {stable_mosaic.version = 14 : i64} {
  func.func @body(%arg0: i32, %arg1: i32, %arg2: memref<10240x128xf32, #tpu.memory_space<hbm>>, %arg3: memref<10240x128xf32, #tpu.memory_space<hbm>>, %arg4: memref<323584xi32, #tpu.memory_space<hbm>>, %arg5: memref<323584xi32, #tpu.memory_space<hbm>>, %arg6: memref<323584xi32, #tpu.memory_space<hbm>>, %arg7: memref<10240x128xf32, #tpu.memory_space<hbm>>, %arg8: memref<10240x128xf32, #tpu.memory_space<hbm>>, %arg9: memref<128xi32, #tpu.memory_space<vmem>>, %arg10: memref<128xi32, #tpu.memory_space<vmem>>, %arg11: memref<128xi32, #tpu.memory_space<vmem>>, %arg12: memref<128xi32, #tpu.memory_space<vmem>>, %arg13: memref<128xi32, #tpu.memory_space<vmem>>, %arg14: memref<128x128xf32, #tpu.memory_space<vmem>>, %arg15: memref<128x128xf32, #tpu.memory_space<vmem>>, %arg16: memref<10240x128xf32, #tpu.memory_space<vmem_shared>>, %arg17: memref<!tpu.dma_semaphore, #tpu.memory_space<semaphore_mem>>, %arg18: memref<!tpu.dma_semaphore, #tpu.memory_space<semaphore_mem>>) attributes {dimension_semantics = [#tpu.dimension_semantics<core_parallel>, #tpu.dimension_semantics<subcore_parallel>], iteration_bounds = array<i64: 2, 16>, scalar_prefetch = 0 : i64, scratch_operands = 10 : i64, tpu.core_type = #tpu.core_type<sc_vector_subcore>, window_params = [{transform_indices = #map}, {transform_indices = #map}, {transform_indices = #map1}, {transform_indices = #map1}, {transform_indices = #map1}, {transform_indices = #map}, {transform_indices = #map}]} {
    %scan3A = arith.constant 0 : i32
    %scan3A_0 = arith.constant 0 : i32
    %scan3A_1 = arith.constant 1024 : i32
    %scan3A_2 = arith.addi %scan3A_0, %scan3A_1 : i32
    %scan3A_3 = arith.constant 1 : i32
    %scan3A_4 = scf.for %scan3A_23 = %scan3A_0 to %scan3A_2 step %scan3A_3 iter_args(%scan3A_24 = %scan3A) -> (i32)  : i32 {
      %jit3A = arith.constant 8 : i32
      %div3A = arith.divsi %scan3A_23, %jit3A : i32
      %sign3A = arith.constant 0 : i32
      %sign3A_25 = arith.cmpi sgt, %scan3A_23, %sign3A : i32
      %sign3A_26 = arith.extui %sign3A_25 : i1 to i32
      %sign3A_27 = arith.constant 0 : i32
      %sign3A_28 = arith.cmpi slt, %scan3A_23, %sign3A_27 : i32
      %sign3A_29 = arith.extui %sign3A_28 : i1 to i32
      %sign3A_30 = arith.subi %sign3A_26, %sign3A_29 : i32
      %sign3A_31 = arith.constant 0 : i32
      %sign3A_32 = arith.cmpi sgt, %jit3A, %sign3A_31 : i32
      %sign3A_33 = arith.extui %sign3A_32 : i1 to i32
      %sign3A_34 = arith.constant 0 : i32
      %sign3A_35 = arith.cmpi slt, %jit3A, %sign3A_34 : i32
      %sign3A_36 = arith.extui %sign3A_35 : i1 to i32
      %sign3A_37 = arith.subi %sign3A_33, %sign3A_36 : i32
      %ne3A = arith.cmpi ne, %sign3A_30, %sign3A_37 : i32
      %rem3A = arith.remsi %scan3A_23, %jit3A : i32
      %ne3A_38 = arith.constant 0 : i32
      %ne3A_39 = arith.cmpi ne, %rem3A, %ne3A_38 : i32
      %and3A = arith.andi %ne3A, %ne3A_39 : i1
      %sub3A = arith.constant 1 : i32
      %sub3A_40 = arith.subi %div3A, %sub3A : i32
      %select_n3A = arith.select %and3A, %sub3A_40, %div3A : i32
      %jit3A_41 = arith.constant 8 : i32
      %eq3A_42 = arith.constant 0 : i32
      %eq3A_43 = arith.cmpi eq, %jit3A_41, %eq3A_42 : i32
      %jit3A_44 = arith.constant 1 : i32
      %select_n3A_45 = arith.select %eq3A_43, %jit3A_44, %jit3A_41 : i32
      %rem3A_46 = arith.remsi %scan3A_23, %select_n3A_45 : i32
      %ne3A_47 = arith.constant 0 : i32
      %ne3A_48 = arith.cmpi ne, %rem3A_46, %ne3A_47 : i32
      %lt3A = arith.constant 0 : i32
      %lt3A_49 = arith.cmpi slt, %rem3A_46, %lt3A : i32
      %lt3A_50 = arith.constant 0 : i32
      %lt3A_51 = arith.cmpi slt, %select_n3A_45, %lt3A_50 : i32
      %ne3A_52 = arith.xori %lt3A_49, %lt3A_51 : i1
      %and3A_53 = arith.andi %ne3A_52, %ne3A_48 : i1
      %add3A = arith.addi %rem3A_46, %select_n3A_45 : i32
      %select_n3A_54 = arith.select %and3A_53, %add3A, %rem3A_46 : i32
      %broadcast_in_dim3A = arith.constant 0.000000e+00 : f32
      %broadcast_in_dim3A_55 = vector.broadcast %broadcast_in_dim3A : f32 to vector<16xf32>
      %mul3A_56 = arith.constant 16 : i32
      %mul3A_57 = arith.muli %select_n3A_54, %mul3A_56 : i32
      %swap3A = arith.index_cast %select_n3A : i32 to index
      %swap3A_58 = arith.index_cast %mul3A_57 : i32 to index
      %swap3A_59 = tpu.vector_load %arg14[%swap3A, %swap3A_58] {strides = array<i32>} : memref<128x128xf32, #tpu.memory_space<vmem>>, vector<1x16xf32>,
      %swap3A_60 = vector.shape_cast %swap3A_59 : vector<1x16xf32> to vector<16xf32>
      %swap3A_61 = vector.shape_cast %broadcast_in_dim3A_55 : vector<16xf32> to vector<1x16xf32>
      tpu.vector_store %arg14[%swap3A, %swap3A_58], %swap3A_61 {strides = array<i32>} : memref<128x128xf32, #tpu.memory_space<vmem>>, vector<1x16xf32>,
      %scan3A_62 = arith.constant 0 : i32
      scf.yield %scan3A_62 : i32
    }
    %scan3A_5 = arith.constant 1024 : i32
    %scan3A_6 = arith.constant 0 : i32
    %scan3A_7 = arith.constant 0 : i32
    %scan3A_8 = arith.constant 5 : i32
    %scan3A_9 = arith.addi %scan3A_7, %scan3A_8 : i32
    %scan3A_10 = arith.constant 1 : i32
    %scan3A_11 = scf.for %scan3A_23 = %scan3A_7 to %scan3A_9 step %scan3A_10 iter_args(%scan3A_24 = %scan3A_6) -> (i32)  : i32 {
      %mul3A_25 = arith.constant 640 : i32
      %mul3A_26 = arith.muli %arg1, %mul3A_25 : i32
      %mul3A_27 = arith.constant 128 : i32
      %mul3A_28 = arith.muli %scan3A_23, %mul3A_27 : i32
      %add3A = arith.addi %mul3A_26, %mul3A_28 : i32
      %scan3A_29 = arith.constant 0 : i32
      %scan3A_30 = arith.constant 0 : i32
      %scan3A_31 = arith.constant 8 : i32
      %scan3A_32 = arith.addi %scan3A_30, %scan3A_31 : i32
      %scan3A_33 = arith.constant 1 : i32
      %scan3A_34 = scf.for %scan3A_37 = %scan3A_30 to %scan3A_32 step %scan3A_33 iter_args(%scan3A_38 = %scan3A_29) -> (i32)  : i32 {
        %iota3A = tpu.iota {dimensions = array<i32: 0>} : vector<16xi32>
        %add3A_39 = vector.broadcast %add3A : i32 to vector<16xi32>
        %add3A_40 = arith.addi %iota3A, %add3A_39 : vector<16xi32>
        %mul3A_41 = arith.constant 16 : i32
        %mul3A_42 = arith.muli %scan3A_37, %mul3A_41 : i32
        %add3A_43 = vector.broadcast %mul3A_42 : i32 to vector<16xi32>
        %add3A_44 = arith.addi %add3A_40, %add3A_43 : vector<16xi32>
        %mul3A_45 = arith.constant 16 : i32
        %mul3A_46 = arith.muli %scan3A_37, %mul3A_45 : i32
        %swap3A = arith.index_cast %mul3A_46 : i32 to index
        %swap3A_47 = tpu.vector_load %arg13[%swap3A] {strides = array<i32>} : memref<128xi32, #tpu.memory_space<vmem>>, vector<16xi32>,
        %swap3A_48 = vector.shape_cast %swap3A_47 : vector<16xi32> to vector<16xi32>
        %swap3A_49 = vector.shape_cast %add3A_44 : vector<16xi32> to vector<16xi32>
        tpu.vector_store %arg13[%swap3A], %swap3A_49 {strides = array<i32>} : memref<128xi32, #tpu.memory_space<vmem>>, vector<16xi32>,
        %scan3A_50 = arith.constant 0 : i32
        scf.yield %scan3A_50 : i32
      }
      %scan3A_35 = arith.constant 8 : i32
      "tpu.region"() ({
        %run_scoped3A = tpu.sem_alloc : memref<!tpu.dma_semaphore, #tpu.memory_space<semaphore_mem>>
        %dma_start3A = arith.constant 0 : i32
        %dma_start3A_37 = arith.constant 0 : i32
        %dma_start3A_38 = tpu.memref_slice %arg16[%dma_start3A, %dma_start3A_37] : memref<10240x128xf32, #tpu.memory_space<vmem_shared>> -> memref<10240x128xf32, #tpu.memory_space<vmem_shared>>
        tpu.enqueue_indirect_dma source(%arg14 : memref<128x128xf32, #tpu.memory_space<vmem>>) target(%dma_start3A_38 : memref<10240x128xf32, #tpu.memory_space<vmem_shared>>) offsets(%arg13 : memref<128xi32, #tpu.memory_space<vmem>>) semaphore(%run_scoped3A : memref<!tpu.dma_semaphore, #tpu.memory_space<semaphore_mem>>)
        %dma_wait3A = arith.constant 0 : i32
        %dma_wait3A_39 = arith.constant 0 : i32
        %dma_wait3A_40 = tpu.memref_slice %arg16[%dma_wait3A, %dma_wait3A_39] : memref<10240x128xf32, #tpu.memory_space<vmem_shared>> -> memref<10240x128xf32, #tpu.memory_space<vmem_shared>>
        tpu.wait_indirect_dma semaphore(%run_scoped3A : memref<!tpu.dma_semaphore, #tpu.memory_space<semaphore_mem>>) src(%arg14 : memref<128x128xf32, #tpu.memory_space<vmem>>) dst(%dma_wait3A_40 : memref<10240x128xf32, #tpu.memory_space<vmem_shared>>)
        tpu.yield
      }) : () -> ()
      %scan3A_36 = arith.constant 0 : i32
      scf.yield %scan3A_36 : i32
    }
    %scan3A_12 = arith.constant 5 : i32
    %barrier3A = arith.constant 0 : index
    tpu.barrier barrier_id(%barrier3A)
    %mul3A = arith.constant 158 : i32
    %mul3A_13 = arith.muli %arg1, %mul3A : i32
    %mul3A_14 = arith.constant 128 : i32
    %mul3A_15 = arith.muli %mul3A_13, %mul3A_14 : i32
    %eq3A = arith.constant 0 : i32
    %eq3A_16 = arith.cmpi eq, %arg0, %eq3A : i32
    %convert_element_type3A = arith.extui %eq3A_16 : i1 to i32
    %cond3A = arith.constant 0 : i32
    %cond3A_17 = arith.cmpi ne, %convert_element_type3A, %cond3A : i32
    scf.if %cond3A_17 {
      %scan3A_23 = arith.constant 0 : i32
      %scan3A_24 = arith.constant 0 : i32
      %scan3A_25 = arith.constant 79 : i32
      %scan3A_26 = arith.addi %scan3A_24, %scan3A_25 : i32
      %scan3A_27 = arith.constant 1 : i32
      %scan3A_28 = scf.for %scan3A_38 = %scan3A_24 to %scan3A_26 step %scan3A_27 iter_args(%scan3A_39 = %scan3A_23) -> (i32)  : i32 {
        %mul3A_40 = arith.constant 2 : i32
        %mul3A_41 = arith.muli %scan3A_38, %mul3A_40 : i32
        %add3A = arith.constant 0 : i32
        %add3A_42 = arith.addi %mul3A_41, %add3A : i32
        %mul3A_43 = arith.constant 128 : i32
        %mul3A_44 = arith.muli %add3A_42, %mul3A_43 : i32
        %add3A_45 = arith.addi %mul3A_15, %mul3A_44 : i32
        "tpu.region"() ({
          %run_scoped3A = tpu.sem_alloc : memref<!tpu.dma_semaphore, #tpu.memory_space<semaphore_mem>>
          %dma_start3A_62 = tpu.memref_slice %arg4[%add3A_45] : memref<323584xi32, #tpu.memory_space<hbm>> -> memref<128xi32, #tpu.memory_space<hbm>>
          %dma_start3A_63 = tpu.memref_slice %arg4[%add3A_45] : memref<323584xi32, #tpu.memory_space<hbm>> -> memref<128xi32, #tpu.memory_space<hbm>>
          tpu.enqueue_dma source(%dma_start3A_63 : memref<128xi32, #tpu.memory_space<hbm>>) target(%arg9 : memref<128xi32, #tpu.memory_space<vmem>>) target_semaphore(%run_scoped3A : memref<!tpu.dma_semaphore, #tpu.memory_space<semaphore_mem>>)
          %dma_wait3A_64 = tpu.memref_slice %arg4[%add3A_45] : memref<323584xi32, #tpu.memory_space<hbm>> -> memref<128xi32, #tpu.memory_space<hbm>>
          %dma_wait3A_65 = tpu.memref_slice %arg4[%add3A_45] : memref<323584xi32, #tpu.memory_space<hbm>> -> memref<128xi32, #tpu.memory_space<hbm>>
          tpu.wait_dma2 semaphore(%run_scoped3A : memref<!tpu.dma_semaphore, #tpu.memory_space<semaphore_mem>>) src(%dma_wait3A_65 : memref<128xi32, #tpu.memory_space<hbm>>) dst(%arg9 : memref<128xi32, #tpu.memory_space<vmem>>)
          tpu.yield
        }) : () -> ()
        "tpu.region"() ({
          %run_scoped3A = tpu.sem_alloc : memref<!tpu.dma_semaphore, #tpu.memory_space<semaphore_mem>>
          %dma_start3A_62 = tpu.memref_slice %arg6[%add3A_45] : memref<323584xi32, #tpu.memory_space<hbm>> -> memref<128xi32, #tpu.memory_space<hbm>>
          %dma_start3A_63 = tpu.memref_slice %arg6[%add3A_45] : memref<323584xi32, #tpu.memory_space<hbm>> -> memref<128xi32, #tpu.memory_space<hbm>>
          tpu.enqueue_dma source(%dma_start3A_63 : memref<128xi32, #tpu.memory_space<hbm>>) target(%arg10 : memref<128xi32, #tpu.memory_space<vmem>>) target_semaphore(%run_scoped3A : memref<!tpu.dma_semaphore, #tpu.memory_space<semaphore_mem>>)
          %dma_wait3A_64 = tpu.memref_slice %arg6[%add3A_45] : memref<323584xi32, #tpu.memory_space<hbm>> -> memref<128xi32, #tpu.memory_space<hbm>>
          %dma_wait3A_65 = tpu.memref_slice %arg6[%add3A_45] : memref<323584xi32, #tpu.memory_space<hbm>> -> memref<128xi32, #tpu.memory_space<hbm>>
          tpu.wait_dma2 semaphore(%run_scoped3A : memref<!tpu.dma_semaphore, #tpu.memory_space<semaphore_mem>>) src(%dma_wait3A_65 : memref<128xi32, #tpu.memory_space<hbm>>) dst(%arg10 : memref<128xi32, #tpu.memory_space<vmem>>)
          tpu.yield
        }) : () -> ()
        %dma_start3A = arith.constant 0 : i32
        %dma_start3A_46 = arith.constant 0 : i32
        %dma_start3A_47 = tpu.memref_slice %arg2[%dma_start3A, %dma_start3A_46] : memref<10240x128xf32, #tpu.memory_space<hbm>> -> memref<10240x128xf32, #tpu.memory_space<hbm>>
        tpu.enqueue_indirect_dma source(%dma_start3A_47 : memref<10240x128xf32, #tpu.memory_space<hbm>>) target(%arg14 : memref<128x128xf32, #tpu.memory_space<vmem>>) offsets(%arg9 : memref<128xi32, #tpu.memory_space<vmem>>) semaphore(%arg17 : memref<!tpu.dma_semaphore, #tpu.memory_space<semaphore_mem>>)
        %add3A_48 = arith.constant 1 : i32
        %add3A_49 = arith.addi %mul3A_41, %add3A_48 : i32
        %mul3A_50 = arith.constant 128 : i32
        %mul3A_51 = arith.muli %add3A_49, %mul3A_50 : i32
        %add3A_52 = arith.addi %mul3A_15, %mul3A_51 : i32
        "tpu.region"() ({
          %run_scoped3A = tpu.sem_alloc : memref<!tpu.dma_semaphore, #tpu.memory_space<semaphore_mem>>
          %dma_start3A_62 = tpu.memref_slice %arg4[%add3A_52] : memref<323584xi32, #tpu.memory_space<hbm>> -> memref<128xi32, #tpu.memory_space<hbm>>
          %dma_start3A_63 = tpu.memref_slice %arg4[%add3A_52] : memref<323584xi32, #tpu.memory_space<hbm>> -> memref<128xi32, #tpu.memory_space<hbm>>
          tpu.enqueue_dma source(%dma_start3A_63 : memref<128xi32, #tpu.memory_space<hbm>>) target(%arg11 : memref<128xi32, #tpu.memory_space<vmem>>) target_semaphore(%run_scoped3A : memref<!tpu.dma_semaphore, #tpu.memory_space<semaphore_mem>>)
          %dma_wait3A_64 = tpu.memref_slice %arg4[%add3A_52] : memref<323584xi32, #tpu.memory_space<hbm>> -> memref<128xi32, #tpu.memory_space<hbm>>
          %dma_wait3A_65 = tpu.memref_slice %arg4[%add3A_52] : memref<323584xi32, #tpu.memory_space<hbm>> -> memref<128xi32, #tpu.memory_space<hbm>>
          tpu.wait_dma2 semaphore(%run_scoped3A : memref<!tpu.dma_semaphore, #tpu.memory_space<semaphore_mem>>) src(%dma_wait3A_65 : memref<128xi32, #tpu.memory_space<hbm>>) dst(%arg11 : memref<128xi32, #tpu.memory_space<vmem>>)
          tpu.yield
        }) : () -> ()
        "tpu.region"() ({
          %run_scoped3A = tpu.sem_alloc : memref<!tpu.dma_semaphore, #tpu.memory_space<semaphore_mem>>
          %dma_start3A_62 = tpu.memref_slice %arg6[%add3A_52] : memref<323584xi32, #tpu.memory_space<hbm>> -> memref<128xi32, #tpu.memory_space<hbm>>
          %dma_start3A_63 = tpu.memref_slice %arg6[%add3A_52] : memref<323584xi32, #tpu.memory_space<hbm>> -> memref<128xi32, #tpu.memory_space<hbm>>
          tpu.enqueue_dma source(%dma_start3A_63 : memref<128xi32, #tpu.memory_space<hbm>>) target(%arg12 : memref<128xi32, #tpu.memory_space<vmem>>) target_semaphore(%run_scoped3A : memref<!tpu.dma_semaphore, #tpu.memory_space<semaphore_mem>>)
          %dma_wait3A_64 = tpu.memref_slice %arg6[%add3A_52] : memref<323584xi32, #tpu.memory_space<hbm>> -> memref<128xi32, #tpu.memory_space<hbm>>
          %dma_wait3A_65 = tpu.memref_slice %arg6[%add3A_52] : memref<323584xi32, #tpu.memory_space<hbm>> -> memref<128xi32, #tpu.memory_space<hbm>>
          tpu.wait_dma2 semaphore(%run_scoped3A : memref<!tpu.dma_semaphore, #tpu.memory_space<semaphore_mem>>) src(%dma_wait3A_65 : memref<128xi32, #tpu.memory_space<hbm>>) dst(%arg12 : memref<128xi32, #tpu.memory_space<vmem>>)
          tpu.yield
        }) : () -> ()
        %dma_start3A_53 = arith.constant 0 : i32
        %dma_start3A_54 = arith.constant 0 : i32
        %dma_start3A_55 = tpu.memref_slice %arg2[%dma_start3A_53, %dma_start3A_54] : memref<10240x128xf32, #tpu.memory_space<hbm>> -> memref<10240x128xf32, #tpu.memory_space<hbm>>
        tpu.enqueue_indirect_dma source(%dma_start3A_55 : memref<10240x128xf32, #tpu.memory_space<hbm>>) target(%arg15 : memref<128x128xf32, #tpu.memory_space<vmem>>) offsets(%arg11 : memref<128xi32, #tpu.memory_space<vmem>>) semaphore(%arg18 : memref<!tpu.dma_semaphore, #tpu.memory_space<semaphore_mem>>)
        %dma_wait3A = arith.constant 0 : i32
        %dma_wait3A_56 = arith.constant 0 : i32
        %dma_wait3A_57 = tpu.memref_slice %arg2[%dma_wait3A, %dma_wait3A_56] : memref<10240x128xf32, #tpu.memory_space<hbm>> -> memref<10240x128xf32, #tpu.memory_space<hbm>>
        tpu.wait_indirect_dma semaphore(%arg17 : memref<!tpu.dma_semaphore, #tpu.memory_space<semaphore_mem>>) src(%dma_wait3A_57 : memref<10240x128xf32, #tpu.memory_space<hbm>>) dst(%arg14 : memref<128x128xf32, #tpu.memory_space<vmem>>)
        "tpu.region"() ({
          %run_scoped3A = tpu.sem_alloc : memref<!tpu.dma_semaphore, #tpu.memory_space<semaphore_mem>>
          %dma_start3A_62 = arith.constant 0 : i32
          %dma_start3A_63 = arith.constant 0 : i32
          %dma_start3A_64 = tpu.memref_slice %arg16[%dma_start3A_62, %dma_start3A_63] : memref<10240x128xf32, #tpu.memory_space<vmem_shared>> -> memref<10240x128xf32, #tpu.memory_space<vmem_shared>>
          tpu.enqueue_indirect_dma source(%arg14 : memref<128x128xf32, #tpu.memory_space<vmem>>) target(%dma_start3A_64 : memref<10240x128xf32, #tpu.memory_space<vmem_shared>>) offsets(%arg10 : memref<128xi32, #tpu.memory_space<vmem>>) semaphore(%run_scoped3A : memref<!tpu.dma_semaphore, #tpu.memory_space<semaphore_mem>>) {add = true}
          %dma_wait3A_65 = arith.constant 0 : i32
          %dma_wait3A_66 = arith.constant 0 : i32
          %dma_wait3A_67 = tpu.memref_slice %arg16[%dma_wait3A_65, %dma_wait3A_66] : memref<10240x128xf32, #tpu.memory_space<vmem_shared>> -> memref<10240x128xf32, #tpu.memory_space<vmem_shared>>
          tpu.wait_indirect_dma semaphore(%run_scoped3A : memref<!tpu.dma_semaphore, #tpu.memory_space<semaphore_mem>>) src(%arg14 : memref<128x128xf32, #tpu.memory_space<vmem>>) dst(%dma_wait3A_67 : memref<10240x128xf32, #tpu.memory_space<vmem_shared>>)
          tpu.yield
        }) : () -> ()
        %dma_wait3A_58 = arith.constant 0 : i32
        %dma_wait3A_59 = arith.constant 0 : i32
        %dma_wait3A_60 = tpu.memref_slice %arg2[%dma_wait3A_58, %dma_wait3A_59] : memref<10240x128xf32, #tpu.memory_space<hbm>> -> memref<10240x128xf32, #tpu.memory_space<hbm>>
        tpu.wait_indirect_dma semaphore(%arg18 : memref<!tpu.dma_semaphore, #tpu.memory_space<semaphore_mem>>) src(%dma_wait3A_60 : memref<10240x128xf32, #tpu.memory_space<hbm>>) dst(%arg15 : memref<128x128xf32, #tpu.memory_space<vmem>>)
        "tpu.region"() ({
          %run_scoped3A = tpu.sem_alloc : memref<!tpu.dma_semaphore, #tpu.memory_space<semaphore_mem>>
          %dma_start3A_62 = arith.constant 0 : i32
          %dma_start3A_63 = arith.constant 0 : i32
          %dma_start3A_64 = tpu.memref_slice %arg16[%dma_start3A_62, %dma_start3A_63] : memref<10240x128xf32, #tpu.memory_space<vmem_shared>> -> memref<10240x128xf32, #tpu.memory_space<vmem_shared>>
          tpu.enqueue_indirect_dma source(%arg15 : memref<128x128xf32, #tpu.memory_space<vmem>>) target(%dma_start3A_64 : memref<10240x128xf32, #tpu.memory_space<vmem_shared>>) offsets(%arg12 : memref<128xi32, #tpu.memory_space<vmem>>) semaphore(%run_scoped3A : memref<!tpu.dma_semaphore, #tpu.memory_space<semaphore_mem>>) {add = true}
          %dma_wait3A_65 = arith.constant 0 : i32
          %dma_wait3A_66 = arith.constant 0 : i32
          %dma_wait3A_67 = tpu.memref_slice %arg16[%dma_wait3A_65, %dma_wait3A_66] : memref<10240x128xf32, #tpu.memory_space<vmem_shared>> -> memref<10240x128xf32, #tpu.memory_space<vmem_shared>>
          tpu.wait_indirect_dma semaphore(%run_scoped3A : memref<!tpu.dma_semaphore, #tpu.memory_space<semaphore_mem>>) src(%arg15 : memref<128x128xf32, #tpu.memory_space<vmem>>) dst(%dma_wait3A_67 : memref<10240x128xf32, #tpu.memory_space<vmem_shared>>)
          tpu.yield
        }) : () -> ()
        %scan3A_61 = arith.constant 0 : i32
        scf.yield %scan3A_61 : i32
      }
      %scan3A_29 = arith.constant 79 : i32
      %barrier3A_30 = arith.constant 0 : index
      tpu.barrier barrier_id(%barrier3A_30)
      %scan3A_31 = arith.constant 0 : i32
      %scan3A_32 = arith.constant 0 : i32
      %scan3A_33 = arith.constant 5 : i32
      %scan3A_34 = arith.addi %scan3A_32, %scan3A_33 : i32
      %scan3A_35 = arith.constant 1 : i32
      %scan3A_36 = scf.for %scan3A_38 = %scan3A_32 to %scan3A_34 step %scan3A_35 iter_args(%scan3A_39 = %scan3A_31) -> (i32)  : i32 {
        %mul3A_40 = arith.constant 640 : i32
        %mul3A_41 = arith.muli %arg1, %mul3A_40 : i32
        %mul3A_42 = arith.constant 128 : i32
        %mul3A_43 = arith.muli %scan3A_38, %mul3A_42 : i32
        %add3A = arith.addi %mul3A_41, %mul3A_43 : i32
        %scan3A_44 = arith.constant 0 : i32
        %scan3A_45 = arith.constant 0 : i32
        %scan3A_46 = arith.constant 8 : i32
        %scan3A_47 = arith.addi %scan3A_45, %scan3A_46 : i32
        %scan3A_48 = arith.constant 1 : i32
        %scan3A_49 = scf.for %scan3A_56 = %scan3A_45 to %scan3A_47 step %scan3A_48 iter_args(%scan3A_57 = %scan3A_44) -> (i32)  : i32 {
          %iota3A = tpu.iota {dimensions = array<i32: 0>} : vector<16xi32>
          %add3A_58 = vector.broadcast %add3A : i32 to vector<16xi32>
          %add3A_59 = arith.addi %iota3A, %add3A_58 : vector<16xi32>
          %mul3A_60 = arith.constant 16 : i32
          %mul3A_61 = arith.muli %scan3A_56, %mul3A_60 : i32
          %add3A_62 = vector.broadcast %mul3A_61 : i32 to vector<16xi32>
          %add3A_63 = arith.addi %add3A_59, %add3A_62 : vector<16xi32>
          %mul3A_64 = arith.constant 16 : i32
          %mul3A_65 = arith.muli %scan3A_56, %mul3A_64 : i32
          %swap3A = arith.index_cast %mul3A_65 : i32 to index
          %swap3A_66 = tpu.vector_load %arg13[%swap3A] {strides = array<i32>} : memref<128xi32, #tpu.memory_space<vmem>>, vector<16xi32>,
          %swap3A_67 = vector.shape_cast %swap3A_66 : vector<16xi32> to vector<16xi32>
          %swap3A_68 = vector.shape_cast %add3A_63 : vector<16xi32> to vector<16xi32>
          tpu.vector_store %arg13[%swap3A], %swap3A_68 {strides = array<i32>} : memref<128xi32, #tpu.memory_space<vmem>>, vector<16xi32>,
          %scan3A_69 = arith.constant 0 : i32
          scf.yield %scan3A_69 : i32
        }
        %scan3A_50 = arith.constant 8 : i32
        %dma_start3A = arith.constant 0 : i32
        %dma_start3A_51 = arith.constant 0 : i32
        %dma_start3A_52 = tpu.memref_slice %arg16[%dma_start3A, %dma_start3A_51] : memref<10240x128xf32, #tpu.memory_space<vmem_shared>> -> memref<10240x128xf32, #tpu.memory_space<vmem_shared>>
        tpu.enqueue_indirect_dma source(%dma_start3A_52 : memref<10240x128xf32, #tpu.memory_space<vmem_shared>>) target(%arg14 : memref<128x128xf32, #tpu.memory_space<vmem>>) offsets(%arg13 : memref<128xi32, #tpu.memory_space<vmem>>) semaphore(%arg17 : memref<!tpu.dma_semaphore, #tpu.memory_space<semaphore_mem>>)
        %dma_wait3A = arith.constant 0 : i32
        %dma_wait3A_53 = arith.constant 0 : i32
        %dma_wait3A_54 = tpu.memref_slice %arg16[%dma_wait3A, %dma_wait3A_53] : memref<10240x128xf32, #tpu.memory_space<vmem_shared>> -> memref<10240x128xf32, #tpu.memory_space<vmem_shared>>
        tpu.wait_indirect_dma semaphore(%arg17 : memref<!tpu.dma_semaphore, #tpu.memory_space<semaphore_mem>>) src(%dma_wait3A_54 : memref<10240x128xf32, #tpu.memory_space<vmem_shared>>) dst(%arg14 : memref<128x128xf32, #tpu.memory_space<vmem>>)
        "tpu.region"() ({
          %run_scoped3A = tpu.sem_alloc : memref<!tpu.dma_semaphore, #tpu.memory_space<semaphore_mem>>
          %dma_start3A_56 = arith.constant 0 : i32
          %dma_start3A_57 = tpu.memref_slice %arg7[%add3A, %dma_start3A_56] : memref<10240x128xf32, #tpu.memory_space<hbm>> -> memref<128x128xf32, #tpu.memory_space<hbm>>
          %dma_start3A_58 = arith.constant 0 : i32
          %dma_start3A_59 = tpu.memref_slice %arg7[%add3A, %dma_start3A_58] : memref<10240x128xf32, #tpu.memory_space<hbm>> -> memref<128x128xf32, #tpu.memory_space<hbm>>
          tpu.enqueue_dma source(%arg14 : memref<128x128xf32, #tpu.memory_space<vmem>>) target(%dma_start3A_59 : memref<128x128xf32, #tpu.memory_space<hbm>>) target_semaphore(%run_scoped3A : memref<!tpu.dma_semaphore, #tpu.memory_space<semaphore_mem>>)
          %dma_wait3A_60 = arith.constant 0 : i32
          %dma_wait3A_61 = tpu.memref_slice %arg7[%add3A, %dma_wait3A_60] : memref<10240x128xf32, #tpu.memory_space<hbm>> -> memref<128x128xf32, #tpu.memory_space<hbm>>
          %dma_wait3A_62 = arith.constant 0 : i32
          %dma_wait3A_63 = tpu.memref_slice %arg7[%add3A, %dma_wait3A_62] : memref<10240x128xf32, #tpu.memory_space<hbm>> -> memref<128x128xf32, #tpu.memory_space<hbm>>
          tpu.wait_dma2 semaphore(%run_scoped3A : memref<!tpu.dma_semaphore, #tpu.memory_space<semaphore_mem>>) src(%arg14 : memref<128x128xf32, #tpu.memory_space<vmem>>) dst(%dma_wait3A_63 : memref<128x128xf32, #tpu.memory_space<hbm>>)
          tpu.yield
        }) : () -> ()
        %scan3A_55 = arith.constant 0 : i32
        scf.yield %scan3A_55 : i32
      }
      %scan3A_37 = arith.constant 5 : i32
    } else {
    }
    %eq3A_18 = arith.constant 1 : i32
    %eq3A_19 = arith.cmpi eq, %arg0, %eq3A_18 : i32
    %convert_element_type3A_20 = arith.extui %eq3A_19 : i1 to i32
    %cond3A_21 = arith.constant 0 : i32
    %cond3A_22 = arith.cmpi ne, %convert_element_type3A_20, %cond3A_21 : i32
    scf.if %cond3A_22 {
      %scan3A_23 = arith.constant 0 : i32
      %scan3A_24 = arith.constant 0 : i32
      %scan3A_25 = arith.constant 79 : i32
      %scan3A_26 = arith.addi %scan3A_24, %scan3A_25 : i32
      %scan3A_27 = arith.constant 1 : i32
      %scan3A_28 = scf.for %scan3A_38 = %scan3A_24 to %scan3A_26 step %scan3A_27 iter_args(%scan3A_39 = %scan3A_23) -> (i32)  : i32 {
        %mul3A_40 = arith.constant 2 : i32
        %mul3A_41 = arith.muli %scan3A_38, %mul3A_40 : i32
        %add3A = arith.constant 0 : i32
        %add3A_42 = arith.addi %mul3A_41, %add3A : i32
        %mul3A_43 = arith.constant 128 : i32
        %mul3A_44 = arith.muli %add3A_42, %mul3A_43 : i32
        %add3A_45 = arith.addi %mul3A_15, %mul3A_44 : i32
        "tpu.region"() ({
          %run_scoped3A = tpu.sem_alloc : memref<!tpu.dma_semaphore, #tpu.memory_space<semaphore_mem>>
          %dma_start3A_62 = tpu.memref_slice %arg5[%add3A_45] : memref<323584xi32, #tpu.memory_space<hbm>> -> memref<128xi32, #tpu.memory_space<hbm>>
          %dma_start3A_63 = tpu.memref_slice %arg5[%add3A_45] : memref<323584xi32, #tpu.memory_space<hbm>> -> memref<128xi32, #tpu.memory_space<hbm>>
          tpu.enqueue_dma source(%dma_start3A_63 : memref<128xi32, #tpu.memory_space<hbm>>) target(%arg9 : memref<128xi32, #tpu.memory_space<vmem>>) target_semaphore(%run_scoped3A : memref<!tpu.dma_semaphore, #tpu.memory_space<semaphore_mem>>)
          %dma_wait3A_64 = tpu.memref_slice %arg5[%add3A_45] : memref<323584xi32, #tpu.memory_space<hbm>> -> memref<128xi32, #tpu.memory_space<hbm>>
          %dma_wait3A_65 = tpu.memref_slice %arg5[%add3A_45] : memref<323584xi32, #tpu.memory_space<hbm>> -> memref<128xi32, #tpu.memory_space<hbm>>
          tpu.wait_dma2 semaphore(%run_scoped3A : memref<!tpu.dma_semaphore, #tpu.memory_space<semaphore_mem>>) src(%dma_wait3A_65 : memref<128xi32, #tpu.memory_space<hbm>>) dst(%arg9 : memref<128xi32, #tpu.memory_space<vmem>>)
          tpu.yield
        }) : () -> ()
        "tpu.region"() ({
          %run_scoped3A = tpu.sem_alloc : memref<!tpu.dma_semaphore, #tpu.memory_space<semaphore_mem>>
          %dma_start3A_62 = tpu.memref_slice %arg6[%add3A_45] : memref<323584xi32, #tpu.memory_space<hbm>> -> memref<128xi32, #tpu.memory_space<hbm>>
          %dma_start3A_63 = tpu.memref_slice %arg6[%add3A_45] : memref<323584xi32, #tpu.memory_space<hbm>> -> memref<128xi32, #tpu.memory_space<hbm>>
          tpu.enqueue_dma source(%dma_start3A_63 : memref<128xi32, #tpu.memory_space<hbm>>) target(%arg10 : memref<128xi32, #tpu.memory_space<vmem>>) target_semaphore(%run_scoped3A : memref<!tpu.dma_semaphore, #tpu.memory_space<semaphore_mem>>)
          %dma_wait3A_64 = tpu.memref_slice %arg6[%add3A_45] : memref<323584xi32, #tpu.memory_space<hbm>> -> memref<128xi32, #tpu.memory_space<hbm>>
          %dma_wait3A_65 = tpu.memref_slice %arg6[%add3A_45] : memref<323584xi32, #tpu.memory_space<hbm>> -> memref<128xi32, #tpu.memory_space<hbm>>
          tpu.wait_dma2 semaphore(%run_scoped3A : memref<!tpu.dma_semaphore, #tpu.memory_space<semaphore_mem>>) src(%dma_wait3A_65 : memref<128xi32, #tpu.memory_space<hbm>>) dst(%arg10 : memref<128xi32, #tpu.memory_space<vmem>>)
          tpu.yield
        }) : () -> ()
        %dma_start3A = arith.constant 0 : i32
        %dma_start3A_46 = arith.constant 0 : i32
        %dma_start3A_47 = tpu.memref_slice %arg3[%dma_start3A, %dma_start3A_46] : memref<10240x128xf32, #tpu.memory_space<hbm>> -> memref<10240x128xf32, #tpu.memory_space<hbm>>
        tpu.enqueue_indirect_dma source(%dma_start3A_47 : memref<10240x128xf32, #tpu.memory_space<hbm>>) target(%arg14 : memref<128x128xf32, #tpu.memory_space<vmem>>) offsets(%arg9 : memref<128xi32, #tpu.memory_space<vmem>>) semaphore(%arg17 : memref<!tpu.dma_semaphore, #tpu.memory_space<semaphore_mem>>)
        %add3A_48 = arith.constant 1 : i32
        %add3A_49 = arith.addi %mul3A_41, %add3A_48 : i32
        %mul3A_50 = arith.constant 128 : i32
        %mul3A_51 = arith.muli %add3A_49, %mul3A_50 : i32
        %add3A_52 = arith.addi %mul3A_15, %mul3A_51 : i32
        "tpu.region"() ({
          %run_scoped3A = tpu.sem_alloc : memref<!tpu.dma_semaphore, #tpu.memory_space<semaphore_mem>>
          %dma_start3A_62 = tpu.memref_slice %arg5[%add3A_52] : memref<323584xi32, #tpu.memory_space<hbm>> -> memref<128xi32, #tpu.memory_space<hbm>>
          %dma_start3A_63 = tpu.memref_slice %arg5[%add3A_52] : memref<323584xi32, #tpu.memory_space<hbm>> -> memref<128xi32, #tpu.memory_space<hbm>>
          tpu.enqueue_dma source(%dma_start3A_63 : memref<128xi32, #tpu.memory_space<hbm>>) target(%arg11 : memref<128xi32, #tpu.memory_space<vmem>>) target_semaphore(%run_scoped3A : memref<!tpu.dma_semaphore, #tpu.memory_space<semaphore_mem>>)
          %dma_wait3A_64 = tpu.memref_slice %arg5[%add3A_52] : memref<323584xi32, #tpu.memory_space<hbm>> -> memref<128xi32, #tpu.memory_space<hbm>>
          %dma_wait3A_65 = tpu.memref_slice %arg5[%add3A_52] : memref<323584xi32, #tpu.memory_space<hbm>> -> memref<128xi32, #tpu.memory_space<hbm>>
          tpu.wait_dma2 semaphore(%run_scoped3A : memref<!tpu.dma_semaphore, #tpu.memory_space<semaphore_mem>>) src(%dma_wait3A_65 : memref<128xi32, #tpu.memory_space<hbm>>) dst(%arg11 : memref<128xi32, #tpu.memory_space<vmem>>)
          tpu.yield
        }) : () -> ()
        "tpu.region"() ({
          %run_scoped3A = tpu.sem_alloc : memref<!tpu.dma_semaphore, #tpu.memory_space<semaphore_mem>>
          %dma_start3A_62 = tpu.memref_slice %arg6[%add3A_52] : memref<323584xi32, #tpu.memory_space<hbm>> -> memref<128xi32, #tpu.memory_space<hbm>>
          %dma_start3A_63 = tpu.memref_slice %arg6[%add3A_52] : memref<323584xi32, #tpu.memory_space<hbm>> -> memref<128xi32, #tpu.memory_space<hbm>>
          tpu.enqueue_dma source(%dma_start3A_63 : memref<128xi32, #tpu.memory_space<hbm>>) target(%arg12 : memref<128xi32, #tpu.memory_space<vmem>>) target_semaphore(%run_scoped3A : memref<!tpu.dma_semaphore, #tpu.memory_space<semaphore_mem>>)
          %dma_wait3A_64 = tpu.memref_slice %arg6[%add3A_52] : memref<323584xi32, #tpu.memory_space<hbm>> -> memref<128xi32, #tpu.memory_space<hbm>>
          %dma_wait3A_65 = tpu.memref_slice %arg6[%add3A_52] : memref<323584xi32, #tpu.memory_space<hbm>> -> memref<128xi32, #tpu.memory_space<hbm>>
          tpu.wait_dma2 semaphore(%run_scoped3A : memref<!tpu.dma_semaphore, #tpu.memory_space<semaphore_mem>>) src(%dma_wait3A_65 : memref<128xi32, #tpu.memory_space<hbm>>) dst(%arg12 : memref<128xi32, #tpu.memory_space<vmem>>)
          tpu.yield
        }) : () -> ()
        %dma_start3A_53 = arith.constant 0 : i32
        %dma_start3A_54 = arith.constant 0 : i32
        %dma_start3A_55 = tpu.memref_slice %arg3[%dma_start3A_53, %dma_start3A_54] : memref<10240x128xf32, #tpu.memory_space<hbm>> -> memref<10240x128xf32, #tpu.memory_space<hbm>>
        tpu.enqueue_indirect_dma source(%dma_start3A_55 : memref<10240x128xf32, #tpu.memory_space<hbm>>) target(%arg15 : memref<128x128xf32, #tpu.memory_space<vmem>>) offsets(%arg11 : memref<128xi32, #tpu.memory_space<vmem>>) semaphore(%arg18 : memref<!tpu.dma_semaphore, #tpu.memory_space<semaphore_mem>>)
        %dma_wait3A = arith.constant 0 : i32
        %dma_wait3A_56 = arith.constant 0 : i32
        %dma_wait3A_57 = tpu.memref_slice %arg3[%dma_wait3A, %dma_wait3A_56] : memref<10240x128xf32, #tpu.memory_space<hbm>> -> memref<10240x128xf32, #tpu.memory_space<hbm>>
        tpu.wait_indirect_dma semaphore(%arg17 : memref<!tpu.dma_semaphore, #tpu.memory_space<semaphore_mem>>) src(%dma_wait3A_57 : memref<10240x128xf32, #tpu.memory_space<hbm>>) dst(%arg14 : memref<128x128xf32, #tpu.memory_space<vmem>>)
        "tpu.region"() ({
          %run_scoped3A = tpu.sem_alloc : memref<!tpu.dma_semaphore, #tpu.memory_space<semaphore_mem>>
          %dma_start3A_62 = arith.constant 0 : i32
          %dma_start3A_63 = arith.constant 0 : i32
          %dma_start3A_64 = tpu.memref_slice %arg16[%dma_start3A_62, %dma_start3A_63] : memref<10240x128xf32, #tpu.memory_space<vmem_shared>> -> memref<10240x128xf32, #tpu.memory_space<vmem_shared>>
          tpu.enqueue_indirect_dma source(%arg14 : memref<128x128xf32, #tpu.memory_space<vmem>>) target(%dma_start3A_64 : memref<10240x128xf32, #tpu.memory_space<vmem_shared>>) offsets(%arg10 : memref<128xi32, #tpu.memory_space<vmem>>) semaphore(%run_scoped3A : memref<!tpu.dma_semaphore, #tpu.memory_space<semaphore_mem>>) {add = true}
          %dma_wait3A_65 = arith.constant 0 : i32
          %dma_wait3A_66 = arith.constant 0 : i32
          %dma_wait3A_67 = tpu.memref_slice %arg16[%dma_wait3A_65, %dma_wait3A_66] : memref<10240x128xf32, #tpu.memory_space<vmem_shared>> -> memref<10240x128xf32, #tpu.memory_space<vmem_shared>>
          tpu.wait_indirect_dma semaphore(%run_scoped3A : memref<!tpu.dma_semaphore, #tpu.memory_space<semaphore_mem>>) src(%arg14 : memref<128x128xf32, #tpu.memory_space<vmem>>) dst(%dma_wait3A_67 : memref<10240x128xf32, #tpu.memory_space<vmem_shared>>)
          tpu.yield
        }) : () -> ()
        %dma_wait3A_58 = arith.constant 0 : i32
        %dma_wait3A_59 = arith.constant 0 : i32
        %dma_wait3A_60 = tpu.memref_slice %arg3[%dma_wait3A_58, %dma_wait3A_59] : memref<10240x128xf32, #tpu.memory_space<hbm>> -> memref<10240x128xf32, #tpu.memory_space<hbm>>
        tpu.wait_indirect_dma semaphore(%arg18 : memref<!tpu.dma_semaphore, #tpu.memory_space<semaphore_mem>>) src(%dma_wait3A_60 : memref<10240x128xf32, #tpu.memory_space<hbm>>) dst(%arg15 : memref<128x128xf32, #tpu.memory_space<vmem>>)
        "tpu.region"() ({
          %run_scoped3A = tpu.sem_alloc : memref<!tpu.dma_semaphore, #tpu.memory_space<semaphore_mem>>
          %dma_start3A_62 = arith.constant 0 : i32
          %dma_start3A_63 = arith.constant 0 : i32
          %dma_start3A_64 = tpu.memref_slice %arg16[%dma_start3A_62, %dma_start3A_63] : memref<10240x128xf32, #tpu.memory_space<vmem_shared>> -> memref<10240x128xf32, #tpu.memory_space<vmem_shared>>
          tpu.enqueue_indirect_dma source(%arg15 : memref<128x128xf32, #tpu.memory_space<vmem>>) target(%dma_start3A_64 : memref<10240x128xf32, #tpu.memory_space<vmem_shared>>) offsets(%arg12 : memref<128xi32, #tpu.memory_space<vmem>>) semaphore(%run_scoped3A : memref<!tpu.dma_semaphore, #tpu.memory_space<semaphore_mem>>) {add = true}
          %dma_wait3A_65 = arith.constant 0 : i32
          %dma_wait3A_66 = arith.constant 0 : i32
          %dma_wait3A_67 = tpu.memref_slice %arg16[%dma_wait3A_65, %dma_wait3A_66] : memref<10240x128xf32, #tpu.memory_space<vmem_shared>> -> memref<10240x128xf32, #tpu.memory_space<vmem_shared>>
          tpu.wait_indirect_dma semaphore(%run_scoped3A : memref<!tpu.dma_semaphore, #tpu.memory_space<semaphore_mem>>) src(%arg15 : memref<128x128xf32, #tpu.memory_space<vmem>>) dst(%dma_wait3A_67 : memref<10240x128xf32, #tpu.memory_space<vmem_shared>>)
          tpu.yield
        }) : () -> ()
        %scan3A_61 = arith.constant 0 : i32
        scf.yield %scan3A_61 : i32
      }
      %scan3A_29 = arith.constant 79 : i32
      %barrier3A_30 = arith.constant 0 : index
      tpu.barrier barrier_id(%barrier3A_30)
      %scan3A_31 = arith.constant 0 : i32
      %scan3A_32 = arith.constant 0 : i32
      %scan3A_33 = arith.constant 5 : i32
      %scan3A_34 = arith.addi %scan3A_32, %scan3A_33 : i32
      %scan3A_35 = arith.constant 1 : i32
      %scan3A_36 = scf.for %scan3A_38 = %scan3A_32 to %scan3A_34 step %scan3A_35 iter_args(%scan3A_39 = %scan3A_31) -> (i32)  : i32 {
        %mul3A_40 = arith.constant 640 : i32
        %mul3A_41 = arith.muli %arg1, %mul3A_40 : i32
        %mul3A_42 = arith.constant 128 : i32
        %mul3A_43 = arith.muli %scan3A_38, %mul3A_42 : i32
        %add3A = arith.addi %mul3A_41, %mul3A_43 : i32
        %scan3A_44 = arith.constant 0 : i32
        %scan3A_45 = arith.constant 0 : i32
        %scan3A_46 = arith.constant 8 : i32
        %scan3A_47 = arith.addi %scan3A_45, %scan3A_46 : i32
        %scan3A_48 = arith.constant 1 : i32
        %scan3A_49 = scf.for %scan3A_56 = %scan3A_45 to %scan3A_47 step %scan3A_48 iter_args(%scan3A_57 = %scan3A_44) -> (i32)  : i32 {
          %iota3A = tpu.iota {dimensions = array<i32: 0>} : vector<16xi32>
          %add3A_58 = vector.broadcast %add3A : i32 to vector<16xi32>
          %add3A_59 = arith.addi %iota3A, %add3A_58 : vector<16xi32>
          %mul3A_60 = arith.constant 16 : i32
          %mul3A_61 = arith.muli %scan3A_56, %mul3A_60 : i32
          %add3A_62 = vector.broadcast %mul3A_61 : i32 to vector<16xi32>
          %add3A_63 = arith.addi %add3A_59, %add3A_62 : vector<16xi32>
          %mul3A_64 = arith.constant 16 : i32
          %mul3A_65 = arith.muli %scan3A_56, %mul3A_64 : i32
          %swap3A = arith.index_cast %mul3A_65 : i32 to index
          %swap3A_66 = tpu.vector_load %arg13[%swap3A] {strides = array<i32>} : memref<128xi32, #tpu.memory_space<vmem>>, vector<16xi32>,
          %swap3A_67 = vector.shape_cast %swap3A_66 : vector<16xi32> to vector<16xi32>
          %swap3A_68 = vector.shape_cast %add3A_63 : vector<16xi32> to vector<16xi32>
          tpu.vector_store %arg13[%swap3A], %swap3A_68 {strides = array<i32>} : memref<128xi32, #tpu.memory_space<vmem>>, vector<16xi32>,
          %scan3A_69 = arith.constant 0 : i32
          scf.yield %scan3A_69 : i32
        }
        %scan3A_50 = arith.constant 8 : i32
        %dma_start3A = arith.constant 0 : i32
        %dma_start3A_51 = arith.constant 0 : i32
        %dma_start3A_52 = tpu.memref_slice %arg16[%dma_start3A, %dma_start3A_51] : memref<10240x128xf32, #tpu.memory_space<vmem_shared>> -> memref<10240x128xf32, #tpu.memory_space<vmem_shared>>
        tpu.enqueue_indirect_dma source(%dma_start3A_52 : memref<10240x128xf32, #tpu.memory_space<vmem_shared>>) target(%arg14 : memref<128x128xf32, #tpu.memory_space<vmem>>) offsets(%arg13 : memref<128xi32, #tpu.memory_space<vmem>>) semaphore(%arg17 : memref<!tpu.dma_semaphore, #tpu.memory_space<semaphore_mem>>)
        %dma_wait3A = arith.constant 0 : i32
        %dma_wait3A_53 = arith.constant 0 : i32
        %dma_wait3A_54 = tpu.memref_slice %arg16[%dma_wait3A, %dma_wait3A_53] : memref<10240x128xf32, #tpu.memory_space<vmem_shared>> -> memref<10240x128xf32, #tpu.memory_space<vmem_shared>>
        tpu.wait_indirect_dma semaphore(%arg17 : memref<!tpu.dma_semaphore, #tpu.memory_space<semaphore_mem>>) src(%dma_wait3A_54 : memref<10240x128xf32, #tpu.memory_space<vmem_shared>>) dst(%arg14 : memref<128x128xf32, #tpu.memory_space<vmem>>)
        "tpu.region"() ({
          %run_scoped3A = tpu.sem_alloc : memref<!tpu.dma_semaphore, #tpu.memory_space<semaphore_mem>>
          %dma_start3A_56 = arith.constant 0 : i32
          %dma_start3A_57 = tpu.memref_slice %arg8[%add3A, %dma_start3A_56] : memref<10240x128xf32, #tpu.memory_space<hbm>> -> memref<128x128xf32, #tpu.memory_space<hbm>>
          %dma_start3A_58 = arith.constant 0 : i32
          %dma_start3A_59 = tpu.memref_slice %arg8[%add3A, %dma_start3A_58] : memref<10240x128xf32, #tpu.memory_space<hbm>> -> memref<128x128xf32, #tpu.memory_space<hbm>>
          tpu.enqueue_dma source(%arg14 : memref<128x128xf32, #tpu.memory_space<vmem>>) target(%dma_start3A_59 : memref<128x128xf32, #tpu.memory_space<hbm>>) target_semaphore(%run_scoped3A : memref<!tpu.dma_semaphore, #tpu.memory_space<semaphore_mem>>)
          %dma_wait3A_60 = arith.constant 0 : i32
          %dma_wait3A_61 = tpu.memref_slice %arg8[%add3A, %dma_wait3A_60] : memref<10240x128xf32, #tpu.memory_space<hbm>> -> memref<128x128xf32, #tpu.memory_space<hbm>>
          %dma_wait3A_62 = arith.constant 0 : i32
          %dma_wait3A_63 = tpu.memref_slice %arg8[%add3A, %dma_wait3A_62] : memref<10240x128xf32, #tpu.memory_space<hbm>> -> memref<128x128xf32, #tpu.memory_space<hbm>>
          tpu.wait_dma2 semaphore(%run_scoped3A : memref<!tpu.dma_semaphore, #tpu.memory_space<semaphore_mem>>) src(%arg14 : memref<128x128xf32, #tpu.memory_space<vmem>>) dst(%dma_wait3A_63 : memref<128x128xf32, #tpu.memory_space<hbm>>)
          tpu.yield
        }) : () -> ()
        %scan3A_55 = arith.constant 0 : i32
        scf.yield %scan3A_55 : i32
      }
      %scan3A_37 = arith.constant 5 : i32
    } else {
    }
    return
  }
}

#map = affine_map<(d0, d1) -> (0)>
#map1 = affine_map<(d0, d1) -> (0, 0)>
module attributes {stable_mosaic.version = 14 : i64} {
  func.func @body(%arg0: i32, %arg1: i32, %arg2: memref<323584xi32, #tpu.memory_space<hbm>>, %arg3: memref<323584xi32, #tpu.memory_space<hbm>>, %arg4: memref<10240x128xf32, #tpu.memory_space<hbm>>, %arg5: memref<10240x128xf32, #tpu.memory_space<hbm>>, %arg6: memref<128xi32, #tpu.memory_space<vmem>>, %arg7: memref<128x128xf32, #tpu.memory_space<vmem>>, %arg8: memref<128x128xf32, #tpu.memory_space<vmem>>, %arg9: memref<10240x128xf32, #tpu.memory_space<vmem_shared>>, %arg10: memref<!tpu.dma_semaphore, #tpu.memory_space<semaphore_mem>>) attributes {dimension_semantics = [#tpu.dimension_semantics<core_parallel>, #tpu.dimension_semantics<subcore_parallel>], iteration_bounds = array<i64: 2, 16>, scalar_prefetch = 0 : i64, scratch_operands = 5 : i64, tpu.core_type = #tpu.core_type<sc_vector_subcore>, window_params = [{transform_indices = #map}, {transform_indices = #map}, {transform_indices = #map1}, {transform_indices = #map1}]} {
    %scan3A = arith.constant 0 : i32
    %scan3A_0 = arith.constant 0 : i32
    %scan3A_1 = arith.constant 1024 : i32
    %scan3A_2 = arith.addi %scan3A_0, %scan3A_1 : i32
    %scan3A_3 = arith.constant 1 : i32
    %scan3A_4 = scf.for %scan3A_30 = %scan3A_0 to %scan3A_2 step %scan3A_3 iter_args(%scan3A_31 = %scan3A) -> (i32)  : i32 {
      %jit3A = arith.constant 8 : i32
      %div3A = arith.divsi %scan3A_30, %jit3A : i32
      %sign3A = arith.constant 0 : i32
      %sign3A_32 = arith.cmpi sgt, %scan3A_30, %sign3A : i32
      %sign3A_33 = arith.extui %sign3A_32 : i1 to i32
      %sign3A_34 = arith.constant 0 : i32
      %sign3A_35 = arith.cmpi slt, %scan3A_30, %sign3A_34 : i32
      %sign3A_36 = arith.extui %sign3A_35 : i1 to i32
      %sign3A_37 = arith.subi %sign3A_33, %sign3A_36 : i32
      %sign3A_38 = arith.constant 0 : i32
      %sign3A_39 = arith.cmpi sgt, %jit3A, %sign3A_38 : i32
      %sign3A_40 = arith.extui %sign3A_39 : i1 to i32
      %sign3A_41 = arith.constant 0 : i32
      %sign3A_42 = arith.cmpi slt, %jit3A, %sign3A_41 : i32
      %sign3A_43 = arith.extui %sign3A_42 : i1 to i32
      %sign3A_44 = arith.subi %sign3A_40, %sign3A_43 : i32
      %ne3A = arith.cmpi ne, %sign3A_37, %sign3A_44 : i32
      %rem3A = arith.remsi %scan3A_30, %jit3A : i32
      %ne3A_45 = arith.constant 0 : i32
      %ne3A_46 = arith.cmpi ne, %rem3A, %ne3A_45 : i32
      %and3A = arith.andi %ne3A, %ne3A_46 : i1
      %sub3A = arith.constant 1 : i32
      %sub3A_47 = arith.subi %div3A, %sub3A : i32
      %select_n3A = arith.select %and3A, %sub3A_47, %div3A : i32
      %jit3A_48 = arith.constant 8 : i32
      %eq3A_49 = arith.constant 0 : i32
      %eq3A_50 = arith.cmpi eq, %jit3A_48, %eq3A_49 : i32
      %jit3A_51 = arith.constant 1 : i32
      %select_n3A_52 = arith.select %eq3A_50, %jit3A_51, %jit3A_48 : i32
      %rem3A_53 = arith.remsi %scan3A_30, %select_n3A_52 : i32
      %ne3A_54 = arith.constant 0 : i32
      %ne3A_55 = arith.cmpi ne, %rem3A_53, %ne3A_54 : i32
      %lt3A = arith.constant 0 : i32
      %lt3A_56 = arith.cmpi slt, %rem3A_53, %lt3A : i32
      %lt3A_57 = arith.constant 0 : i32
      %lt3A_58 = arith.cmpi slt, %select_n3A_52, %lt3A_57 : i32
      %ne3A_59 = arith.xori %lt3A_56, %lt3A_58 : i1
      %and3A_60 = arith.andi %ne3A_59, %ne3A_55 : i1
      %add3A = arith.addi %rem3A_53, %select_n3A_52 : i32
      %select_n3A_61 = arith.select %and3A_60, %add3A, %rem3A_53 : i32
      %broadcast_in_dim3A = arith.constant 1.000000e+00 : f32
      %broadcast_in_dim3A_62 = vector.broadcast %broadcast_in_dim3A : f32 to vector<16xf32>
      %mul3A_63 = arith.constant 16 : i32
      %mul3A_64 = arith.muli %select_n3A_61, %mul3A_63 : i32
      %swap3A = arith.index_cast %select_n3A : i32 to index
      %swap3A_65 = arith.index_cast %mul3A_64 : i32 to index
      %swap3A_66 = tpu.vector_load %arg7[%swap3A, %swap3A_65] {strides = array<i32>} : memref<128x128xf32, #tpu.memory_space<vmem>>, vector<1x16xf32>,
      %swap3A_67 = vector.shape_cast %swap3A_66 : vector<1x16xf32> to vector<16xf32>
      %swap3A_68 = vector.shape_cast %broadcast_in_dim3A_62 : vector<16xf32> to vector<1x16xf32>
      tpu.vector_store %arg7[%swap3A, %swap3A_65], %swap3A_68 {strides = array<i32>} : memref<128x128xf32, #tpu.memory_space<vmem>>, vector<1x16xf32>,
      %scan3A_69 = arith.constant 0 : i32
      scf.yield %scan3A_69 : i32
    }
    %scan3A_5 = arith.constant 1024 : i32
    %scan3A_6 = arith.constant 0 : i32
    %scan3A_7 = arith.constant 0 : i32
    %scan3A_8 = arith.constant 1024 : i32
    %scan3A_9 = arith.addi %scan3A_7, %scan3A_8 : i32
    %scan3A_10 = arith.constant 1 : i32
    %scan3A_11 = scf.for %scan3A_30 = %scan3A_7 to %scan3A_9 step %scan3A_10 iter_args(%scan3A_31 = %scan3A_6) -> (i32)  : i32 {
      %jit3A = arith.constant 8 : i32
      %div3A = arith.divsi %scan3A_30, %jit3A : i32
      %sign3A = arith.constant 0 : i32
      %sign3A_32 = arith.cmpi sgt, %scan3A_30, %sign3A : i32
      %sign3A_33 = arith.extui %sign3A_32 : i1 to i32
      %sign3A_34 = arith.constant 0 : i32
      %sign3A_35 = arith.cmpi slt, %scan3A_30, %sign3A_34 : i32
      %sign3A_36 = arith.extui %sign3A_35 : i1 to i32
      %sign3A_37 = arith.subi %sign3A_33, %sign3A_36 : i32
      %sign3A_38 = arith.constant 0 : i32
      %sign3A_39 = arith.cmpi sgt, %jit3A, %sign3A_38 : i32
      %sign3A_40 = arith.extui %sign3A_39 : i1 to i32
      %sign3A_41 = arith.constant 0 : i32
      %sign3A_42 = arith.cmpi slt, %jit3A, %sign3A_41 : i32
      %sign3A_43 = arith.extui %sign3A_42 : i1 to i32
      %sign3A_44 = arith.subi %sign3A_40, %sign3A_43 : i32
      %ne3A = arith.cmpi ne, %sign3A_37, %sign3A_44 : i32
      %rem3A = arith.remsi %scan3A_30, %jit3A : i32
      %ne3A_45 = arith.constant 0 : i32
      %ne3A_46 = arith.cmpi ne, %rem3A, %ne3A_45 : i32
      %and3A = arith.andi %ne3A, %ne3A_46 : i1
      %sub3A = arith.constant 1 : i32
      %sub3A_47 = arith.subi %div3A, %sub3A : i32
      %select_n3A = arith.select %and3A, %sub3A_47, %div3A : i32
      %jit3A_48 = arith.constant 8 : i32
      %eq3A_49 = arith.constant 0 : i32
      %eq3A_50 = arith.cmpi eq, %jit3A_48, %eq3A_49 : i32
      %jit3A_51 = arith.constant 1 : i32
      %select_n3A_52 = arith.select %eq3A_50, %jit3A_51, %jit3A_48 : i32
      %rem3A_53 = arith.remsi %scan3A_30, %select_n3A_52 : i32
      %ne3A_54 = arith.constant 0 : i32
      %ne3A_55 = arith.cmpi ne, %rem3A_53, %ne3A_54 : i32
      %lt3A = arith.constant 0 : i32
      %lt3A_56 = arith.cmpi slt, %rem3A_53, %lt3A : i32
      %lt3A_57 = arith.constant 0 : i32
      %lt3A_58 = arith.cmpi slt, %select_n3A_52, %lt3A_57 : i32
      %ne3A_59 = arith.xori %lt3A_56, %lt3A_58 : i1
      %and3A_60 = arith.andi %ne3A_59, %ne3A_55 : i1
      %add3A = arith.addi %rem3A_53, %select_n3A_52 : i32
      %select_n3A_61 = arith.select %and3A_60, %add3A, %rem3A_53 : i32
      %broadcast_in_dim3A = arith.constant 0.000000e+00 : f32
      %broadcast_in_dim3A_62 = vector.broadcast %broadcast_in_dim3A : f32 to vector<16xf32>
      %mul3A_63 = arith.constant 16 : i32
      %mul3A_64 = arith.muli %select_n3A_61, %mul3A_63 : i32
      %swap3A = arith.index_cast %select_n3A : i32 to index
      %swap3A_65 = arith.index_cast %mul3A_64 : i32 to index
      %swap3A_66 = tpu.vector_load %arg8[%swap3A, %swap3A_65] {strides = array<i32>} : memref<128x128xf32, #tpu.memory_space<vmem>>, vector<1x16xf32>,
      %swap3A_67 = vector.shape_cast %swap3A_66 : vector<1x16xf32> to vector<16xf32>
      %swap3A_68 = vector.shape_cast %broadcast_in_dim3A_62 : vector<16xf32> to vector<1x16xf32>
      tpu.vector_store %arg8[%swap3A, %swap3A_65], %swap3A_68 {strides = array<i32>} : memref<128x128xf32, #tpu.memory_space<vmem>>, vector<1x16xf32>,
      %scan3A_69 = arith.constant 0 : i32
      scf.yield %scan3A_69 : i32
    }
    %scan3A_12 = arith.constant 1024 : i32
    %scan3A_13 = arith.constant 0 : i32
    %scan3A_14 = arith.constant 0 : i32
    %scan3A_15 = arith.constant 5 : i32
    %scan3A_16 = arith.addi %scan3A_14, %scan3A_15 : i32
    %scan3A_17 = arith.constant 1 : i32
    %scan3A_18 = scf.for %scan3A_30 = %scan3A_14 to %scan3A_16 step %scan3A_17 iter_args(%scan3A_31 = %scan3A_13) -> (i32)  : i32 {
      %mul3A_32 = arith.constant 640 : i32
      %mul3A_33 = arith.muli %arg1, %mul3A_32 : i32
      %mul3A_34 = arith.constant 128 : i32
      %mul3A_35 = arith.muli %scan3A_30, %mul3A_34 : i32
      %add3A = arith.addi %mul3A_33, %mul3A_35 : i32
      %scan3A_36 = arith.constant 0 : i32
      %scan3A_37 = arith.constant 0 : i32
      %scan3A_38 = arith.constant 8 : i32
      %scan3A_39 = arith.addi %scan3A_37, %scan3A_38 : i32
      %scan3A_40 = arith.constant 1 : i32
      %scan3A_41 = scf.for %scan3A_44 = %scan3A_37 to %scan3A_39 step %scan3A_40 iter_args(%scan3A_45 = %scan3A_36) -> (i32)  : i32 {
        %iota3A = tpu.iota {dimensions = array<i32: 0>} : vector<16xi32>
        %add3A_46 = vector.broadcast %add3A : i32 to vector<16xi32>
        %add3A_47 = arith.addi %iota3A, %add3A_46 : vector<16xi32>
        %mul3A_48 = arith.constant 16 : i32
        %mul3A_49 = arith.muli %scan3A_44, %mul3A_48 : i32
        %add3A_50 = vector.broadcast %mul3A_49 : i32 to vector<16xi32>
        %add3A_51 = arith.addi %add3A_47, %add3A_50 : vector<16xi32>
        %mul3A_52 = arith.constant 16 : i32
        %mul3A_53 = arith.muli %scan3A_44, %mul3A_52 : i32
        %swap3A = arith.index_cast %mul3A_53 : i32 to index
        %swap3A_54 = tpu.vector_load %arg6[%swap3A] {strides = array<i32>} : memref<128xi32, #tpu.memory_space<vmem>>, vector<16xi32>,
        %swap3A_55 = vector.shape_cast %swap3A_54 : vector<16xi32> to vector<16xi32>
        %swap3A_56 = vector.shape_cast %add3A_51 : vector<16xi32> to vector<16xi32>
        tpu.vector_store %arg6[%swap3A], %swap3A_56 {strides = array<i32>} : memref<128xi32, #tpu.memory_space<vmem>>, vector<16xi32>,
        %scan3A_57 = arith.constant 0 : i32
        scf.yield %scan3A_57 : i32
      }
      %scan3A_42 = arith.constant 8 : i32
      "tpu.region"() ({
        %run_scoped3A = tpu.sem_alloc : memref<!tpu.dma_semaphore, #tpu.memory_space<semaphore_mem>>
        %dma_start3A = arith.constant 0 : i32
        %dma_start3A_44 = arith.constant 0 : i32
        %dma_start3A_45 = tpu.memref_slice %arg9[%dma_start3A, %dma_start3A_44] : memref<10240x128xf32, #tpu.memory_space<vmem_shared>> -> memref<10240x128xf32, #tpu.memory_space<vmem_shared>>
        tpu.enqueue_indirect_dma source(%arg8 : memref<128x128xf32, #tpu.memory_space<vmem>>) target(%dma_start3A_45 : memref<10240x128xf32, #tpu.memory_space<vmem_shared>>) offsets(%arg6 : memref<128xi32, #tpu.memory_space<vmem>>) semaphore(%run_scoped3A : memref<!tpu.dma_semaphore, #tpu.memory_space<semaphore_mem>>)
        %dma_wait3A = arith.constant 0 : i32
        %dma_wait3A_46 = arith.constant 0 : i32
        %dma_wait3A_47 = tpu.memref_slice %arg9[%dma_wait3A, %dma_wait3A_46] : memref<10240x128xf32, #tpu.memory_space<vmem_shared>> -> memref<10240x128xf32, #tpu.memory_space<vmem_shared>>
        tpu.wait_indirect_dma semaphore(%run_scoped3A : memref<!tpu.dma_semaphore, #tpu.memory_space<semaphore_mem>>) src(%arg8 : memref<128x128xf32, #tpu.memory_space<vmem>>) dst(%dma_wait3A_47 : memref<10240x128xf32, #tpu.memory_space<vmem_shared>>)
        tpu.yield
      }) : () -> ()
      %scan3A_43 = arith.constant 0 : i32
      scf.yield %scan3A_43 : i32
    }
    %scan3A_19 = arith.constant 5 : i32
    %barrier3A = arith.constant 0 : index
    tpu.barrier barrier_id(%barrier3A)
    %mul3A = arith.constant 158 : i32
    %mul3A_20 = arith.muli %arg1, %mul3A : i32
    %mul3A_21 = arith.constant 128 : i32
    %mul3A_22 = arith.muli %mul3A_20, %mul3A_21 : i32
    %eq3A = arith.constant 0 : i32
    %eq3A_23 = arith.cmpi eq, %arg0, %eq3A : i32
    %convert_element_type3A = arith.extui %eq3A_23 : i1 to i32
    %cond3A = arith.constant 0 : i32
    %cond3A_24 = arith.cmpi ne, %convert_element_type3A, %cond3A : i32
    scf.if %cond3A_24 {
      %scan3A_30 = arith.constant 0 : i32
      %scan3A_31 = arith.constant 0 : i32
      %scan3A_32 = arith.constant 158 : i32
      %scan3A_33 = arith.addi %scan3A_31, %scan3A_32 : i32
      %scan3A_34 = arith.constant 1 : i32
      %scan3A_35 = scf.for %scan3A_45 = %scan3A_31 to %scan3A_33 step %scan3A_34 iter_args(%scan3A_46 = %scan3A_30) -> (i32)  : i32 {
        %mul3A_47 = arith.constant 128 : i32
        %mul3A_48 = arith.muli %scan3A_45, %mul3A_47 : i32
        %add3A = arith.addi %mul3A_22, %mul3A_48 : i32
        "tpu.region"() ({
          %run_scoped3A = tpu.sem_alloc : memref<!tpu.dma_semaphore, #tpu.memory_space<semaphore_mem>>
          %dma_start3A = tpu.memref_slice %arg2[%add3A] : memref<323584xi32, #tpu.memory_space<hbm>> -> memref<128xi32, #tpu.memory_space<hbm>>
          %dma_start3A_50 = tpu.memref_slice %arg2[%add3A] : memref<323584xi32, #tpu.memory_space<hbm>> -> memref<128xi32, #tpu.memory_space<hbm>>
          tpu.enqueue_dma source(%dma_start3A_50 : memref<128xi32, #tpu.memory_space<hbm>>) target(%arg6 : memref<128xi32, #tpu.memory_space<vmem>>) target_semaphore(%run_scoped3A : memref<!tpu.dma_semaphore, #tpu.memory_space<semaphore_mem>>)
          %dma_wait3A = tpu.memref_slice %arg2[%add3A] : memref<323584xi32, #tpu.memory_space<hbm>> -> memref<128xi32, #tpu.memory_space<hbm>>
          %dma_wait3A_51 = tpu.memref_slice %arg2[%add3A] : memref<323584xi32, #tpu.memory_space<hbm>> -> memref<128xi32, #tpu.memory_space<hbm>>
          tpu.wait_dma2 semaphore(%run_scoped3A : memref<!tpu.dma_semaphore, #tpu.memory_space<semaphore_mem>>) src(%dma_wait3A_51 : memref<128xi32, #tpu.memory_space<hbm>>) dst(%arg6 : memref<128xi32, #tpu.memory_space<vmem>>)
          tpu.yield
        }) : () -> ()
        "tpu.region"() ({
          %run_scoped3A = tpu.sem_alloc : memref<!tpu.dma_semaphore, #tpu.memory_space<semaphore_mem>>
          %dma_start3A = arith.constant 0 : i32
          %dma_start3A_50 = arith.constant 0 : i32
          %dma_start3A_51 = tpu.memref_slice %arg9[%dma_start3A, %dma_start3A_50] : memref<10240x128xf32, #tpu.memory_space<vmem_shared>> -> memref<10240x128xf32, #tpu.memory_space<vmem_shared>>
          tpu.enqueue_indirect_dma source(%arg7 : memref<128x128xf32, #tpu.memory_space<vmem>>) target(%dma_start3A_51 : memref<10240x128xf32, #tpu.memory_space<vmem_shared>>) offsets(%arg6 : memref<128xi32, #tpu.memory_space<vmem>>) semaphore(%run_scoped3A : memref<!tpu.dma_semaphore, #tpu.memory_space<semaphore_mem>>) {add = true}
          %dma_wait3A = arith.constant 0 : i32
          %dma_wait3A_52 = arith.constant 0 : i32
          %dma_wait3A_53 = tpu.memref_slice %arg9[%dma_wait3A, %dma_wait3A_52] : memref<10240x128xf32, #tpu.memory_space<vmem_shared>> -> memref<10240x128xf32, #tpu.memory_space<vmem_shared>>
          tpu.wait_indirect_dma semaphore(%run_scoped3A : memref<!tpu.dma_semaphore, #tpu.memory_space<semaphore_mem>>) src(%arg7 : memref<128x128xf32, #tpu.memory_space<vmem>>) dst(%dma_wait3A_53 : memref<10240x128xf32, #tpu.memory_space<vmem_shared>>)
          tpu.yield
        }) : () -> ()
        %scan3A_49 = arith.constant 0 : i32
        scf.yield %scan3A_49 : i32
      }
      %scan3A_36 = arith.constant 158 : i32
      %barrier3A_37 = arith.constant 0 : index
      tpu.barrier barrier_id(%barrier3A_37)
      %scan3A_38 = arith.constant 0 : i32
      %scan3A_39 = arith.constant 0 : i32
      %scan3A_40 = arith.constant 5 : i32
      %scan3A_41 = arith.addi %scan3A_39, %scan3A_40 : i32
      %scan3A_42 = arith.constant 1 : i32
      %scan3A_43 = scf.for %scan3A_45 = %scan3A_39 to %scan3A_41 step %scan3A_42 iter_args(%scan3A_46 = %scan3A_38) -> (i32)  : i32 {
        %mul3A_47 = arith.constant 640 : i32
        %mul3A_48 = arith.muli %arg1, %mul3A_47 : i32
        %mul3A_49 = arith.constant 128 : i32
        %mul3A_50 = arith.muli %scan3A_45, %mul3A_49 : i32
        %add3A = arith.addi %mul3A_48, %mul3A_50 : i32
        %scan3A_51 = arith.constant 0 : i32
        %scan3A_52 = arith.constant 0 : i32
        %scan3A_53 = arith.constant 8 : i32
        %scan3A_54 = arith.addi %scan3A_52, %scan3A_53 : i32
        %scan3A_55 = arith.constant 1 : i32
        %scan3A_56 = scf.for %scan3A_63 = %scan3A_52 to %scan3A_54 step %scan3A_55 iter_args(%scan3A_64 = %scan3A_51) -> (i32)  : i32 {
          %iota3A = tpu.iota {dimensions = array<i32: 0>} : vector<16xi32>
          %add3A_65 = vector.broadcast %add3A : i32 to vector<16xi32>
          %add3A_66 = arith.addi %iota3A, %add3A_65 : vector<16xi32>
          %mul3A_67 = arith.constant 16 : i32
          %mul3A_68 = arith.muli %scan3A_63, %mul3A_67 : i32
          %add3A_69 = vector.broadcast %mul3A_68 : i32 to vector<16xi32>
          %add3A_70 = arith.addi %add3A_66, %add3A_69 : vector<16xi32>
          %mul3A_71 = arith.constant 16 : i32
          %mul3A_72 = arith.muli %scan3A_63, %mul3A_71 : i32
          %swap3A = arith.index_cast %mul3A_72 : i32 to index
          %swap3A_73 = tpu.vector_load %arg6[%swap3A] {strides = array<i32>} : memref<128xi32, #tpu.memory_space<vmem>>, vector<16xi32>,
          %swap3A_74 = vector.shape_cast %swap3A_73 : vector<16xi32> to vector<16xi32>
          %swap3A_75 = vector.shape_cast %add3A_70 : vector<16xi32> to vector<16xi32>
          tpu.vector_store %arg6[%swap3A], %swap3A_75 {strides = array<i32>} : memref<128xi32, #tpu.memory_space<vmem>>, vector<16xi32>,
          %scan3A_76 = arith.constant 0 : i32
          scf.yield %scan3A_76 : i32
        }
        %scan3A_57 = arith.constant 8 : i32
        %dma_start3A = arith.constant 0 : i32
        %dma_start3A_58 = arith.constant 0 : i32
        %dma_start3A_59 = tpu.memref_slice %arg9[%dma_start3A, %dma_start3A_58] : memref<10240x128xf32, #tpu.memory_space<vmem_shared>> -> memref<10240x128xf32, #tpu.memory_space<vmem_shared>>
        tpu.enqueue_indirect_dma source(%dma_start3A_59 : memref<10240x128xf32, #tpu.memory_space<vmem_shared>>) target(%arg8 : memref<128x128xf32, #tpu.memory_space<vmem>>) offsets(%arg6 : memref<128xi32, #tpu.memory_space<vmem>>) semaphore(%arg10 : memref<!tpu.dma_semaphore, #tpu.memory_space<semaphore_mem>>)
        %dma_wait3A = arith.constant 0 : i32
        %dma_wait3A_60 = arith.constant 0 : i32
        %dma_wait3A_61 = tpu.memref_slice %arg9[%dma_wait3A, %dma_wait3A_60] : memref<10240x128xf32, #tpu.memory_space<vmem_shared>> -> memref<10240x128xf32, #tpu.memory_space<vmem_shared>>
        tpu.wait_indirect_dma semaphore(%arg10 : memref<!tpu.dma_semaphore, #tpu.memory_space<semaphore_mem>>) src(%dma_wait3A_61 : memref<10240x128xf32, #tpu.memory_space<vmem_shared>>) dst(%arg8 : memref<128x128xf32, #tpu.memory_space<vmem>>)
        "tpu.region"() ({
          %run_scoped3A = tpu.sem_alloc : memref<!tpu.dma_semaphore, #tpu.memory_space<semaphore_mem>>
          %dma_start3A_63 = arith.constant 0 : i32
          %dma_start3A_64 = tpu.memref_slice %arg4[%add3A, %dma_start3A_63] : memref<10240x128xf32, #tpu.memory_space<hbm>> -> memref<128x128xf32, #tpu.memory_space<hbm>>
          %dma_start3A_65 = arith.constant 0 : i32
          %dma_start3A_66 = tpu.memref_slice %arg4[%add3A, %dma_start3A_65] : memref<10240x128xf32, #tpu.memory_space<hbm>> -> memref<128x128xf32, #tpu.memory_space<hbm>>
          tpu.enqueue_dma source(%arg8 : memref<128x128xf32, #tpu.memory_space<vmem>>) target(%dma_start3A_66 : memref<128x128xf32, #tpu.memory_space<hbm>>) target_semaphore(%run_scoped3A : memref<!tpu.dma_semaphore, #tpu.memory_space<semaphore_mem>>)
          %dma_wait3A_67 = arith.constant 0 : i32
          %dma_wait3A_68 = tpu.memref_slice %arg4[%add3A, %dma_wait3A_67] : memref<10240x128xf32, #tpu.memory_space<hbm>> -> memref<128x128xf32, #tpu.memory_space<hbm>>
          %dma_wait3A_69 = arith.constant 0 : i32
          %dma_wait3A_70 = tpu.memref_slice %arg4[%add3A, %dma_wait3A_69] : memref<10240x128xf32, #tpu.memory_space<hbm>> -> memref<128x128xf32, #tpu.memory_space<hbm>>
          tpu.wait_dma2 semaphore(%run_scoped3A : memref<!tpu.dma_semaphore, #tpu.memory_space<semaphore_mem>>) src(%arg8 : memref<128x128xf32, #tpu.memory_space<vmem>>) dst(%dma_wait3A_70 : memref<128x128xf32, #tpu.memory_space<hbm>>)
          tpu.yield
        }) : () -> ()
        %scan3A_62 = arith.constant 0 : i32
        scf.yield %scan3A_62 : i32
      }
      %scan3A_44 = arith.constant 5 : i32
    } else {
    }
    %eq3A_25 = arith.constant 1 : i32
    %eq3A_26 = arith.cmpi eq, %arg0, %eq3A_25 : i32
    %convert_element_type3A_27 = arith.extui %eq3A_26 : i1 to i32
    %cond3A_28 = arith.constant 0 : i32
    %cond3A_29 = arith.cmpi ne, %convert_element_type3A_27, %cond3A_28 : i32
    scf.if %cond3A_29 {
      %scan3A_30 = arith.constant 0 : i32
      %scan3A_31 = arith.constant 0 : i32
      %scan3A_32 = arith.constant 158 : i32
      %scan3A_33 = arith.addi %scan3A_31, %scan3A_32 : i32
      %scan3A_34 = arith.constant 1 : i32
      %scan3A_35 = scf.for %scan3A_45 = %scan3A_31 to %scan3A_33 step %scan3A_34 iter_args(%scan3A_46 = %scan3A_30) -> (i32)  : i32 {
        %mul3A_47 = arith.constant 128 : i32
        %mul3A_48 = arith.muli %scan3A_45, %mul3A_47 : i32
        %add3A = arith.addi %mul3A_22, %mul3A_48 : i32
        "tpu.region"() ({
          %run_scoped3A = tpu.sem_alloc : memref<!tpu.dma_semaphore, #tpu.memory_space<semaphore_mem>>
          %dma_start3A = tpu.memref_slice %arg3[%add3A] : memref<323584xi32, #tpu.memory_space<hbm>> -> memref<128xi32, #tpu.memory_space<hbm>>
          %dma_start3A_50 = tpu.memref_slice %arg3[%add3A] : memref<323584xi32, #tpu.memory_space<hbm>> -> memref<128xi32, #tpu.memory_space<hbm>>
          tpu.enqueue_dma source(%dma_start3A_50 : memref<128xi32, #tpu.memory_space<hbm>>) target(%arg6 : memref<128xi32, #tpu.memory_space<vmem>>) target_semaphore(%run_scoped3A : memref<!tpu.dma_semaphore, #tpu.memory_space<semaphore_mem>>)
          %dma_wait3A = tpu.memref_slice %arg3[%add3A] : memref<323584xi32, #tpu.memory_space<hbm>> -> memref<128xi32, #tpu.memory_space<hbm>>
          %dma_wait3A_51 = tpu.memref_slice %arg3[%add3A] : memref<323584xi32, #tpu.memory_space<hbm>> -> memref<128xi32, #tpu.memory_space<hbm>>
          tpu.wait_dma2 semaphore(%run_scoped3A : memref<!tpu.dma_semaphore, #tpu.memory_space<semaphore_mem>>) src(%dma_wait3A_51 : memref<128xi32, #tpu.memory_space<hbm>>) dst(%arg6 : memref<128xi32, #tpu.memory_space<vmem>>)
          tpu.yield
        }) : () -> ()
        "tpu.region"() ({
          %run_scoped3A = tpu.sem_alloc : memref<!tpu.dma_semaphore, #tpu.memory_space<semaphore_mem>>
          %dma_start3A = arith.constant 0 : i32
          %dma_start3A_50 = arith.constant 0 : i32
          %dma_start3A_51 = tpu.memref_slice %arg9[%dma_start3A, %dma_start3A_50] : memref<10240x128xf32, #tpu.memory_space<vmem_shared>> -> memref<10240x128xf32, #tpu.memory_space<vmem_shared>>
          tpu.enqueue_indirect_dma source(%arg7 : memref<128x128xf32, #tpu.memory_space<vmem>>) target(%dma_start3A_51 : memref<10240x128xf32, #tpu.memory_space<vmem_shared>>) offsets(%arg6 : memref<128xi32, #tpu.memory_space<vmem>>) semaphore(%run_scoped3A : memref<!tpu.dma_semaphore, #tpu.memory_space<semaphore_mem>>) {add = true}
          %dma_wait3A = arith.constant 0 : i32
          %dma_wait3A_52 = arith.constant 0 : i32
          %dma_wait3A_53 = tpu.memref_slice %arg9[%dma_wait3A, %dma_wait3A_52] : memref<10240x128xf32, #tpu.memory_space<vmem_shared>> -> memref<10240x128xf32, #tpu.memory_space<vmem_shared>>
          tpu.wait_indirect_dma semaphore(%run_scoped3A : memref<!tpu.dma_semaphore, #tpu.memory_space<semaphore_mem>>) src(%arg7 : memref<128x128xf32, #tpu.memory_space<vmem>>) dst(%dma_wait3A_53 : memref<10240x128xf32, #tpu.memory_space<vmem_shared>>)
          tpu.yield
        }) : () -> ()
        %scan3A_49 = arith.constant 0 : i32
        scf.yield %scan3A_49 : i32
      }
      %scan3A_36 = arith.constant 158 : i32
      %barrier3A_37 = arith.constant 0 : index
      tpu.barrier barrier_id(%barrier3A_37)
      %scan3A_38 = arith.constant 0 : i32
      %scan3A_39 = arith.constant 0 : i32
      %scan3A_40 = arith.constant 5 : i32
      %scan3A_41 = arith.addi %scan3A_39, %scan3A_40 : i32
      %scan3A_42 = arith.constant 1 : i32
      %scan3A_43 = scf.for %scan3A_45 = %scan3A_39 to %scan3A_41 step %scan3A_42 iter_args(%scan3A_46 = %scan3A_38) -> (i32)  : i32 {
        %mul3A_47 = arith.constant 640 : i32
        %mul3A_48 = arith.muli %arg1, %mul3A_47 : i32
        %mul3A_49 = arith.constant 128 : i32
        %mul3A_50 = arith.muli %scan3A_45, %mul3A_49 : i32
        %add3A = arith.addi %mul3A_48, %mul3A_50 : i32
        %scan3A_51 = arith.constant 0 : i32
        %scan3A_52 = arith.constant 0 : i32
        %scan3A_53 = arith.constant 8 : i32
        %scan3A_54 = arith.addi %scan3A_52, %scan3A_53 : i32
        %scan3A_55 = arith.constant 1 : i32
        %scan3A_56 = scf.for %scan3A_63 = %scan3A_52 to %scan3A_54 step %scan3A_55 iter_args(%scan3A_64 = %scan3A_51) -> (i32)  : i32 {
          %iota3A = tpu.iota {dimensions = array<i32: 0>} : vector<16xi32>
          %add3A_65 = vector.broadcast %add3A : i32 to vector<16xi32>
          %add3A_66 = arith.addi %iota3A, %add3A_65 : vector<16xi32>
          %mul3A_67 = arith.constant 16 : i32
          %mul3A_68 = arith.muli %scan3A_63, %mul3A_67 : i32
          %add3A_69 = vector.broadcast %mul3A_68 : i32 to vector<16xi32>
          %add3A_70 = arith.addi %add3A_66, %add3A_69 : vector<16xi32>
          %mul3A_71 = arith.constant 16 : i32
          %mul3A_72 = arith.muli %scan3A_63, %mul3A_71 : i32
          %swap3A = arith.index_cast %mul3A_72 : i32 to index
          %swap3A_73 = tpu.vector_load %arg6[%swap3A] {strides = array<i32>} : memref<128xi32, #tpu.memory_space<vmem>>, vector<16xi32>,
          %swap3A_74 = vector.shape_cast %swap3A_73 : vector<16xi32> to vector<16xi32>
          %swap3A_75 = vector.shape_cast %add3A_70 : vector<16xi32> to vector<16xi32>
          tpu.vector_store %arg6[%swap3A], %swap3A_75 {strides = array<i32>} : memref<128xi32, #tpu.memory_space<vmem>>, vector<16xi32>,
          %scan3A_76 = arith.constant 0 : i32
          scf.yield %scan3A_76 : i32
        }
        %scan3A_57 = arith.constant 8 : i32
        %dma_start3A = arith.constant 0 : i32
        %dma_start3A_58 = arith.constant 0 : i32
        %dma_start3A_59 = tpu.memref_slice %arg9[%dma_start3A, %dma_start3A_58] : memref<10240x128xf32, #tpu.memory_space<vmem_shared>> -> memref<10240x128xf32, #tpu.memory_space<vmem_shared>>
        tpu.enqueue_indirect_dma source(%dma_start3A_59 : memref<10240x128xf32, #tpu.memory_space<vmem_shared>>) target(%arg8 : memref<128x128xf32, #tpu.memory_space<vmem>>) offsets(%arg6 : memref<128xi32, #tpu.memory_space<vmem>>) semaphore(%arg10 : memref<!tpu.dma_semaphore, #tpu.memory_space<semaphore_mem>>)
        %dma_wait3A = arith.constant 0 : i32
        %dma_wait3A_60 = arith.constant 0 : i32
        %dma_wait3A_61 = tpu.memref_slice %arg9[%dma_wait3A, %dma_wait3A_60] : memref<10240x128xf32, #tpu.memory_space<vmem_shared>> -> memref<10240x128xf32, #tpu.memory_space<vmem_shared>>
        tpu.wait_indirect_dma semaphore(%arg10 : memref<!tpu.dma_semaphore, #tpu.memory_space<semaphore_mem>>) src(%dma_wait3A_61 : memref<10240x128xf32, #tpu.memory_space<vmem_shared>>) dst(%arg8 : memref<128x128xf32, #tpu.memory_space<vmem>>)
        "tpu.region"() ({
          %run_scoped3A = tpu.sem_alloc : memref<!tpu.dma_semaphore, #tpu.memory_space<semaphore_mem>>
          %dma_start3A_63 = arith.constant 0 : i32
          %dma_start3A_64 = tpu.memref_slice %arg5[%add3A, %dma_start3A_63] : memref<10240x128xf32, #tpu.memory_space<hbm>> -> memref<128x128xf32, #tpu.memory_space<hbm>>
          %dma_start3A_65 = arith.constant 0 : i32
          %dma_start3A_66 = tpu.memref_slice %arg5[%add3A, %dma_start3A_65] : memref<10240x128xf32, #tpu.memory_space<hbm>> -> memref<128x128xf32, #tpu.memory_space<hbm>>
          tpu.enqueue_dma source(%arg8 : memref<128x128xf32, #tpu.memory_space<vmem>>) target(%dma_start3A_66 : memref<128x128xf32, #tpu.memory_space<hbm>>) target_semaphore(%run_scoped3A : memref<!tpu.dma_semaphore, #tpu.memory_space<semaphore_mem>>)
          %dma_wait3A_67 = arith.constant 0 : i32
          %dma_wait3A_68 = tpu.memref_slice %arg5[%add3A, %dma_wait3A_67] : memref<10240x128xf32, #tpu.memory_space<hbm>> -> memref<128x128xf32, #tpu.memory_space<hbm>>
          %dma_wait3A_69 = arith.constant 0 : i32
          %dma_wait3A_70 = tpu.memref_slice %arg5[%add3A, %dma_wait3A_69] : memref<10240x128xf32, #tpu.memory_space<hbm>> -> memref<128x128xf32, #tpu.memory_space<hbm>>
          tpu.wait_dma2 semaphore(%run_scoped3A : memref<!tpu.dma_semaphore, #tpu.memory_space<semaphore_mem>>) src(%arg8 : memref<128x128xf32, #tpu.memory_space<vmem>>) dst(%dma_wait3A_70 : memref<128x128xf32, #tpu.memory_space<hbm>>)
          tpu.yield
        }) : () -> ()
        %scan3A_62 = arith.constant 0 : i32
        scf.yield %scan3A_62 : i32
      }
      %scan3A_44 = arith.constant 5 : i32
    } else {
    }
    return
  }
}

#map = affine_map<(d0, d1) -> (0, 0)>
#map1 = affine_map<(d0, d1) -> (0)>
module attributes {stable_mosaic.version = 14 : i64} {
  func.func @body(%arg0: i32, %arg1: i32, %arg2: memref<10240x128xf32, #tpu.memory_space<hbm>>, %arg3: memref<10240x128xf32, #tpu.memory_space<hbm>>, %arg4: memref<323584xi32, #tpu.memory_space<hbm>>, %arg5: memref<323584xi32, #tpu.memory_space<hbm>>, %arg6: memref<323584xi32, #tpu.memory_space<hbm>>, %arg7: memref<10240x128xf32, #tpu.memory_space<hbm>>, %arg8: memref<10240x128xf32, #tpu.memory_space<hbm>>, %arg9: memref<128xi32, #tpu.memory_space<vmem>>, %arg10: memref<128xi32, #tpu.memory_space<vmem>>, %arg11: memref<128xi32, #tpu.memory_space<vmem>>, %arg12: memref<128xi32, #tpu.memory_space<vmem>>, %arg13: memref<128xi32, #tpu.memory_space<vmem>>, %arg14: memref<128x128xf32, #tpu.memory_space<vmem>>, %arg15: memref<128x128xf32, #tpu.memory_space<vmem>>, %arg16: memref<10240x128xf32, #tpu.memory_space<vmem_shared>>, %arg17: memref<!tpu.dma_semaphore, #tpu.memory_space<semaphore_mem>>, %arg18: memref<!tpu.dma_semaphore, #tpu.memory_space<semaphore_mem>>) attributes {dimension_semantics = [#tpu.dimension_semantics<core_parallel>, #tpu.dimension_semantics<subcore_parallel>], iteration_bounds = array<i64: 2, 16>, scalar_prefetch = 0 : i64, scratch_operands = 10 : i64, tpu.core_type = #tpu.core_type<sc_vector_subcore>, window_params = [{transform_indices = #map}, {transform_indices = #map}, {transform_indices = #map1}, {transform_indices = #map1}, {transform_indices = #map1}, {transform_indices = #map}, {transform_indices = #map}]} {
    %scan3A = arith.constant 0 : i32
    %scan3A_0 = arith.constant 0 : i32
    %scan3A_1 = arith.constant 1024 : i32
    %scan3A_2 = arith.addi %scan3A_0, %scan3A_1 : i32
    %scan3A_3 = arith.constant 1 : i32
    %scan3A_4 = scf.for %scan3A_23 = %scan3A_0 to %scan3A_2 step %scan3A_3 iter_args(%scan3A_24 = %scan3A) -> (i32)  : i32 {
      %jit3A = arith.constant 8 : i32
      %div3A = arith.divsi %scan3A_23, %jit3A : i32
      %sign3A = arith.constant 0 : i32
      %sign3A_25 = arith.cmpi sgt, %scan3A_23, %sign3A : i32
      %sign3A_26 = arith.extui %sign3A_25 : i1 to i32
      %sign3A_27 = arith.constant 0 : i32
      %sign3A_28 = arith.cmpi slt, %scan3A_23, %sign3A_27 : i32
      %sign3A_29 = arith.extui %sign3A_28 : i1 to i32
      %sign3A_30 = arith.subi %sign3A_26, %sign3A_29 : i32
      %sign3A_31 = arith.constant 0 : i32
      %sign3A_32 = arith.cmpi sgt, %jit3A, %sign3A_31 : i32
      %sign3A_33 = arith.extui %sign3A_32 : i1 to i32
      %sign3A_34 = arith.constant 0 : i32
      %sign3A_35 = arith.cmpi slt, %jit3A, %sign3A_34 : i32
      %sign3A_36 = arith.extui %sign3A_35 : i1 to i32
      %sign3A_37 = arith.subi %sign3A_33, %sign3A_36 : i32
      %ne3A = arith.cmpi ne, %sign3A_30, %sign3A_37 : i32
      %rem3A = arith.remsi %scan3A_23, %jit3A : i32
      %ne3A_38 = arith.constant 0 : i32
      %ne3A_39 = arith.cmpi ne, %rem3A, %ne3A_38 : i32
      %and3A = arith.andi %ne3A, %ne3A_39 : i1
      %sub3A = arith.constant 1 : i32
      %sub3A_40 = arith.subi %div3A, %sub3A : i32
      %select_n3A = arith.select %and3A, %sub3A_40, %div3A : i32
      %jit3A_41 = arith.constant 8 : i32
      %eq3A_42 = arith.constant 0 : i32
      %eq3A_43 = arith.cmpi eq, %jit3A_41, %eq3A_42 : i32
      %jit3A_44 = arith.constant 1 : i32
      %select_n3A_45 = arith.select %eq3A_43, %jit3A_44, %jit3A_41 : i32
      %rem3A_46 = arith.remsi %scan3A_23, %select_n3A_45 : i32
      %ne3A_47 = arith.constant 0 : i32
      %ne3A_48 = arith.cmpi ne, %rem3A_46, %ne3A_47 : i32
      %lt3A = arith.constant 0 : i32
      %lt3A_49 = arith.cmpi slt, %rem3A_46, %lt3A : i32
      %lt3A_50 = arith.constant 0 : i32
      %lt3A_51 = arith.cmpi slt, %select_n3A_45, %lt3A_50 : i32
      %ne3A_52 = arith.xori %lt3A_49, %lt3A_51 : i1
      %and3A_53 = arith.andi %ne3A_52, %ne3A_48 : i1
      %add3A = arith.addi %rem3A_46, %select_n3A_45 : i32
      %select_n3A_54 = arith.select %and3A_53, %add3A, %rem3A_46 : i32
      %broadcast_in_dim3A = arith.constant 0.000000e+00 : f32
      %broadcast_in_dim3A_55 = vector.broadcast %broadcast_in_dim3A : f32 to vector<16xf32>
      %mul3A_56 = arith.constant 16 : i32
      %mul3A_57 = arith.muli %select_n3A_54, %mul3A_56 : i32
      %swap3A = arith.index_cast %select_n3A : i32 to index
      %swap3A_58 = arith.index_cast %mul3A_57 : i32 to index
      %swap3A_59 = tpu.vector_load %arg14[%swap3A, %swap3A_58] {strides = array<i32>} : memref<128x128xf32, #tpu.memory_space<vmem>>, vector<1x16xf32>,
      %swap3A_60 = vector.shape_cast %swap3A_59 : vector<1x16xf32> to vector<16xf32>
      %swap3A_61 = vector.shape_cast %broadcast_in_dim3A_55 : vector<16xf32> to vector<1x16xf32>
      tpu.vector_store %arg14[%swap3A, %swap3A_58], %swap3A_61 {strides = array<i32>} : memref<128x128xf32, #tpu.memory_space<vmem>>, vector<1x16xf32>,
      %scan3A_62 = arith.constant 0 : i32
      scf.yield %scan3A_62 : i32
    }
    %scan3A_5 = arith.constant 1024 : i32
    %scan3A_6 = arith.constant 0 : i32
    %scan3A_7 = arith.constant 0 : i32
    %scan3A_8 = arith.constant 5 : i32
    %scan3A_9 = arith.addi %scan3A_7, %scan3A_8 : i32
    %scan3A_10 = arith.constant 1 : i32
    %scan3A_11 = scf.for %scan3A_23 = %scan3A_7 to %scan3A_9 step %scan3A_10 iter_args(%scan3A_24 = %scan3A_6) -> (i32)  : i32 {
      %mul3A_25 = arith.constant 640 : i32
      %mul3A_26 = arith.muli %arg1, %mul3A_25 : i32
      %mul3A_27 = arith.constant 128 : i32
      %mul3A_28 = arith.muli %scan3A_23, %mul3A_27 : i32
      %add3A = arith.addi %mul3A_26, %mul3A_28 : i32
      %scan3A_29 = arith.constant 0 : i32
      %scan3A_30 = arith.constant 0 : i32
      %scan3A_31 = arith.constant 8 : i32
      %scan3A_32 = arith.addi %scan3A_30, %scan3A_31 : i32
      %scan3A_33 = arith.constant 1 : i32
      %scan3A_34 = scf.for %scan3A_37 = %scan3A_30 to %scan3A_32 step %scan3A_33 iter_args(%scan3A_38 = %scan3A_29) -> (i32)  : i32 {
        %iota3A = tpu.iota {dimensions = array<i32: 0>} : vector<16xi32>
        %add3A_39 = vector.broadcast %add3A : i32 to vector<16xi32>
        %add3A_40 = arith.addi %iota3A, %add3A_39 : vector<16xi32>
        %mul3A_41 = arith.constant 16 : i32
        %mul3A_42 = arith.muli %scan3A_37, %mul3A_41 : i32
        %add3A_43 = vector.broadcast %mul3A_42 : i32 to vector<16xi32>
        %add3A_44 = arith.addi %add3A_40, %add3A_43 : vector<16xi32>
        %mul3A_45 = arith.constant 16 : i32
        %mul3A_46 = arith.muli %scan3A_37, %mul3A_45 : i32
        %swap3A = arith.index_cast %mul3A_46 : i32 to index
        %swap3A_47 = tpu.vector_load %arg13[%swap3A] {strides = array<i32>} : memref<128xi32, #tpu.memory_space<vmem>>, vector<16xi32>,
        %swap3A_48 = vector.shape_cast %swap3A_47 : vector<16xi32> to vector<16xi32>
        %swap3A_49 = vector.shape_cast %add3A_44 : vector<16xi32> to vector<16xi32>
        tpu.vector_store %arg13[%swap3A], %swap3A_49 {strides = array<i32>} : memref<128xi32, #tpu.memory_space<vmem>>, vector<16xi32>,
        %scan3A_50 = arith.constant 0 : i32
        scf.yield %scan3A_50 : i32
      }
      %scan3A_35 = arith.constant 8 : i32
      "tpu.region"() ({
        %run_scoped3A = tpu.sem_alloc : memref<!tpu.dma_semaphore, #tpu.memory_space<semaphore_mem>>
        %dma_start3A = arith.constant 0 : i32
        %dma_start3A_37 = arith.constant 0 : i32
        %dma_start3A_38 = tpu.memref_slice %arg16[%dma_start3A, %dma_start3A_37] : memref<10240x128xf32, #tpu.memory_space<vmem_shared>> -> memref<10240x128xf32, #tpu.memory_space<vmem_shared>>
        tpu.enqueue_indirect_dma source(%arg14 : memref<128x128xf32, #tpu.memory_space<vmem>>) target(%dma_start3A_38 : memref<10240x128xf32, #tpu.memory_space<vmem_shared>>) offsets(%arg13 : memref<128xi32, #tpu.memory_space<vmem>>) semaphore(%run_scoped3A : memref<!tpu.dma_semaphore, #tpu.memory_space<semaphore_mem>>)
        %dma_wait3A = arith.constant 0 : i32
        %dma_wait3A_39 = arith.constant 0 : i32
        %dma_wait3A_40 = tpu.memref_slice %arg16[%dma_wait3A, %dma_wait3A_39] : memref<10240x128xf32, #tpu.memory_space<vmem_shared>> -> memref<10240x128xf32, #tpu.memory_space<vmem_shared>>
        tpu.wait_indirect_dma semaphore(%run_scoped3A : memref<!tpu.dma_semaphore, #tpu.memory_space<semaphore_mem>>) src(%arg14 : memref<128x128xf32, #tpu.memory_space<vmem>>) dst(%dma_wait3A_40 : memref<10240x128xf32, #tpu.memory_space<vmem_shared>>)
        tpu.yield
      }) : () -> ()
      %scan3A_36 = arith.constant 0 : i32
      scf.yield %scan3A_36 : i32
    }
    %scan3A_12 = arith.constant 5 : i32
    %barrier3A = arith.constant 0 : index
    tpu.barrier barrier_id(%barrier3A)
    %mul3A = arith.constant 158 : i32
    %mul3A_13 = arith.muli %arg1, %mul3A : i32
    %mul3A_14 = arith.constant 128 : i32
    %mul3A_15 = arith.muli %mul3A_13, %mul3A_14 : i32
    %eq3A = arith.constant 0 : i32
    %eq3A_16 = arith.cmpi eq, %arg0, %eq3A : i32
    %convert_element_type3A = arith.extui %eq3A_16 : i1 to i32
    %cond3A = arith.constant 0 : i32
    %cond3A_17 = arith.cmpi ne, %convert_element_type3A, %cond3A : i32
    scf.if %cond3A_17 {
      %scan3A_23 = arith.constant 0 : i32
      %scan3A_24 = arith.constant 0 : i32
      %scan3A_25 = arith.constant 79 : i32
      %scan3A_26 = arith.addi %scan3A_24, %scan3A_25 : i32
      %scan3A_27 = arith.constant 1 : i32
      %scan3A_28 = scf.for %scan3A_38 = %scan3A_24 to %scan3A_26 step %scan3A_27 iter_args(%scan3A_39 = %scan3A_23) -> (i32)  : i32 {
        %mul3A_40 = arith.constant 2 : i32
        %mul3A_41 = arith.muli %scan3A_38, %mul3A_40 : i32
        %add3A = arith.constant 0 : i32
        %add3A_42 = arith.addi %mul3A_41, %add3A : i32
        %mul3A_43 = arith.constant 128 : i32
        %mul3A_44 = arith.muli %add3A_42, %mul3A_43 : i32
        %add3A_45 = arith.addi %mul3A_15, %mul3A_44 : i32
        "tpu.region"() ({
          %run_scoped3A = tpu.sem_alloc : memref<!tpu.dma_semaphore, #tpu.memory_space<semaphore_mem>>
          %dma_start3A_62 = tpu.memref_slice %arg4[%add3A_45] : memref<323584xi32, #tpu.memory_space<hbm>> -> memref<128xi32, #tpu.memory_space<hbm>>
          %dma_start3A_63 = tpu.memref_slice %arg4[%add3A_45] : memref<323584xi32, #tpu.memory_space<hbm>> -> memref<128xi32, #tpu.memory_space<hbm>>
          tpu.enqueue_dma source(%dma_start3A_63 : memref<128xi32, #tpu.memory_space<hbm>>) target(%arg9 : memref<128xi32, #tpu.memory_space<vmem>>) target_semaphore(%run_scoped3A : memref<!tpu.dma_semaphore, #tpu.memory_space<semaphore_mem>>)
          %dma_wait3A_64 = tpu.memref_slice %arg4[%add3A_45] : memref<323584xi32, #tpu.memory_space<hbm>> -> memref<128xi32, #tpu.memory_space<hbm>>
          %dma_wait3A_65 = tpu.memref_slice %arg4[%add3A_45] : memref<323584xi32, #tpu.memory_space<hbm>> -> memref<128xi32, #tpu.memory_space<hbm>>
          tpu.wait_dma2 semaphore(%run_scoped3A : memref<!tpu.dma_semaphore, #tpu.memory_space<semaphore_mem>>) src(%dma_wait3A_65 : memref<128xi32, #tpu.memory_space<hbm>>) dst(%arg9 : memref<128xi32, #tpu.memory_space<vmem>>)
          tpu.yield
        }) : () -> ()
        "tpu.region"() ({
          %run_scoped3A = tpu.sem_alloc : memref<!tpu.dma_semaphore, #tpu.memory_space<semaphore_mem>>
          %dma_start3A_62 = tpu.memref_slice %arg6[%add3A_45] : memref<323584xi32, #tpu.memory_space<hbm>> -> memref<128xi32, #tpu.memory_space<hbm>>
          %dma_start3A_63 = tpu.memref_slice %arg6[%add3A_45] : memref<323584xi32, #tpu.memory_space<hbm>> -> memref<128xi32, #tpu.memory_space<hbm>>
          tpu.enqueue_dma source(%dma_start3A_63 : memref<128xi32, #tpu.memory_space<hbm>>) target(%arg10 : memref<128xi32, #tpu.memory_space<vmem>>) target_semaphore(%run_scoped3A : memref<!tpu.dma_semaphore, #tpu.memory_space<semaphore_mem>>)
          %dma_wait3A_64 = tpu.memref_slice %arg6[%add3A_45] : memref<323584xi32, #tpu.memory_space<hbm>> -> memref<128xi32, #tpu.memory_space<hbm>>
          %dma_wait3A_65 = tpu.memref_slice %arg6[%add3A_45] : memref<323584xi32, #tpu.memory_space<hbm>> -> memref<128xi32, #tpu.memory_space<hbm>>
          tpu.wait_dma2 semaphore(%run_scoped3A : memref<!tpu.dma_semaphore, #tpu.memory_space<semaphore_mem>>) src(%dma_wait3A_65 : memref<128xi32, #tpu.memory_space<hbm>>) dst(%arg10 : memref<128xi32, #tpu.memory_space<vmem>>)
          tpu.yield
        }) : () -> ()
        %dma_start3A = arith.constant 0 : i32
        %dma_start3A_46 = arith.constant 0 : i32
        %dma_start3A_47 = tpu.memref_slice %arg2[%dma_start3A, %dma_start3A_46] : memref<10240x128xf32, #tpu.memory_space<hbm>> -> memref<10240x128xf32, #tpu.memory_space<hbm>>
        tpu.enqueue_indirect_dma source(%dma_start3A_47 : memref<10240x128xf32, #tpu.memory_space<hbm>>) target(%arg14 : memref<128x128xf32, #tpu.memory_space<vmem>>) offsets(%arg9 : memref<128xi32, #tpu.memory_space<vmem>>) semaphore(%arg17 : memref<!tpu.dma_semaphore, #tpu.memory_space<semaphore_mem>>)
        %add3A_48 = arith.constant 1 : i32
        %add3A_49 = arith.addi %mul3A_41, %add3A_48 : i32
        %mul3A_50 = arith.constant 128 : i32
        %mul3A_51 = arith.muli %add3A_49, %mul3A_50 : i32
        %add3A_52 = arith.addi %mul3A_15, %mul3A_51 : i32
        "tpu.region"() ({
          %run_scoped3A = tpu.sem_alloc : memref<!tpu.dma_semaphore, #tpu.memory_space<semaphore_mem>>
          %dma_start3A_62 = tpu.memref_slice %arg4[%add3A_52] : memref<323584xi32, #tpu.memory_space<hbm>> -> memref<128xi32, #tpu.memory_space<hbm>>
          %dma_start3A_63 = tpu.memref_slice %arg4[%add3A_52] : memref<323584xi32, #tpu.memory_space<hbm>> -> memref<128xi32, #tpu.memory_space<hbm>>
          tpu.enqueue_dma source(%dma_start3A_63 : memref<128xi32, #tpu.memory_space<hbm>>) target(%arg11 : memref<128xi32, #tpu.memory_space<vmem>>) target_semaphore(%run_scoped3A : memref<!tpu.dma_semaphore, #tpu.memory_space<semaphore_mem>>)
          %dma_wait3A_64 = tpu.memref_slice %arg4[%add3A_52] : memref<323584xi32, #tpu.memory_space<hbm>> -> memref<128xi32, #tpu.memory_space<hbm>>
          %dma_wait3A_65 = tpu.memref_slice %arg4[%add3A_52] : memref<323584xi32, #tpu.memory_space<hbm>> -> memref<128xi32, #tpu.memory_space<hbm>>
          tpu.wait_dma2 semaphore(%run_scoped3A : memref<!tpu.dma_semaphore, #tpu.memory_space<semaphore_mem>>) src(%dma_wait3A_65 : memref<128xi32, #tpu.memory_space<hbm>>) dst(%arg11 : memref<128xi32, #tpu.memory_space<vmem>>)
          tpu.yield
        }) : () -> ()
        "tpu.region"() ({
          %run_scoped3A = tpu.sem_alloc : memref<!tpu.dma_semaphore, #tpu.memory_space<semaphore_mem>>
          %dma_start3A_62 = tpu.memref_slice %arg6[%add3A_52] : memref<323584xi32, #tpu.memory_space<hbm>> -> memref<128xi32, #tpu.memory_space<hbm>>
          %dma_start3A_63 = tpu.memref_slice %arg6[%add3A_52] : memref<323584xi32, #tpu.memory_space<hbm>> -> memref<128xi32, #tpu.memory_space<hbm>>
          tpu.enqueue_dma source(%dma_start3A_63 : memref<128xi32, #tpu.memory_space<hbm>>) target(%arg12 : memref<128xi32, #tpu.memory_space<vmem>>) target_semaphore(%run_scoped3A : memref<!tpu.dma_semaphore, #tpu.memory_space<semaphore_mem>>)
          %dma_wait3A_64 = tpu.memref_slice %arg6[%add3A_52] : memref<323584xi32, #tpu.memory_space<hbm>> -> memref<128xi32, #tpu.memory_space<hbm>>
          %dma_wait3A_65 = tpu.memref_slice %arg6[%add3A_52] : memref<323584xi32, #tpu.memory_space<hbm>> -> memref<128xi32, #tpu.memory_space<hbm>>
          tpu.wait_dma2 semaphore(%run_scoped3A : memref<!tpu.dma_semaphore, #tpu.memory_space<semaphore_mem>>) src(%dma_wait3A_65 : memref<128xi32, #tpu.memory_space<hbm>>) dst(%arg12 : memref<128xi32, #tpu.memory_space<vmem>>)
          tpu.yield
        }) : () -> ()
        %dma_start3A_53 = arith.constant 0 : i32
        %dma_start3A_54 = arith.constant 0 : i32
        %dma_start3A_55 = tpu.memref_slice %arg2[%dma_start3A_53, %dma_start3A_54] : memref<10240x128xf32, #tpu.memory_space<hbm>> -> memref<10240x128xf32, #tpu.memory_space<hbm>>
        tpu.enqueue_indirect_dma source(%dma_start3A_55 : memref<10240x128xf32, #tpu.memory_space<hbm>>) target(%arg15 : memref<128x128xf32, #tpu.memory_space<vmem>>) offsets(%arg11 : memref<128xi32, #tpu.memory_space<vmem>>) semaphore(%arg18 : memref<!tpu.dma_semaphore, #tpu.memory_space<semaphore_mem>>)
        %dma_wait3A = arith.constant 0 : i32
        %dma_wait3A_56 = arith.constant 0 : i32
        %dma_wait3A_57 = tpu.memref_slice %arg2[%dma_wait3A, %dma_wait3A_56] : memref<10240x128xf32, #tpu.memory_space<hbm>> -> memref<10240x128xf32, #tpu.memory_space<hbm>>
        tpu.wait_indirect_dma semaphore(%arg17 : memref<!tpu.dma_semaphore, #tpu.memory_space<semaphore_mem>>) src(%dma_wait3A_57 : memref<10240x128xf32, #tpu.memory_space<hbm>>) dst(%arg14 : memref<128x128xf32, #tpu.memory_space<vmem>>)
        "tpu.region"() ({
          %run_scoped3A = tpu.sem_alloc : memref<!tpu.dma_semaphore, #tpu.memory_space<semaphore_mem>>
          %dma_start3A_62 = arith.constant 0 : i32
          %dma_start3A_63 = arith.constant 0 : i32
          %dma_start3A_64 = tpu.memref_slice %arg16[%dma_start3A_62, %dma_start3A_63] : memref<10240x128xf32, #tpu.memory_space<vmem_shared>> -> memref<10240x128xf32, #tpu.memory_space<vmem_shared>>
          tpu.enqueue_indirect_dma source(%arg14 : memref<128x128xf32, #tpu.memory_space<vmem>>) target(%dma_start3A_64 : memref<10240x128xf32, #tpu.memory_space<vmem_shared>>) offsets(%arg10 : memref<128xi32, #tpu.memory_space<vmem>>) semaphore(%run_scoped3A : memref<!tpu.dma_semaphore, #tpu.memory_space<semaphore_mem>>) {add = true}
          %dma_wait3A_65 = arith.constant 0 : i32
          %dma_wait3A_66 = arith.constant 0 : i32
          %dma_wait3A_67 = tpu.memref_slice %arg16[%dma_wait3A_65, %dma_wait3A_66] : memref<10240x128xf32, #tpu.memory_space<vmem_shared>> -> memref<10240x128xf32, #tpu.memory_space<vmem_shared>>
          tpu.wait_indirect_dma semaphore(%run_scoped3A : memref<!tpu.dma_semaphore, #tpu.memory_space<semaphore_mem>>) src(%arg14 : memref<128x128xf32, #tpu.memory_space<vmem>>) dst(%dma_wait3A_67 : memref<10240x128xf32, #tpu.memory_space<vmem_shared>>)
          tpu.yield
        }) : () -> ()
        %dma_wait3A_58 = arith.constant 0 : i32
        %dma_wait3A_59 = arith.constant 0 : i32
        %dma_wait3A_60 = tpu.memref_slice %arg2[%dma_wait3A_58, %dma_wait3A_59] : memref<10240x128xf32, #tpu.memory_space<hbm>> -> memref<10240x128xf32, #tpu.memory_space<hbm>>
        tpu.wait_indirect_dma semaphore(%arg18 : memref<!tpu.dma_semaphore, #tpu.memory_space<semaphore_mem>>) src(%dma_wait3A_60 : memref<10240x128xf32, #tpu.memory_space<hbm>>) dst(%arg15 : memref<128x128xf32, #tpu.memory_space<vmem>>)
        "tpu.region"() ({
          %run_scoped3A = tpu.sem_alloc : memref<!tpu.dma_semaphore, #tpu.memory_space<semaphore_mem>>
          %dma_start3A_62 = arith.constant 0 : i32
          %dma_start3A_63 = arith.constant 0 : i32
          %dma_start3A_64 = tpu.memref_slice %arg16[%dma_start3A_62, %dma_start3A_63] : memref<10240x128xf32, #tpu.memory_space<vmem_shared>> -> memref<10240x128xf32, #tpu.memory_space<vmem_shared>>
          tpu.enqueue_indirect_dma source(%arg15 : memref<128x128xf32, #tpu.memory_space<vmem>>) target(%dma_start3A_64 : memref<10240x128xf32, #tpu.memory_space<vmem_shared>>) offsets(%arg12 : memref<128xi32, #tpu.memory_space<vmem>>) semaphore(%run_scoped3A : memref<!tpu.dma_semaphore, #tpu.memory_space<semaphore_mem>>) {add = true}
          %dma_wait3A_65 = arith.constant 0 : i32
          %dma_wait3A_66 = arith.constant 0 : i32
          %dma_wait3A_67 = tpu.memref_slice %arg16[%dma_wait3A_65, %dma_wait3A_66] : memref<10240x128xf32, #tpu.memory_space<vmem_shared>> -> memref<10240x128xf32, #tpu.memory_space<vmem_shared>>
          tpu.wait_indirect_dma semaphore(%run_scoped3A : memref<!tpu.dma_semaphore, #tpu.memory_space<semaphore_mem>>) src(%arg15 : memref<128x128xf32, #tpu.memory_space<vmem>>) dst(%dma_wait3A_67 : memref<10240x128xf32, #tpu.memory_space<vmem_shared>>)
          tpu.yield
        }) : () -> ()
        %scan3A_61 = arith.constant 0 : i32
        scf.yield %scan3A_61 : i32
      }
      %scan3A_29 = arith.constant 79 : i32
      %barrier3A_30 = arith.constant 0 : index
      tpu.barrier barrier_id(%barrier3A_30)
      %scan3A_31 = arith.constant 0 : i32
      %scan3A_32 = arith.constant 0 : i32
      %scan3A_33 = arith.constant 5 : i32
      %scan3A_34 = arith.addi %scan3A_32, %scan3A_33 : i32
      %scan3A_35 = arith.constant 1 : i32
      %scan3A_36 = scf.for %scan3A_38 = %scan3A_32 to %scan3A_34 step %scan3A_35 iter_args(%scan3A_39 = %scan3A_31) -> (i32)  : i32 {
        %mul3A_40 = arith.constant 640 : i32
        %mul3A_41 = arith.muli %arg1, %mul3A_40 : i32
        %mul3A_42 = arith.constant 128 : i32
        %mul3A_43 = arith.muli %scan3A_38, %mul3A_42 : i32
        %add3A = arith.addi %mul3A_41, %mul3A_43 : i32
        %scan3A_44 = arith.constant 0 : i32
        %scan3A_45 = arith.constant 0 : i32
        %scan3A_46 = arith.constant 8 : i32
        %scan3A_47 = arith.addi %scan3A_45, %scan3A_46 : i32
        %scan3A_48 = arith.constant 1 : i32
        %scan3A_49 = scf.for %scan3A_56 = %scan3A_45 to %scan3A_47 step %scan3A_48 iter_args(%scan3A_57 = %scan3A_44) -> (i32)  : i32 {
          %iota3A = tpu.iota {dimensions = array<i32: 0>} : vector<16xi32>
          %add3A_58 = vector.broadcast %add3A : i32 to vector<16xi32>
          %add3A_59 = arith.addi %iota3A, %add3A_58 : vector<16xi32>
          %mul3A_60 = arith.constant 16 : i32
          %mul3A_61 = arith.muli %scan3A_56, %mul3A_60 : i32
          %add3A_62 = vector.broadcast %mul3A_61 : i32 to vector<16xi32>
          %add3A_63 = arith.addi %add3A_59, %add3A_62 : vector<16xi32>
          %mul3A_64 = arith.constant 16 : i32
          %mul3A_65 = arith.muli %scan3A_56, %mul3A_64 : i32
          %swap3A = arith.index_cast %mul3A_65 : i32 to index
          %swap3A_66 = tpu.vector_load %arg13[%swap3A] {strides = array<i32>} : memref<128xi32, #tpu.memory_space<vmem>>, vector<16xi32>,
          %swap3A_67 = vector.shape_cast %swap3A_66 : vector<16xi32> to vector<16xi32>
          %swap3A_68 = vector.shape_cast %add3A_63 : vector<16xi32> to vector<16xi32>
          tpu.vector_store %arg13[%swap3A], %swap3A_68 {strides = array<i32>} : memref<128xi32, #tpu.memory_space<vmem>>, vector<16xi32>,
          %scan3A_69 = arith.constant 0 : i32
          scf.yield %scan3A_69 : i32
        }
        %scan3A_50 = arith.constant 8 : i32
        %dma_start3A = arith.constant 0 : i32
        %dma_start3A_51 = arith.constant 0 : i32
        %dma_start3A_52 = tpu.memref_slice %arg16[%dma_start3A, %dma_start3A_51] : memref<10240x128xf32, #tpu.memory_space<vmem_shared>> -> memref<10240x128xf32, #tpu.memory_space<vmem_shared>>
        tpu.enqueue_indirect_dma source(%dma_start3A_52 : memref<10240x128xf32, #tpu.memory_space<vmem_shared>>) target(%arg14 : memref<128x128xf32, #tpu.memory_space<vmem>>) offsets(%arg13 : memref<128xi32, #tpu.memory_space<vmem>>) semaphore(%arg17 : memref<!tpu.dma_semaphore, #tpu.memory_space<semaphore_mem>>)
        %dma_wait3A = arith.constant 0 : i32
        %dma_wait3A_53 = arith.constant 0 : i32
        %dma_wait3A_54 = tpu.memref_slice %arg16[%dma_wait3A, %dma_wait3A_53] : memref<10240x128xf32, #tpu.memory_space<vmem_shared>> -> memref<10240x128xf32, #tpu.memory_space<vmem_shared>>
        tpu.wait_indirect_dma semaphore(%arg17 : memref<!tpu.dma_semaphore, #tpu.memory_space<semaphore_mem>>) src(%dma_wait3A_54 : memref<10240x128xf32, #tpu.memory_space<vmem_shared>>) dst(%arg14 : memref<128x128xf32, #tpu.memory_space<vmem>>)
        "tpu.region"() ({
          %run_scoped3A = tpu.sem_alloc : memref<!tpu.dma_semaphore, #tpu.memory_space<semaphore_mem>>
          %dma_start3A_56 = arith.constant 0 : i32
          %dma_start3A_57 = tpu.memref_slice %arg7[%add3A, %dma_start3A_56] : memref<10240x128xf32, #tpu.memory_space<hbm>> -> memref<128x128xf32, #tpu.memory_space<hbm>>
          %dma_start3A_58 = arith.constant 0 : i32
          %dma_start3A_59 = tpu.memref_slice %arg7[%add3A, %dma_start3A_58] : memref<10240x128xf32, #tpu.memory_space<hbm>> -> memref<128x128xf32, #tpu.memory_space<hbm>>
          tpu.enqueue_dma source(%arg14 : memref<128x128xf32, #tpu.memory_space<vmem>>) target(%dma_start3A_59 : memref<128x128xf32, #tpu.memory_space<hbm>>) target_semaphore(%run_scoped3A : memref<!tpu.dma_semaphore, #tpu.memory_space<semaphore_mem>>)
          %dma_wait3A_60 = arith.constant 0 : i32
          %dma_wait3A_61 = tpu.memref_slice %arg7[%add3A, %dma_wait3A_60] : memref<10240x128xf32, #tpu.memory_space<hbm>> -> memref<128x128xf32, #tpu.memory_space<hbm>>
          %dma_wait3A_62 = arith.constant 0 : i32
          %dma_wait3A_63 = tpu.memref_slice %arg7[%add3A, %dma_wait3A_62] : memref<10240x128xf32, #tpu.memory_space<hbm>> -> memref<128x128xf32, #tpu.memory_space<hbm>>
          tpu.wait_dma2 semaphore(%run_scoped3A : memref<!tpu.dma_semaphore, #tpu.memory_space<semaphore_mem>>) src(%arg14 : memref<128x128xf32, #tpu.memory_space<vmem>>) dst(%dma_wait3A_63 : memref<128x128xf32, #tpu.memory_space<hbm>>)
          tpu.yield
        }) : () -> ()
        %scan3A_55 = arith.constant 0 : i32
        scf.yield %scan3A_55 : i32
      }
      %scan3A_37 = arith.constant 5 : i32
    } else {
    }
    %eq3A_18 = arith.constant 1 : i32
    %eq3A_19 = arith.cmpi eq, %arg0, %eq3A_18 : i32
    %convert_element_type3A_20 = arith.extui %eq3A_19 : i1 to i32
    %cond3A_21 = arith.constant 0 : i32
    %cond3A_22 = arith.cmpi ne, %convert_element_type3A_20, %cond3A_21 : i32
    scf.if %cond3A_22 {
      %scan3A_23 = arith.constant 0 : i32
      %scan3A_24 = arith.constant 0 : i32
      %scan3A_25 = arith.constant 79 : i32
      %scan3A_26 = arith.addi %scan3A_24, %scan3A_25 : i32
      %scan3A_27 = arith.constant 1 : i32
      %scan3A_28 = scf.for %scan3A_38 = %scan3A_24 to %scan3A_26 step %scan3A_27 iter_args(%scan3A_39 = %scan3A_23) -> (i32)  : i32 {
        %mul3A_40 = arith.constant 2 : i32
        %mul3A_41 = arith.muli %scan3A_38, %mul3A_40 : i32
        %add3A = arith.constant 0 : i32
        %add3A_42 = arith.addi %mul3A_41, %add3A : i32
        %mul3A_43 = arith.constant 128 : i32
        %mul3A_44 = arith.muli %add3A_42, %mul3A_43 : i32
        %add3A_45 = arith.addi %mul3A_15, %mul3A_44 : i32
        "tpu.region"() ({
          %run_scoped3A = tpu.sem_alloc : memref<!tpu.dma_semaphore, #tpu.memory_space<semaphore_mem>>
          %dma_start3A_62 = tpu.memref_slice %arg5[%add3A_45] : memref<323584xi32, #tpu.memory_space<hbm>> -> memref<128xi32, #tpu.memory_space<hbm>>
          %dma_start3A_63 = tpu.memref_slice %arg5[%add3A_45] : memref<323584xi32, #tpu.memory_space<hbm>> -> memref<128xi32, #tpu.memory_space<hbm>>
          tpu.enqueue_dma source(%dma_start3A_63 : memref<128xi32, #tpu.memory_space<hbm>>) target(%arg9 : memref<128xi32, #tpu.memory_space<vmem>>) target_semaphore(%run_scoped3A : memref<!tpu.dma_semaphore, #tpu.memory_space<semaphore_mem>>)
          %dma_wait3A_64 = tpu.memref_slice %arg5[%add3A_45] : memref<323584xi32, #tpu.memory_space<hbm>> -> memref<128xi32, #tpu.memory_space<hbm>>
          %dma_wait3A_65 = tpu.memref_slice %arg5[%add3A_45] : memref<323584xi32, #tpu.memory_space<hbm>> -> memref<128xi32, #tpu.memory_space<hbm>>
          tpu.wait_dma2 semaphore(%run_scoped3A : memref<!tpu.dma_semaphore, #tpu.memory_space<semaphore_mem>>) src(%dma_wait3A_65 : memref<128xi32, #tpu.memory_space<hbm>>) dst(%arg9 : memref<128xi32, #tpu.memory_space<vmem>>)
          tpu.yield
        }) : () -> ()
        "tpu.region"() ({
          %run_scoped3A = tpu.sem_alloc : memref<!tpu.dma_semaphore, #tpu.memory_space<semaphore_mem>>
          %dma_start3A_62 = tpu.memref_slice %arg6[%add3A_45] : memref<323584xi32, #tpu.memory_space<hbm>> -> memref<128xi32, #tpu.memory_space<hbm>>
          %dma_start3A_63 = tpu.memref_slice %arg6[%add3A_45] : memref<323584xi32, #tpu.memory_space<hbm>> -> memref<128xi32, #tpu.memory_space<hbm>>
          tpu.enqueue_dma source(%dma_start3A_63 : memref<128xi32, #tpu.memory_space<hbm>>) target(%arg10 : memref<128xi32, #tpu.memory_space<vmem>>) target_semaphore(%run_scoped3A : memref<!tpu.dma_semaphore, #tpu.memory_space<semaphore_mem>>)
          %dma_wait3A_64 = tpu.memref_slice %arg6[%add3A_45] : memref<323584xi32, #tpu.memory_space<hbm>> -> memref<128xi32, #tpu.memory_space<hbm>>
          %dma_wait3A_65 = tpu.memref_slice %arg6[%add3A_45] : memref<323584xi32, #tpu.memory_space<hbm>> -> memref<128xi32, #tpu.memory_space<hbm>>
          tpu.wait_dma2 semaphore(%run_scoped3A : memref<!tpu.dma_semaphore, #tpu.memory_space<semaphore_mem>>) src(%dma_wait3A_65 : memref<128xi32, #tpu.memory_space<hbm>>) dst(%arg10 : memref<128xi32, #tpu.memory_space<vmem>>)
          tpu.yield
        }) : () -> ()
        %dma_start3A = arith.constant 0 : i32
        %dma_start3A_46 = arith.constant 0 : i32
        %dma_start3A_47 = tpu.memref_slice %arg3[%dma_start3A, %dma_start3A_46] : memref<10240x128xf32, #tpu.memory_space<hbm>> -> memref<10240x128xf32, #tpu.memory_space<hbm>>
        tpu.enqueue_indirect_dma source(%dma_start3A_47 : memref<10240x128xf32, #tpu.memory_space<hbm>>) target(%arg14 : memref<128x128xf32, #tpu.memory_space<vmem>>) offsets(%arg9 : memref<128xi32, #tpu.memory_space<vmem>>) semaphore(%arg17 : memref<!tpu.dma_semaphore, #tpu.memory_space<semaphore_mem>>)
        %add3A_48 = arith.constant 1 : i32
        %add3A_49 = arith.addi %mul3A_41, %add3A_48 : i32
        %mul3A_50 = arith.constant 128 : i32
        %mul3A_51 = arith.muli %add3A_49, %mul3A_50 : i32
        %add3A_52 = arith.addi %mul3A_15, %mul3A_51 : i32
        "tpu.region"() ({
          %run_scoped3A = tpu.sem_alloc : memref<!tpu.dma_semaphore, #tpu.memory_space<semaphore_mem>>
          %dma_start3A_62 = tpu.memref_slice %arg5[%add3A_52] : memref<323584xi32, #tpu.memory_space<hbm>> -> memref<128xi32, #tpu.memory_space<hbm>>
          %dma_start3A_63 = tpu.memref_slice %arg5[%add3A_52] : memref<323584xi32, #tpu.memory_space<hbm>> -> memref<128xi32, #tpu.memory_space<hbm>>
          tpu.enqueue_dma source(%dma_start3A_63 : memref<128xi32, #tpu.memory_space<hbm>>) target(%arg11 : memref<128xi32, #tpu.memory_space<vmem>>) target_semaphore(%run_scoped3A : memref<!tpu.dma_semaphore, #tpu.memory_space<semaphore_mem>>)
          %dma_wait3A_64 = tpu.memref_slice %arg5[%add3A_52] : memref<323584xi32, #tpu.memory_space<hbm>> -> memref<128xi32, #tpu.memory_space<hbm>>
          %dma_wait3A_65 = tpu.memref_slice %arg5[%add3A_52] : memref<323584xi32, #tpu.memory_space<hbm>> -> memref<128xi32, #tpu.memory_space<hbm>>
          tpu.wait_dma2 semaphore(%run_scoped3A : memref<!tpu.dma_semaphore, #tpu.memory_space<semaphore_mem>>) src(%dma_wait3A_65 : memref<128xi32, #tpu.memory_space<hbm>>) dst(%arg11 : memref<128xi32, #tpu.memory_space<vmem>>)
          tpu.yield
        }) : () -> ()
        "tpu.region"() ({
          %run_scoped3A = tpu.sem_alloc : memref<!tpu.dma_semaphore, #tpu.memory_space<semaphore_mem>>
          %dma_start3A_62 = tpu.memref_slice %arg6[%add3A_52] : memref<323584xi32, #tpu.memory_space<hbm>> -> memref<128xi32, #tpu.memory_space<hbm>>
          %dma_start3A_63 = tpu.memref_slice %arg6[%add3A_52] : memref<323584xi32, #tpu.memory_space<hbm>> -> memref<128xi32, #tpu.memory_space<hbm>>
          tpu.enqueue_dma source(%dma_start3A_63 : memref<128xi32, #tpu.memory_space<hbm>>) target(%arg12 : memref<128xi32, #tpu.memory_space<vmem>>) target_semaphore(%run_scoped3A : memref<!tpu.dma_semaphore, #tpu.memory_space<semaphore_mem>>)
          %dma_wait3A_64 = tpu.memref_slice %arg6[%add3A_52] : memref<323584xi32, #tpu.memory_space<hbm>> -> memref<128xi32, #tpu.memory_space<hbm>>
          %dma_wait3A_65 = tpu.memref_slice %arg6[%add3A_52] : memref<323584xi32, #tpu.memory_space<hbm>> -> memref<128xi32, #tpu.memory_space<hbm>>
          tpu.wait_dma2 semaphore(%run_scoped3A : memref<!tpu.dma_semaphore, #tpu.memory_space<semaphore_mem>>) src(%dma_wait3A_65 : memref<128xi32, #tpu.memory_space<hbm>>) dst(%arg12 : memref<128xi32, #tpu.memory_space<vmem>>)
          tpu.yield
        }) : () -> ()
        %dma_start3A_53 = arith.constant 0 : i32
        %dma_start3A_54 = arith.constant 0 : i32
        %dma_start3A_55 = tpu.memref_slice %arg3[%dma_start3A_53, %dma_start3A_54] : memref<10240x128xf32, #tpu.memory_space<hbm>> -> memref<10240x128xf32, #tpu.memory_space<hbm>>
        tpu.enqueue_indirect_dma source(%dma_start3A_55 : memref<10240x128xf32, #tpu.memory_space<hbm>>) target(%arg15 : memref<128x128xf32, #tpu.memory_space<vmem>>) offsets(%arg11 : memref<128xi32, #tpu.memory_space<vmem>>) semaphore(%arg18 : memref<!tpu.dma_semaphore, #tpu.memory_space<semaphore_mem>>)
        %dma_wait3A = arith.constant 0 : i32
        %dma_wait3A_56 = arith.constant 0 : i32
        %dma_wait3A_57 = tpu.memref_slice %arg3[%dma_wait3A, %dma_wait3A_56] : memref<10240x128xf32, #tpu.memory_space<hbm>> -> memref<10240x128xf32, #tpu.memory_space<hbm>>
        tpu.wait_indirect_dma semaphore(%arg17 : memref<!tpu.dma_semaphore, #tpu.memory_space<semaphore_mem>>) src(%dma_wait3A_57 : memref<10240x128xf32, #tpu.memory_space<hbm>>) dst(%arg14 : memref<128x128xf32, #tpu.memory_space<vmem>>)
        "tpu.region"() ({
          %run_scoped3A = tpu.sem_alloc : memref<!tpu.dma_semaphore, #tpu.memory_space<semaphore_mem>>
          %dma_start3A_62 = arith.constant 0 : i32
          %dma_start3A_63 = arith.constant 0 : i32
          %dma_start3A_64 = tpu.memref_slice %arg16[%dma_start3A_62, %dma_start3A_63] : memref<10240x128xf32, #tpu.memory_space<vmem_shared>> -> memref<10240x128xf32, #tpu.memory_space<vmem_shared>>
          tpu.enqueue_indirect_dma source(%arg14 : memref<128x128xf32, #tpu.memory_space<vmem>>) target(%dma_start3A_64 : memref<10240x128xf32, #tpu.memory_space<vmem_shared>>) offsets(%arg10 : memref<128xi32, #tpu.memory_space<vmem>>) semaphore(%run_scoped3A : memref<!tpu.dma_semaphore, #tpu.memory_space<semaphore_mem>>) {add = true}
          %dma_wait3A_65 = arith.constant 0 : i32
          %dma_wait3A_66 = arith.constant 0 : i32
          %dma_wait3A_67 = tpu.memref_slice %arg16[%dma_wait3A_65, %dma_wait3A_66] : memref<10240x128xf32, #tpu.memory_space<vmem_shared>> -> memref<10240x128xf32, #tpu.memory_space<vmem_shared>>
          tpu.wait_indirect_dma semaphore(%run_scoped3A : memref<!tpu.dma_semaphore, #tpu.memory_space<semaphore_mem>>) src(%arg14 : memref<128x128xf32, #tpu.memory_space<vmem>>) dst(%dma_wait3A_67 : memref<10240x128xf32, #tpu.memory_space<vmem_shared>>)
          tpu.yield
        }) : () -> ()
        %dma_wait3A_58 = arith.constant 0 : i32
        %dma_wait3A_59 = arith.constant 0 : i32
        %dma_wait3A_60 = tpu.memref_slice %arg3[%dma_wait3A_58, %dma_wait3A_59] : memref<10240x128xf32, #tpu.memory_space<hbm>> -> memref<10240x128xf32, #tpu.memory_space<hbm>>
        tpu.wait_indirect_dma semaphore(%arg18 : memref<!tpu.dma_semaphore, #tpu.memory_space<semaphore_mem>>) src(%dma_wait3A_60 : memref<10240x128xf32, #tpu.memory_space<hbm>>) dst(%arg15 : memref<128x128xf32, #tpu.memory_space<vmem>>)
        "tpu.region"() ({
          %run_scoped3A = tpu.sem_alloc : memref<!tpu.dma_semaphore, #tpu.memory_space<semaphore_mem>>
          %dma_start3A_62 = arith.constant 0 : i32
          %dma_start3A_63 = arith.constant 0 : i32
          %dma_start3A_64 = tpu.memref_slice %arg16[%dma_start3A_62, %dma_start3A_63] : memref<10240x128xf32, #tpu.memory_space<vmem_shared>> -> memref<10240x128xf32, #tpu.memory_space<vmem_shared>>
          tpu.enqueue_indirect_dma source(%arg15 : memref<128x128xf32, #tpu.memory_space<vmem>>) target(%dma_start3A_64 : memref<10240x128xf32, #tpu.memory_space<vmem_shared>>) offsets(%arg12 : memref<128xi32, #tpu.memory_space<vmem>>) semaphore(%run_scoped3A : memref<!tpu.dma_semaphore, #tpu.memory_space<semaphore_mem>>) {add = true}
          %dma_wait3A_65 = arith.constant 0 : i32
          %dma_wait3A_66 = arith.constant 0 : i32
          %dma_wait3A_67 = tpu.memref_slice %arg16[%dma_wait3A_65, %dma_wait3A_66] : memref<10240x128xf32, #tpu.memory_space<vmem_shared>> -> memref<10240x128xf32, #tpu.memory_space<vmem_shared>>
          tpu.wait_indirect_dma semaphore(%run_scoped3A : memref<!tpu.dma_semaphore, #tpu.memory_space<semaphore_mem>>) src(%arg15 : memref<128x128xf32, #tpu.memory_space<vmem>>) dst(%dma_wait3A_67 : memref<10240x128xf32, #tpu.memory_space<vmem_shared>>)
          tpu.yield
        }) : () -> ()
        %scan3A_61 = arith.constant 0 : i32
        scf.yield %scan3A_61 : i32
      }
      %scan3A_29 = arith.constant 79 : i32
      %barrier3A_30 = arith.constant 0 : index
      tpu.barrier barrier_id(%barrier3A_30)
      %scan3A_31 = arith.constant 0 : i32
      %scan3A_32 = arith.constant 0 : i32
      %scan3A_33 = arith.constant 5 : i32
      %scan3A_34 = arith.addi %scan3A_32, %scan3A_33 : i32
      %scan3A_35 = arith.constant 1 : i32
      %scan3A_36 = scf.for %scan3A_38 = %scan3A_32 to %scan3A_34 step %scan3A_35 iter_args(%scan3A_39 = %scan3A_31) -> (i32)  : i32 {
        %mul3A_40 = arith.constant 640 : i32
        %mul3A_41 = arith.muli %arg1, %mul3A_40 : i32
        %mul3A_42 = arith.constant 128 : i32
        %mul3A_43 = arith.muli %scan3A_38, %mul3A_42 : i32
        %add3A = arith.addi %mul3A_41, %mul3A_43 : i32
        %scan3A_44 = arith.constant 0 : i32
        %scan3A_45 = arith.constant 0 : i32
        %scan3A_46 = arith.constant 8 : i32
        %scan3A_47 = arith.addi %scan3A_45, %scan3A_46 : i32
        %scan3A_48 = arith.constant 1 : i32
        %scan3A_49 = scf.for %scan3A_56 = %scan3A_45 to %scan3A_47 step %scan3A_48 iter_args(%scan3A_57 = %scan3A_44) -> (i32)  : i32 {
          %iota3A = tpu.iota {dimensions = array<i32: 0>} : vector<16xi32>
          %add3A_58 = vector.broadcast %add3A : i32 to vector<16xi32>
          %add3A_59 = arith.addi %iota3A, %add3A_58 : vector<16xi32>
          %mul3A_60 = arith.constant 16 : i32
          %mul3A_61 = arith.muli %scan3A_56, %mul3A_60 : i32
          %add3A_62 = vector.broadcast %mul3A_61 : i32 to vector<16xi32>
          %add3A_63 = arith.addi %add3A_59, %add3A_62 : vector<16xi32>
          %mul3A_64 = arith.constant 16 : i32
          %mul3A_65 = arith.muli %scan3A_56, %mul3A_64 : i32
          %swap3A = arith.index_cast %mul3A_65 : i32 to index
          %swap3A_66 = tpu.vector_load %arg13[%swap3A] {strides = array<i32>} : memref<128xi32, #tpu.memory_space<vmem>>, vector<16xi32>,
          %swap3A_67 = vector.shape_cast %swap3A_66 : vector<16xi32> to vector<16xi32>
          %swap3A_68 = vector.shape_cast %add3A_63 : vector<16xi32> to vector<16xi32>
          tpu.vector_store %arg13[%swap3A], %swap3A_68 {strides = array<i32>} : memref<128xi32, #tpu.memory_space<vmem>>, vector<16xi32>,
          %scan3A_69 = arith.constant 0 : i32
          scf.yield %scan3A_69 : i32
        }
        %scan3A_50 = arith.constant 8 : i32
        %dma_start3A = arith.constant 0 : i32
        %dma_start3A_51 = arith.constant 0 : i32
        %dma_start3A_52 = tpu.memref_slice %arg16[%dma_start3A, %dma_start3A_51] : memref<10240x128xf32, #tpu.memory_space<vmem_shared>> -> memref<10240x128xf32, #tpu.memory_space<vmem_shared>>
        tpu.enqueue_indirect_dma source(%dma_start3A_52 : memref<10240x128xf32, #tpu.memory_space<vmem_shared>>) target(%arg14 : memref<128x128xf32, #tpu.memory_space<vmem>>) offsets(%arg13 : memref<128xi32, #tpu.memory_space<vmem>>) semaphore(%arg17 : memref<!tpu.dma_semaphore, #tpu.memory_space<semaphore_mem>>)
        %dma_wait3A = arith.constant 0 : i32
        %dma_wait3A_53 = arith.constant 0 : i32
        %dma_wait3A_54 = tpu.memref_slice %arg16[%dma_wait3A, %dma_wait3A_53] : memref<10240x128xf32, #tpu.memory_space<vmem_shared>> -> memref<10240x128xf32, #tpu.memory_space<vmem_shared>>
        tpu.wait_indirect_dma semaphore(%arg17 : memref<!tpu.dma_semaphore, #tpu.memory_space<semaphore_mem>>) src(%dma_wait3A_54 : memref<10240x128xf32, #tpu.memory_space<vmem_shared>>) dst(%arg14 : memref<128x128xf32, #tpu.memory_space<vmem>>)
        "tpu.region"() ({
          %run_scoped3A = tpu.sem_alloc : memref<!tpu.dma_semaphore, #tpu.memory_space<semaphore_mem>>
          %dma_start3A_56 = arith.constant 0 : i32
          %dma_start3A_57 = tpu.memref_slice %arg8[%add3A, %dma_start3A_56] : memref<10240x128xf32, #tpu.memory_space<hbm>> -> memref<128x128xf32, #tpu.memory_space<hbm>>
          %dma_start3A_58 = arith.constant 0 : i32
          %dma_start3A_59 = tpu.memref_slice %arg8[%add3A, %dma_start3A_58] : memref<10240x128xf32, #tpu.memory_space<hbm>> -> memref<128x128xf32, #tpu.memory_space<hbm>>
          tpu.enqueue_dma source(%arg14 : memref<128x128xf32, #tpu.memory_space<vmem>>) target(%dma_start3A_59 : memref<128x128xf32, #tpu.memory_space<hbm>>) target_semaphore(%run_scoped3A : memref<!tpu.dma_semaphore, #tpu.memory_space<semaphore_mem>>)
          %dma_wait3A_60 = arith.constant 0 : i32
          %dma_wait3A_61 = tpu.memref_slice %arg8[%add3A, %dma_wait3A_60] : memref<10240x128xf32, #tpu.memory_space<hbm>> -> memref<128x128xf32, #tpu.memory_space<hbm>>
          %dma_wait3A_62 = arith.constant 0 : i32
          %dma_wait3A_63 = tpu.memref_slice %arg8[%add3A, %dma_wait3A_62] : memref<10240x128xf32, #tpu.memory_space<hbm>> -> memref<128x128xf32, #tpu.memory_space<hbm>>
          tpu.wait_dma2 semaphore(%run_scoped3A : memref<!tpu.dma_semaphore, #tpu.memory_space<semaphore_mem>>) src(%arg14 : memref<128x128xf32, #tpu.memory_space<vmem>>) dst(%dma_wait3A_63 : memref<128x128xf32, #tpu.memory_space<hbm>>)
          tpu.yield
        }) : () -> ()
        %scan3A_55 = arith.constant 0 : i32
        scf.yield %scan3A_55 : i32
      }
      %scan3A_37 = arith.constant 5 : i32
    } else {
    }
    return
  }
}

module attributes {stable_mosaic.version = 14 : i64} {
  func.func @_enc0_body(%arg0: i32, %arg1: memref<512x768xf32, #tpu.memory_space<vmem>>, %arg2: memref<768x128xf32, #tpu.memory_space<vmem>>, %arg3: memref<512x128xf32, #tpu.memory_space<vmem>>) attributes {dimension_semantics = [#tpu.dimension_semantics<arbitrary>], iteration_bounds = array<i64: 20>, scalar_prefetch = 0 : i64, scratch_operands = 0 : i64, tpu.core_type = #tpu.core_type<tc>, window_params = [{transform_indices = @transform_0, window_bounds = array<i64: 512, 768>}, {pipeline_mode = #tpu.pipeline_mode<synchronous>, transform_indices = @transform_1, window_bounds = array<i64: 768, 128>}, {transform_indices = @transform_2, window_bounds = array<i64: 512, 128>}]} {
    %get3A = arith.constant 0 : index
    %get3A_0 = arith.constant 0 : index
    %get3A_1 = vector.load %arg1[%get3A, %get3A_0] : memref<512x768xf32, #tpu.memory_space<vmem>>, vector<512x768xf32>
    %get3A_2 = arith.constant 0 : index
    %get3A_3 = arith.constant 0 : index
    %get3A_4 = vector.load %arg2[%get3A_2, %get3A_3] : memref<768x128xf32, #tpu.memory_space<vmem>>, vector<768x128xf32>
    %dot_general3A = arith.constant dense<0.000000e+00> : vector<512x128xf32>
    %dot_general3A_5 = tpu.matmul %get3A_1, %get3A_4, %dot_general3A {dimension_numbers = #tpu.dot_dimension_numbers<[1], [0], [0], [1], [0, 0, 1, 1], [], []>, transpose_lhs_hint = false} : vector<512x768xf32>, vector<768x128xf32>, vector<512x128xf32> -> vector<512x128xf32>
    %swap3A = arith.constant 0 : index
    %swap3A_6 = arith.constant 0 : index
    %swap3A_7 = vector.load %arg3[%swap3A, %swap3A_6] : memref<512x128xf32, #tpu.memory_space<vmem>>, vector<512x128xf32>
    tpu.vector_store %arg3[%swap3A, %swap3A_6], %dot_general3A_5 {strides = array<i32>} : memref<512x128xf32, #tpu.memory_space<vmem>>, vector<512x128xf32>,
    return
  }
  func.func @transform_0(%arg0: i32) -> (i32, i32) {
    %c0_i32 = arith.constant 0 : i32
    %c0_i32_0 = arith.constant 0 : i32
    return %arg0, %c0_i32 : i32, i32
  }
  func.func @transform_1(%arg0: i32) -> (i32, i32) {
    %c0_i32 = arith.constant 0 : i32
    %c0_i32_0 = arith.constant 0 : i32
    %c0_i32_1 = arith.constant 0 : i32
    return %c0_i32, %c0_i32_0 : i32, i32
  }
  func.func @transform_2(%arg0: i32) -> (i32, i32) {
    %c0_i32 = arith.constant 0 : i32
    %c0_i32_0 = arith.constant 0 : i32
    return %arg0, %c0_i32 : i32, i32
  }
}

module attributes {stable_mosaic.version = 14 : i64} {
  func.func @_scale_body(%arg0: i32, %arg1: memref<512x128xf32, #tpu.memory_space<vmem>>, %arg2: memref<512x128xf32, #tpu.memory_space<vmem>>, %arg3: memref<512x128xf32, #tpu.memory_space<vmem>>, %arg4: memref<512x128xf32, #tpu.memory_space<vmem>>, %arg5: memref<512x128xf32, #tpu.memory_space<vmem>>) attributes {dimension_semantics = [#tpu.dimension_semantics<arbitrary>], iteration_bounds = array<i64: 20>, scalar_prefetch = 0 : i64, scratch_operands = 0 : i64, tpu.core_type = #tpu.core_type<tc>, window_params = [{transform_indices = @transform_0, window_bounds = array<i64: 512, 128>}, {transform_indices = @transform_1, window_bounds = array<i64: 512, 128>}, {transform_indices = @transform_2, window_bounds = array<i64: 512, 128>}, {transform_indices = @transform_3, window_bounds = array<i64: 512, 128>}, {transform_indices = @transform_4, window_bounds = array<i64: 512, 128>}]} {
    %get3A = arith.constant 0 : index
    %get3A_0 = arith.constant 0 : index
    %get3A_1 = vector.load %arg3[%get3A, %get3A_0] : memref<512x128xf32, #tpu.memory_space<vmem>>, vector<512x128xf32>
    %slice3A = vector.extract_strided_slice %get3A_1 {offsets = [0, 0], sizes = [512, 1], strides = [1, 1]} : vector<512x128xf32> to vector<512x1xf32>
    %max3A = arith.constant 1.000000e+00 : f32
    %max3A_2 = vector.broadcast %max3A : f32 to vector<512x1xf32>
    %max3A_3 = arith.maximumf %slice3A, %max3A_2 : vector<512x1xf32>
    %rsqrt3A = math.rsqrt %max3A_3 : vector<512x1xf32>
    %get3A_4 = arith.constant 0 : index
    %get3A_5 = arith.constant 0 : index
    %get3A_6 = vector.load %arg1[%get3A_4, %get3A_5] : memref<512x128xf32, #tpu.memory_space<vmem>>, vector<512x128xf32>
    %mul3A = vector.broadcast %rsqrt3A : vector<512x1xf32> to vector<512x128xf32>
    %mul3A_7 = arith.mulf %get3A_6, %mul3A : vector<512x128xf32>
    %swap3A = arith.constant 0 : index
    %swap3A_8 = arith.constant 0 : index
    %swap3A_9 = vector.load %arg4[%swap3A, %swap3A_8] : memref<512x128xf32, #tpu.memory_space<vmem>>, vector<512x128xf32>
    tpu.vector_store %arg4[%swap3A, %swap3A_8], %mul3A_7 {strides = array<i32>} : memref<512x128xf32, #tpu.memory_space<vmem>>, vector<512x128xf32>,
    %get3A_10 = arith.constant 0 : index
    %get3A_11 = arith.constant 0 : index
    %get3A_12 = vector.load %arg2[%get3A_10, %get3A_11] : memref<512x128xf32, #tpu.memory_space<vmem>>, vector<512x128xf32>
    %mul3A_13 = vector.broadcast %rsqrt3A : vector<512x1xf32> to vector<512x128xf32>
    %mul3A_14 = arith.mulf %get3A_12, %mul3A_13 : vector<512x128xf32>
    %swap3A_15 = arith.constant 0 : index
    %swap3A_16 = arith.constant 0 : index
    %swap3A_17 = vector.load %arg5[%swap3A_15, %swap3A_16] : memref<512x128xf32, #tpu.memory_space<vmem>>, vector<512x128xf32>
    tpu.vector_store %arg5[%swap3A_15, %swap3A_16], %mul3A_14 {strides = array<i32>} : memref<512x128xf32, #tpu.memory_space<vmem>>, vector<512x128xf32>,
    return
  }
  func.func @transform_0(%arg0: i32) -> (i32, i32) {
    %c0_i32 = arith.constant 0 : i32
    %c0_i32_0 = arith.constant 0 : i32
    return %arg0, %c0_i32 : i32, i32
  }
  func.func @transform_1(%arg0: i32) -> (i32, i32) {
    %c0_i32 = arith.constant 0 : i32
    %c0_i32_0 = arith.constant 0 : i32
    return %arg0, %c0_i32 : i32, i32
  }
  func.func @transform_2(%arg0: i32) -> (i32, i32) {
    %c0_i32 = arith.constant 0 : i32
    %c0_i32_0 = arith.constant 0 : i32
    return %arg0, %c0_i32 : i32, i32
  }
  func.func @transform_3(%arg0: i32) -> (i32, i32) {
    %c0_i32 = arith.constant 0 : i32
    %c0_i32_0 = arith.constant 0 : i32
    return %arg0, %c0_i32 : i32, i32
  }
  func.func @transform_4(%arg0: i32) -> (i32, i32) {
    %c0_i32 = arith.constant 0 : i32
    %c0_i32_0 = arith.constant 0 : i32
    return %arg0, %c0_i32 : i32, i32
  }
}

module attributes {stable_mosaic.version = 14 : i64} {
  func.func @_mid_body(%arg0: i32, %arg1: memref<512x128xf32, #tpu.memory_space<vmem>>, %arg2: memref<512x128xf32, #tpu.memory_space<vmem>>, %arg3: memref<512x128xf32, #tpu.memory_space<vmem>>, %arg4: memref<512x128xf32, #tpu.memory_space<vmem>>, %arg5: memref<1x128xf32, #tpu.memory_space<vmem>>, %arg6: memref<128x128xf32, #tpu.memory_space<vmem>>, %arg7: memref<512x128xf32, #tpu.memory_space<vmem>>, %arg8: memref<512x128xf32, #tpu.memory_space<vmem>>) attributes {dimension_semantics = [#tpu.dimension_semantics<arbitrary>], iteration_bounds = array<i64: 20>, scalar_prefetch = 0 : i64, scratch_operands = 0 : i64, tpu.core_type = #tpu.core_type<tc>, window_params = [{transform_indices = @transform_0, window_bounds = array<i64: 512, 128>}, {transform_indices = @transform_1, window_bounds = array<i64: 512, 128>}, {transform_indices = @transform_2, window_bounds = array<i64: 512, 128>}, {transform_indices = @transform_3, window_bounds = array<i64: 512, 128>}, {pipeline_mode = #tpu.pipeline_mode<synchronous>, transform_indices = @transform_4, window_bounds = array<i64: 1, 128>}, {pipeline_mode = #tpu.pipeline_mode<synchronous>, transform_indices = @transform_5, window_bounds = array<i64: 128, 128>}, {transform_indices = @transform_6, window_bounds = array<i64: 512, 128>}, {transform_indices = @transform_7, window_bounds = array<i64: 512, 128>}]} {
    %get3A = arith.constant 0 : index
    %get3A_0 = arith.constant 0 : index
    %get3A_1 = vector.load %arg3[%get3A, %get3A_0] : memref<512x128xf32, #tpu.memory_space<vmem>>, vector<512x128xf32>
    %slice3A = vector.extract_strided_slice %get3A_1 {offsets = [0, 0], sizes = [512, 1], strides = [1, 1]} : vector<512x128xf32> to vector<512x1xf32>
    %max3A = arith.constant 1.000000e+00 : f32
    %max3A_2 = vector.broadcast %max3A : f32 to vector<512x1xf32>
    %max3A_3 = arith.maximumf %slice3A, %max3A_2 : vector<512x1xf32>
    %rsqrt3A = math.rsqrt %max3A_3 : vector<512x1xf32>
    %get3A_4 = arith.constant 0 : index
    %get3A_5 = arith.constant 0 : index
    %get3A_6 = vector.load %arg4[%get3A_4, %get3A_5] : memref<512x128xf32, #tpu.memory_space<vmem>>, vector<512x128xf32>
    %slice3A_7 = vector.extract_strided_slice %get3A_6 {offsets = [0, 0], sizes = [512, 1], strides = [1, 1]} : vector<512x128xf32> to vector<512x1xf32>
    %max3A_8 = arith.constant 1.000000e+00 : f32
    %max3A_9 = vector.broadcast %max3A_8 : f32 to vector<512x1xf32>
    %max3A_10 = arith.maximumf %slice3A_7, %max3A_9 : vector<512x1xf32>
    %rsqrt3A_11 = math.rsqrt %max3A_10 : vector<512x1xf32>
    %get3A_12 = arith.constant 0 : index
    %get3A_13 = arith.constant 0 : index
    %get3A_14 = vector.load %arg5[%get3A_12, %get3A_13] : memref<1x128xf32, #tpu.memory_space<vmem>>, vector<1x128xf32>
    %get3A_15 = arith.constant 0 : index
    %get3A_16 = arith.constant 0 : index
    %get3A_17 = vector.load %arg6[%get3A_15, %get3A_16] : memref<128x128xf32, #tpu.memory_space<vmem>>, vector<128x128xf32>
    %get3A_18 = arith.constant 0 : index
    %get3A_19 = arith.constant 0 : index
    %get3A_20 = vector.load %arg1[%get3A_18, %get3A_19] : memref<512x128xf32, #tpu.memory_space<vmem>>, vector<512x128xf32>
    %mul3A = vector.broadcast %rsqrt3A : vector<512x1xf32> to vector<512x128xf32>
    %mul3A_21 = arith.mulf %get3A_20, %mul3A : vector<512x128xf32>
    %add3A = vector.broadcast %get3A_14 : vector<1x128xf32> to vector<512x128xf32>
    %add3A_22 = arith.addf %mul3A_21, %add3A : vector<512x128xf32>
    %max3A_23 = arith.constant 0.000000e+00 : f32
    %max3A_24 = vector.broadcast %max3A_23 : f32 to vector<512x128xf32>
    %max3A_25 = arith.maximumf %add3A_22, %max3A_24 : vector<512x128xf32>
    %get3A_26 = arith.constant 0 : index
    %get3A_27 = arith.constant 0 : index
    %get3A_28 = vector.load %arg2[%get3A_26, %get3A_27] : memref<512x128xf32, #tpu.memory_space<vmem>>, vector<512x128xf32>
    %mul3A_29 = vector.broadcast %rsqrt3A : vector<512x1xf32> to vector<512x128xf32>
    %mul3A_30 = arith.mulf %get3A_28, %mul3A_29 : vector<512x128xf32>
    %add3A_31 = vector.broadcast %get3A_14 : vector<1x128xf32> to vector<512x128xf32>
    %add3A_32 = arith.addf %mul3A_30, %add3A_31 : vector<512x128xf32>
    %max3A_33 = arith.constant 0.000000e+00 : f32
    %max3A_34 = vector.broadcast %max3A_33 : f32 to vector<512x128xf32>
    %max3A_35 = arith.maximumf %add3A_32, %max3A_34 : vector<512x128xf32>
    %dot_general3A = arith.constant dense<0.000000e+00> : vector<512x128xf32>
    %dot_general3A_36 = tpu.matmul %max3A_25, %get3A_17, %dot_general3A {dimension_numbers = #tpu.dot_dimension_numbers<[1], [0], [0], [1], [0, 0, 1, 1], [], []>, transpose_lhs_hint = false} : vector<512x128xf32>, vector<128x128xf32>, vector<512x128xf32> -> vector<512x128xf32>
    %mul3A_37 = vector.broadcast %rsqrt3A_11 : vector<512x1xf32> to vector<512x128xf32>
    %mul3A_38 = arith.mulf %dot_general3A_36, %mul3A_37 : vector<512x128xf32>
    %swap3A = arith.constant 0 : index
    %swap3A_39 = arith.constant 0 : index
    %swap3A_40 = vector.load %arg7[%swap3A, %swap3A_39] : memref<512x128xf32, #tpu.memory_space<vmem>>, vector<512x128xf32>
    tpu.vector_store %arg7[%swap3A, %swap3A_39], %mul3A_38 {strides = array<i32>} : memref<512x128xf32, #tpu.memory_space<vmem>>, vector<512x128xf32>,
    %dot_general3A_41 = arith.constant dense<0.000000e+00> : vector<512x128xf32>
    %dot_general3A_42 = tpu.matmul %max3A_35, %get3A_17, %dot_general3A_41 {dimension_numbers = #tpu.dot_dimension_numbers<[1], [0], [0], [1], [0, 0, 1, 1], [], []>, transpose_lhs_hint = false} : vector<512x128xf32>, vector<128x128xf32>, vector<512x128xf32> -> vector<512x128xf32>
    %mul3A_43 = vector.broadcast %rsqrt3A_11 : vector<512x1xf32> to vector<512x128xf32>
    %mul3A_44 = arith.mulf %dot_general3A_42, %mul3A_43 : vector<512x128xf32>
    %swap3A_45 = arith.constant 0 : index
    %swap3A_46 = arith.constant 0 : index
    %swap3A_47 = vector.load %arg8[%swap3A_45, %swap3A_46] : memref<512x128xf32, #tpu.memory_space<vmem>>, vector<512x128xf32>
    tpu.vector_store %arg8[%swap3A_45, %swap3A_46], %mul3A_44 {strides = array<i32>} : memref<512x128xf32, #tpu.memory_space<vmem>>, vector<512x128xf32>,
    return
  }
  func.func @transform_0(%arg0: i32) -> (i32, i32) {
    %c0_i32 = arith.constant 0 : i32
    %c0_i32_0 = arith.constant 0 : i32
    return %arg0, %c0_i32 : i32, i32
  }
  func.func @transform_1(%arg0: i32) -> (i32, i32) {
    %c0_i32 = arith.constant 0 : i32
    %c0_i32_0 = arith.constant 0 : i32
    return %arg0, %c0_i32 : i32, i32
  }
  func.func @transform_2(%arg0: i32) -> (i32, i32) {
    %c0_i32 = arith.constant 0 : i32
    %c0_i32_0 = arith.constant 0 : i32
    return %arg0, %c0_i32 : i32, i32
  }
  func.func @transform_3(%arg0: i32) -> (i32, i32) {
    %c0_i32 = arith.constant 0 : i32
    %c0_i32_0 = arith.constant 0 : i32
    return %arg0, %c0_i32 : i32, i32
  }
  func.func @transform_4(%arg0: i32) -> (i32, i32) {
    %c0_i32 = arith.constant 0 : i32
    %c0_i32_0 = arith.constant 0 : i32
    %c0_i32_1 = arith.constant 0 : i32
    return %c0_i32, %c0_i32_0 : i32, i32
  }
  func.func @transform_5(%arg0: i32) -> (i32, i32) {
    %c0_i32 = arith.constant 0 : i32
    %c0_i32_0 = arith.constant 0 : i32
    %c0_i32_1 = arith.constant 0 : i32
    return %c0_i32, %c0_i32_0 : i32, i32
  }
  func.func @transform_6(%arg0: i32) -> (i32, i32) {
    %c0_i32 = arith.constant 0 : i32
    %c0_i32_0 = arith.constant 0 : i32
    return %arg0, %c0_i32 : i32, i32
  }
  func.func @transform_7(%arg0: i32) -> (i32, i32) {
    %c0_i32 = arith.constant 0 : i32
    %c0_i32_0 = arith.constant 0 : i32
    return %arg0, %c0_i32 : i32, i32
  }
}

module attributes {stable_mosaic.version = 14 : i64} {
  func.func @_head_body(%arg0: memref<10240x128xf32, #tpu.memory_space<vmem>>, %arg1: memref<10240x128xf32, #tpu.memory_space<vmem>>, %arg2: memref<10240x128xf32, #tpu.memory_space<vmem>>, %arg3: memref<1x128xf32, #tpu.memory_space<vmem>>, %arg4: memref<128x128xf32, #tpu.memory_space<vmem>>, %arg5: memref<1x1xf32, #tpu.memory_space<vmem>>) attributes {dimension_semantics = [], scalar_prefetch = 0 : i64, scratch_operands = 0 : i64, tpu.core_type = #tpu.core_type<tc>} {
    %get3A = arith.constant 0 : index
    %get3A_0 = arith.constant 0 : index
    %get3A_1 = vector.load %arg3[%get3A, %get3A_0] : memref<1x128xf32, #tpu.memory_space<vmem>>, vector<1x128xf32>
    %broadcast_in_dim3A = arith.constant 0.000000e+00 : f32
    %broadcast_in_dim3A_2 = vector.broadcast %broadcast_in_dim3A : f32 to vector<1x128xf32>
    %scan3A = arith.constant 0 : i32
    %scan3A_3 = arith.constant 20 : i32
    %scan3A_4 = arith.addi %scan3A, %scan3A_3 : i32
    %scan3A_5 = arith.constant 1 : i32
    %scan3A_6 = scf.for %scan3A_34 = %scan3A to %scan3A_4 step %scan3A_5 iter_args(%scan3A_35 = %broadcast_in_dim3A_2) -> (vector<1x128xf32>)  : i32 {
      %mul3A = arith.constant 512 : i32
      %mul3A_36 = arith.muli %scan3A_34, %mul3A : i32
      %get3A_37 = arith.index_cast %mul3A_36 : i32 to index
      %get3A_38 = arith.constant 0 : index
      %get3A_39 = vector.load %arg2[%get3A_37, %get3A_38] : memref<10240x128xf32, #tpu.memory_space<vmem>>, vector<512x128xf32>
      %slice3A = vector.extract_strided_slice %get3A_39 {offsets = [0, 0], sizes = [512, 1], strides = [1, 1]} : vector<512x128xf32> to vector<512x1xf32>
      %max3A = arith.constant 1.000000e+00 : f32
      %max3A_40 = vector.broadcast %max3A : f32 to vector<512x1xf32>
      %max3A_41 = arith.maximumf %slice3A, %max3A_40 : vector<512x1xf32>
      %rsqrt3A = math.rsqrt %max3A_41 : vector<512x1xf32>
      %mul3A_42 = arith.constant 512 : i32
      %mul3A_43 = arith.muli %scan3A_34, %mul3A_42 : i32
      %get3A_44 = arith.index_cast %mul3A_43 : i32 to index
      %get3A_45 = arith.constant 0 : index
      %get3A_46 = vector.load %arg0[%get3A_44, %get3A_45] : memref<10240x128xf32, #tpu.memory_space<vmem>>, vector<512x128xf32>
      %mul3A_47 = vector.broadcast %rsqrt3A : vector<512x1xf32> to vector<512x128xf32>
      %mul3A_48 = arith.mulf %get3A_46, %mul3A_47 : vector<512x128xf32>
      %add3A_49 = vector.broadcast %get3A_1 : vector<1x128xf32> to vector<512x128xf32>
      %add3A_50 = arith.addf %mul3A_48, %add3A_49 : vector<512x128xf32>
      %iota3A = tpu.iota {dimensions = array<i32: 0>} : vector<512x1xi32>
      %mul3A_51 = arith.constant 512 : i32
      %mul3A_52 = arith.muli %scan3A_34, %mul3A_51 : i32
      %add3A_53 = vector.broadcast %mul3A_52 : i32 to vector<512x1xi32>
      %add3A_54 = arith.addi %iota3A, %add3A_53 : vector<512x1xi32>
      %lt3A = arith.constant 10000 : i32
      %lt3A_55 = vector.broadcast %lt3A : i32 to vector<512x1xi32>
      %lt3A_56 = arith.cmpi slt, %add3A_54, %lt3A_55 : vector<512x1xi32>
      %convert_element_type3A = arith.extui %lt3A_56 : vector<512x1xi1> to vector<512x1xi32>
      %convert_element_type3A_57 = arith.sitofp %convert_element_type3A : vector<512x1xi32> to vector<512x1xf32>
      %mul3A_58 = vector.broadcast %convert_element_type3A_57 : vector<512x1xf32> to vector<512x128xf32>
      %mul3A_59 = arith.mulf %add3A_50, %mul3A_58 : vector<512x128xf32>
      %reduce_sum3A = arith.constant dense<0.000000e+00> : vector<128xf32>
      %reduce_sum3A_60 = vector.multi_reduction <add>, %mul3A_59, %reduce_sum3A [0] : vector<512x128xf32> to vector<128xf32>
      %broadcast_in_dim3A_61 = vector.shape_cast %reduce_sum3A_60 : vector<128xf32> to vector<1x128xf32>
      %add3A_62 = arith.addf %scan3A_35, %broadcast_in_dim3A_61 : vector<1x128xf32>
      scf.yield %add3A_62 : vector<1x128xf32>
    }
    %scan3A_7 = arith.constant 20 : i32
    %neg3A = arith.constant 0.000000e+00 : f32
    %neg3A_8 = vector.broadcast %neg3A : f32 to vector<1x128xf32>
    %neg3A_9 = arith.subf %neg3A_8, %scan3A_6 : vector<1x128xf32>
    %div3A = arith.constant 1.000000e+04 : f32
    %div3A_10 = vector.broadcast %div3A : f32 to vector<1x128xf32>
    %div3A_11 = arith.divf %neg3A_9, %div3A_10 : vector<1x128xf32>
    %exp3A = math.exp %div3A_11 : vector<1x128xf32>
    %add3A = arith.constant 1.000000e+00 : f32
    %add3A_12 = vector.broadcast %add3A : f32 to vector<1x128xf32>
    %add3A_13 = arith.addf %add3A_12, %exp3A : vector<1x128xf32>
    %div3A_14 = arith.constant 1.000000e+00 : f32
    %div3A_15 = vector.broadcast %div3A_14 : f32 to vector<1x128xf32>
    %div3A_16 = arith.divf %div3A_15, %add3A_13 : vector<1x128xf32>
    %get3A_17 = arith.constant 0 : index
    %get3A_18 = arith.constant 0 : index
    %get3A_19 = vector.load %arg4[%get3A_17, %get3A_18] : memref<128x128xf32, #tpu.memory_space<vmem>>, vector<128x128xf32>
    %dot_general3A = arith.constant dense<0.000000e+00> : vector<1x128xf32>
    %dot_general3A_20 = tpu.matmul %div3A_16, %get3A_19, %dot_general3A {dimension_numbers = #tpu.dot_dimension_numbers<[1], [1], [0], [0], [0, 0, 1, 0], [], []>, transpose_lhs_hint = false} : vector<1x128xf32>, vector<128x128xf32>, vector<1x128xf32> -> vector<1x128xf32>
    %scan3A_21 = arith.constant 0.000000e+00 : f32
    %scan3A_22 = arith.constant 0.000000e+00 : f32
    %scan3A_23 = arith.constant 0 : i32
    %scan3A_24 = arith.constant 20 : i32
    %scan3A_25 = arith.addi %scan3A_23, %scan3A_24 : i32
    %scan3A_26 = arith.constant 1 : i32
    %scan3A_27:2 = scf.for %scan3A_34 = %scan3A_23 to %scan3A_25 step %scan3A_26 iter_args(%scan3A_35 = %scan3A_21, %scan3A_36 = %scan3A_22) -> (f32, f32)  : i32 {
      %mul3A = arith.constant 512 : i32
      %mul3A_37 = arith.muli %scan3A_34, %mul3A : i32
      %get3A_38 = arith.index_cast %mul3A_37 : i32 to index
      %get3A_39 = arith.constant 0 : index
      %get3A_40 = vector.load %arg2[%get3A_38, %get3A_39] : memref<10240x128xf32, #tpu.memory_space<vmem>>, vector<512x128xf32>
      %slice3A = vector.extract_strided_slice %get3A_40 {offsets = [0, 0], sizes = [512, 1], strides = [1, 1]} : vector<512x128xf32> to vector<512x1xf32>
      %max3A = arith.constant 1.000000e+00 : f32
      %max3A_41 = vector.broadcast %max3A : f32 to vector<512x1xf32>
      %max3A_42 = arith.maximumf %slice3A, %max3A_41 : vector<512x1xf32>
      %rsqrt3A = math.rsqrt %max3A_42 : vector<512x1xf32>
      %mul3A_43 = arith.constant 512 : i32
      %mul3A_44 = arith.muli %scan3A_34, %mul3A_43 : i32
      %get3A_45 = arith.index_cast %mul3A_44 : i32 to index
      %get3A_46 = arith.constant 0 : index
      %get3A_47 = vector.load %arg0[%get3A_45, %get3A_46] : memref<10240x128xf32, #tpu.memory_space<vmem>>, vector<512x128xf32>
      %mul3A_48 = vector.broadcast %rsqrt3A : vector<512x1xf32> to vector<512x128xf32>
      %mul3A_49 = arith.mulf %get3A_47, %mul3A_48 : vector<512x128xf32>
      %add3A_50 = vector.broadcast %get3A_1 : vector<1x128xf32> to vector<512x128xf32>
      %add3A_51 = arith.addf %mul3A_49, %add3A_50 : vector<512x128xf32>
      %mul3A_52 = arith.constant 512 : i32
      %mul3A_53 = arith.muli %scan3A_34, %mul3A_52 : i32
      %get3A_54 = arith.index_cast %mul3A_53 : i32 to index
      %get3A_55 = arith.constant 0 : index
      %get3A_56 = vector.load %arg1[%get3A_54, %get3A_55] : memref<10240x128xf32, #tpu.memory_space<vmem>>, vector<512x128xf32>
      %mul3A_57 = vector.broadcast %rsqrt3A : vector<512x1xf32> to vector<512x128xf32>
      %mul3A_58 = arith.mulf %get3A_56, %mul3A_57 : vector<512x128xf32>
      %add3A_59 = vector.broadcast %get3A_1 : vector<1x128xf32> to vector<512x128xf32>
      %add3A_60 = arith.addf %mul3A_58, %add3A_59 : vector<512x128xf32>
      %iota3A = tpu.iota {dimensions = array<i32: 0>} : vector<512x1xi32>
      %mul3A_61 = arith.constant 512 : i32
      %mul3A_62 = arith.muli %scan3A_34, %mul3A_61 : i32
      %add3A_63 = vector.broadcast %mul3A_62 : i32 to vector<512x1xi32>
      %add3A_64 = arith.addi %iota3A, %add3A_63 : vector<512x1xi32>
      %lt3A = arith.constant 10000 : i32
      %lt3A_65 = vector.broadcast %lt3A : i32 to vector<512x1xi32>
      %lt3A_66 = arith.cmpi slt, %add3A_64, %lt3A_65 : vector<512x1xi32>
      %convert_element_type3A = arith.extui %lt3A_66 : vector<512x1xi1> to vector<512x1xi32>
      %convert_element_type3A_67 = arith.sitofp %convert_element_type3A : vector<512x1xi32> to vector<512x1xf32>
      %dot_general3A_68 = arith.constant dense<0.000000e+00> : vector<512x1xf32>
      %dot_general3A_69 = tpu.matmul %add3A_51, %dot_general3A_20, %dot_general3A_68 {dimension_numbers = #tpu.dot_dimension_numbers<[1], [1], [0], [0], [0, 0, 1, 0], [], []>, transpose_lhs_hint = false} : vector<512x128xf32>, vector<1x128xf32>, vector<512x1xf32> -> vector<512x1xf32>
      %dot_general3A_70 = arith.constant dense<0.000000e+00> : vector<512x1xf32>
      %dot_general3A_71 = tpu.matmul %add3A_60, %dot_general3A_20, %dot_general3A_70 {dimension_numbers = #tpu.dot_dimension_numbers<[1], [1], [0], [0], [0, 0, 1, 0], [], []>, transpose_lhs_hint = false} : vector<512x128xf32>, vector<1x128xf32>, vector<512x1xf32> -> vector<512x1xf32>
      %neg3A_72 = arith.constant 0.000000e+00 : f32
      %neg3A_73 = vector.broadcast %neg3A_72 : f32 to vector<512x1xf32>
      %neg3A_74 = arith.subf %neg3A_73, %dot_general3A_69 : vector<512x1xf32>
      %max3A_75 = arith.constant 0.000000e+00 : f32
      %max3A_76 = vector.broadcast %max3A_75 : f32 to vector<512x1xf32>
      %max3A_77 = arith.maximumf %neg3A_74, %max3A_76 : vector<512x1xf32>
      %abs3A = math.absf %neg3A_74 : vector<512x1xf32>
      %neg3A_78 = arith.constant 0.000000e+00 : f32
      %neg3A_79 = vector.broadcast %neg3A_78 : f32 to vector<512x1xf32>
      %neg3A_80 = arith.subf %neg3A_79, %abs3A : vector<512x1xf32>
      %exp3A_81 = math.exp %neg3A_80 : vector<512x1xf32>
      %add3A_82 = arith.constant 1.000000e+00 : f32
      %add3A_83 = vector.broadcast %add3A_82 : f32 to vector<512x1xf32>
      %add3A_84 = arith.addf %add3A_83, %exp3A_81 : vector<512x1xf32>
      %log3A = math.log %add3A_84 : vector<512x1xf32>
      %add3A_85 = arith.addf %max3A_77, %log3A : vector<512x1xf32>
      %mul3A_86 = arith.mulf %add3A_85, %convert_element_type3A_67 : vector<512x1xf32>
      %reduce_sum3A = vector.shape_cast %mul3A_86 : vector<512x1xf32> to vector<1x512x1xf32>
      %reduce_sum3A_87 = arith.constant dense<0.000000e+00> : vector<1xf32>
      %reduce_sum3A_88 = vector.multi_reduction <add>, %reduce_sum3A, %reduce_sum3A_87 [1, 2] : vector<1x512x1xf32> to vector<1xf32>
      %reduce_sum3A_89 = vector.shape_cast %reduce_sum3A_88 : vector<1xf32> to vector<1x1x1xf32>
      %reduce_sum3A_90 = vector.extract %reduce_sum3A_89[0, 0, 0] : f32 from vector<1x1x1xf32>
      %add3A_91 = arith.addf %scan3A_35, %reduce_sum3A_90 : f32
      %max3A_92 = arith.constant 0.000000e+00 : f32
      %max3A_93 = vector.broadcast %max3A_92 : f32 to vector<512x1xf32>
      %max3A_94 = arith.maximumf %dot_general3A_71, %max3A_93 : vector<512x1xf32>
      %abs3A_95 = math.absf %dot_general3A_71 : vector<512x1xf32>
      %neg3A_96 = arith.constant 0.000000e+00 : f32
      %neg3A_97 = vector.broadcast %neg3A_96 : f32 to vector<512x1xf32>
      %neg3A_98 = arith.subf %neg3A_97, %abs3A_95 : vector<512x1xf32>
      %exp3A_99 = math.exp %neg3A_98 : vector<512x1xf32>
      %add3A_100 = arith.constant 1.000000e+00 : f32
      %add3A_101 = vector.broadcast %add3A_100 : f32 to vector<512x1xf32>
      %add3A_102 = arith.addf %add3A_101, %exp3A_99 : vector<512x1xf32>
      %log3A_103 = math.log %add3A_102 : vector<512x1xf32>
      %add3A_104 = arith.addf %max3A_94, %log3A_103 : vector<512x1xf32>
      %mul3A_105 = arith.mulf %add3A_104, %convert_element_type3A_67 : vector<512x1xf32>
      %reduce_sum3A_106 = vector.shape_cast %mul3A_105 : vector<512x1xf32> to vector<1x512x1xf32>
      %reduce_sum3A_107 = arith.constant dense<0.000000e+00> : vector<1xf32>
      %reduce_sum3A_108 = vector.multi_reduction <add>, %reduce_sum3A_106, %reduce_sum3A_107 [1, 2] : vector<1x512x1xf32> to vector<1xf32>
      %reduce_sum3A_109 = vector.shape_cast %reduce_sum3A_108 : vector<1xf32> to vector<1x1x1xf32>
      %reduce_sum3A_110 = vector.extract %reduce_sum3A_109[0, 0, 0] : f32 from vector<1x1x1xf32>
      %add3A_111 = arith.addf %scan3A_36, %reduce_sum3A_110 : f32
      scf.yield %add3A_91, %add3A_111 : f32, f32
    }
    %scan3A_28 = arith.constant 20 : i32
    %add3A_29 = arith.addf %scan3A_27#0, %scan3A_27#1 : f32
    %div3A_30 = arith.constant 1.000000e+04 : f32
    %div3A_31 = arith.divf %add3A_29, %div3A_30 : f32
    %reshape3A = vector.broadcast %div3A_31 : f32 to vector<1x1xf32>
    %swap3A = arith.constant 0 : index
    %swap3A_32 = arith.constant 0 : index
    %swap3A_33 = vector.load %arg5[%swap3A, %swap3A_32] : memref<1x1xf32, #tpu.memory_space<vmem>>, vector<1x1xf32>
    tpu.vector_store %arg5[%swap3A, %swap3A_32], %reshape3A {strides = array<i32>} : memref<1x1xf32, #tpu.memory_space<vmem>>, vector<1x1xf32>,
    return
  }
}

</mosaic_0001>

<sc_bundles>
// kernel: kernel.10.cloned.1.call-start
scs
__scs_entry_jumppad:
0x0: {  	(pc) =	sbr.rel $0x88, $3  }
0x1: {  	(tag) =	ssettag $0x0;
	lr =	simm.s32 $0x1  }
0x2: {  	[smem:$0x3F9A] =	sst lr;
	_ =	strace $0xD0000000  }
0x3: {  	_ = 	snop  }
0x4: {  	_ = 	snop  }
0x5: {  	_ = 	snop  }
0x6: {  	_ = 	snop  }
0x7: {  	_ = 	snop  }
__scs_overlays_trampoline_lowered:
0x8: {  	[smem:$0x3FA9] =	sst s0  }
0x9: {  	[smem:$0x3FAA] =	sst s1  }
0xa: {  	[smem:$0x3FAB] =	sst s2  }
0xb: {  	[smem:$0x3FAC] =	sst s3  }
0xc: {  	[smem:$0x3FAD] =	sst s4  }
0xd: {  	[smem:$0x3FAE] =	sst s5  }
0xe: {  	[smem:$0x3FAF] =	sst s6  }
0xf: {  	[smem:$0x3FB0] =	sst s7  }
0x10: {  	[smem:$0x3FB1] =	sst s8  }
0x11: {  	[smem:$0x3FB2] =	sst s9;
	s0 =	simm.s32 @!p0 $0x0  }
0x12: {  	s1 =	sld [smem:$0x3F98];
	s0 =	simm.s32 @p0 $0x1  }
0x13: {  	[smem:$0x3FB3] =	sst s0;
	s0 =	simm.s32 @!p1 $0x0  }
0x14: {  	s2 =	sld [smem:$0x3F97];
	s0 =	simm.s32 @p1 $0x1  }
0x15: {  	[smem:$0x3FB4] =	sst s0;
	s0 =	simm.s32 @!p2 $0x0  }
0x16: {  	s3 =	sld [smem:$0x3FDB];
	s0 =	simm.s32 @p2 $0x1  }
0x17: {  	s4 =	simm.s32 $0x1BF5;
	[smem:$0x3FB6] =	sst s0  }
0x18: {  	s0 =	sld [smem:$0x3F99];
	_ =	swait.ge [sflag:s4], $0x0  }
0x19: {  	s7 =	sld [smem:$0x3F9A]  }
0x1a: {  	s8 =	sadd.s32 $0xFFFFE003, lr  }
0x1b: {  	s9 =	sadd.s32 $0xFFFFFEF7, lr;
	s5 =	simm.s32 $0xFFFFFFFF;
	p2 =	slt.u32 s8, $0xFFFFF086  }
0x1c: {  	p1 =	slt.u32 s9, $0xF7A;
	s5 =	simm.s32 @!p2 $0x0  }
0x1d: {  	s5 =	simm.s32 @p1 $0x1;
	p0 =	seq.s32 s7, s2  }
0x1e: {  	s7 =	smul.u32 @!p0 $0xF7A, s2;
	p2 =	seq.s32 @!p0 s5, $0x0  }
0x1f: {  	s9 =	smul.u32 $0xF7A, s1;
	s8 =	simm.s32 @!p0 $0x1BF5;
	p2 =	por !p2, p0  }
0x20: {  	[sflag:s8] =	ssyncset.s32 @!p0 $0xFFFFF086;
	s6 =	sadd.s32 @!p0 s3, s7;
	s7 =	simm.s32 @!p0 $0x108  }
0x21: {  	s3 =	sadd.s32 s3, s9;
	s6 =	sadd.s32 @!p0 $0x88, s6;
	s7 =	simm.s32 @p2 $0x1082  }
0x22: {  	[simem:s7], [sflag:s8] =	dma.local @!p0 [hbm:s6], $0xF7A  }
0x23: {  	s9 =	sor.u32 $0xD0000000, s2;
	s6 =	simm.s32 $0x108;
	_ =	swait.ge @!p0 [sflag:s8], $0x0  }
0x24: {  	s3 =	sadd.s32 $0x88, s3;
	s6 =	simm.s32 @!p1 $0x1082;
	[sflag:s4] =	ssyncset.s32 $0xFFFFF086  }
0x25: {  	[simem:s6], [sflag:s4] =	dma.local [hbm:s3], $0xF7A  }
0x26: {  	[smem:$0x3F9A] =	sst s1;
	(tag) =	ssettag s2;
	_ =	strace s9  }
0x27: {  	s1 =	sld [smem:$0x3FAA]  }
0x28: {  	s2 =	sld [smem:$0x3FAB]  }
0x29: {  	s4 =	sld [smem:$0x3FAD]  }
0x2a: {  	p0 =	seq.s32 s5, $0x0;
	s5 =	sld [smem:$0x3FAE]  }
0x2b: {  	s6 =	sld [smem:$0x3FAF]  }
0x2c: {  	s7 =	sld [smem:$0x3FB0]  }
0x2d: {  	s3 =	simm.s32 $0x108;
	s8 =	sld [smem:$0x3FB1]  }
0x2e: {  	s3 =	simm.s32 @!p0 $0x1082;
	s9 =	sld [smem:$0x3FB2]  }
0x2f: {  	lr =	sadd.s32 s0, s3;
	s0 =	sld [smem:$0x3FA9]  }
0x30: {  	s3 =	sld [smem:$0x3FAC]  }
0x31: {  	[smem:$0x3FB5] =	sst s10  }
0x32: {  	s10 =	sld [smem:$0x3FB3];
	_ =	sdelay $0x3  }
0x33: {  	p0 =	seq.s32 s10, $0x1;
	s10 =	sld [smem:$0x3FB5];
	_ =	sdelay $0x3  }
0x34: {  	[smem:$0x3FB5] =	sst s10  }
0x35: {  	s10 =	sld [smem:$0x3FB4];
	_ =	sdelay $0x3  }
0x36: {  	p1 =	seq.s32 s10, $0x1;
	s10 =	sld [smem:$0x3FB5];
	_ =	sdelay $0x3  }
0x37: {  	[smem:$0x3FB5] =	sst s10  }
0x38: {  	s10 =	sld [smem:$0x3FB6]  }
0x39: {  	_ = 	snop;
	(pc) =	sbr.ind lr, $3  }
0x3a: {  	_ = 	snop  }
0x3b: {  	_ = 	snop  }
0x3c: {  	p2 =	seq.s32 s10, $0x1;
	s10 =	sld [smem:$0x3FB5]  }
0x3d: {  	_ =	shalt  }
0x3e: {  	_ =	shalt  }
0x3f: {  	_ =	shalt  }
0x40: {  	_ =	shalt  }
0x41: {  	_ =	shalt  }
0x42: {  	_ =	shalt  }
0x43: {  	_ =	shalt  }
0x44: {  	_ =	shalt  }
0x45: {  	_ =	shalt  }
0x46: {  	_ =	shalt  }
0x47: {  	_ =	shalt  }
0x48: {  	_ =	shalt  }
0x49: {  	_ =	shalt  }
0x4a: {  	_ =	shalt  }
0x4b: {  	_ =	shalt  }
0x4c: {  	_ =	shalt  }
0x4d: {  	_ =	shalt  }
0x4e: {  	_ =	shalt  }
0x4f: {  	_ =	shalt  }
0x50: {  	_ =	shalt  }
0x51: {  	_ =	shalt  }
0x52: {  	_ =	shalt  }
0x53: {  	_ =	shalt  }
0x54: {  	_ =	shalt  }
0x55: {  	_ =	shalt  }
0x56: {  	_ =	shalt  }
0x57: {  	_ =	shalt  }
0x58: {  	_ =	shalt  }
0x59: {  	_ =	shalt  }
0x5a: {  	_ =	shalt  }
0x5b: {  	_ =	shalt  }
0x5c: {  	_ =	shalt  }
0x5d: {  	_ =	shalt  }
0x5e: {  	_ =	shalt  }
0x5f: {  	_ =	shalt  }
0x60: {  	_ =	shalt  }
0x61: {  	_ =	shalt  }
0x62: {  	_ =	shalt  }
0x63: {  	_ =	shalt  }
0x64: {  	_ =	shalt  }
0x65: {  	_ =	shalt  }
0x66: {  	_ =	shalt  }
0x67: {  	_ =	shalt  }
0x68: {  	_ =	shalt  }
0x69: {  	_ =	shalt  }
0x6a: {  	_ =	shalt  }
0x6b: {  	_ =	shalt  }
0x6c: {  	_ =	shalt  }
0x6d: {  	_ =	shalt  }
0x6e: {  	_ =	shalt  }
0x6f: {  	_ =	shalt  }
0x70: {  	_ =	shalt  }
0x71: {  	_ =	shalt  }
0x72: {  	_ =	shalt  }
0x73: {  	_ =	shalt  }
0x74: {  	_ =	shalt  }
0x75: {  	_ =	shalt  }
0x76: {  	_ =	shalt  }
0x77: {  	_ =	shalt  }
0x78: {  	_ =	shalt  }
0x79: {  	_ =	shalt  }
0x7a: {  	_ =	shalt  }
0x7b: {  	_ =	shalt  }
0x7c: {  	_ =	shalt  }
0x7d: {  	_ =	shalt  }
0x7e: {  	_ =	shalt  }
0x7f: {  	_ =	shalt  }
0x80: {  	_ =	shalt  }
0x81: {  	_ =	shalt  }
0x82: {  	_ =	shalt  }
0x83: {  	_ =	shalt  }
0x84: {  	_ =	shalt  }
0x85: {  	_ =	shalt  }
0x86: {  	_ =	shalt  }
0x87: {  	_ =	shalt  }
.Lfunc_end0:
.L_simem_size_0:
called_computation_lowered:
.L_overlay_start_0:
0x88: {  	s2 =	sld [smem:$0x3FD9]  }
0x89: {  	s3 =	sld [smem:$0x3FFE];
	_ =	sdelay $0x1  }
0x8a: {  	s1 =	srdreg.scid  }
0x8b: {  	s0 =	sand.u32 $0x1, s1  }
0x8c: {  	s16 =	sshll.u32 s0, $0xA;
	s2 =	sadd.s32 s3, s2  }
0x8d: {  	s2 =	sadd.s32 s2, s16  }
0x8e: {  	[smem:$0x3FC1] =	sst s2  }
0x8f: {  	_ = 	snop  }
0x90: {  	(tm) =	ssettm $0x1  }
0x91: {  	s17 =	sld [smem:$0x3FFB];
	_ =	sdelay $0x3  }
0x92: {  	_ =	strace s17  }
0x93: {  	s2 =	sld [smem:$0x3FFC];
	_ =	sdelay $0x3  }
0x94: {  	_ =	strace s2  }
0x95: {  	s2 =	sld [smem:$0x3FFD];
	_ =	sdelay $0x3  }
0x96: {  	_ =	strace s2  }
0x97: {  	_ =	strace $0x8FFFFFFF  }
0x98: {  	s18 =	sld [smem:$0x3FDB];
	_ =	sdelay $0x1  }
0x99: {  	s19 =	simm.s32 $_scs_section_size  }
0x9a: {  	s4 =	simm.s32 $_size__tile_overlayer_lowered;
	s5 =	simm.s32 $_tile_overlayer_lowered  }
0x9b: {  	s22 =	simm.s32 $0x1BFF;
	s21 =	sshll.u32 s5, $0x1;
	s2 =	sadd.s32 s19, s18  }
0x9c: {  	s6 =	simm.s32 $0x0;
	s20 =	sshll.u32 s4, $0x1;
	s4 =	sadd.s32 s21, s2  }
0x9d: {  	[timem:s6], [sflag:s22] =	dma.local [hbm:s4], s20  }
0x9e: {  	_ =	swait.ge [sflag:s22], s20  }
0x9f: {  	s3 =	ssub.s32 $0x0, s20;
	[sflag:s22] =	ssyncset.done $0x0  }
0xa0: {  	[sflag:s22] =	ssyncadd.s32 s3;
	_ =	sdelay $0x1  }
0xa1: {  	s23 =	simm.s32 $0x1B8B  }
0xa2: {  	_ =	swait.ge [sflag:s23], $0x1  }
0xa3: {  	[sflag:s23] =	ssyncset.done $0x0  }
0xa4: {  	s25 =	simm.s32 $0x1B8E;
	s24 =	sld [smem:$0x3FFE];
	[sflag:s23] =	ssyncadd.s32 $0xFFFFFFFF  }
0xa5: {  	s26 =	simm.s32 $execute0_lowered;
	[smem:$0x3FD2] =	sst s25  }
0xa6: {  	s4 =	sshll.u32 s26, $0x1;
	_ =	strace $0x80000046;
	[dreg:$0x1] =	wrdreg $0xFFFFFFFF  }
0xa7: {  	s28 =	simm.s32 $_size_execute0_lowered;
	s2 =	sadd.s32 s2, s4;
	[dreg:$0x0] =	wrdreg $0x0  }
0xa8: {  	s4 =	sshll.u32 s28, $0x1;
	[dreg:$0x2] =	wrdreg s2  }
0xa9: {  	[dreg:$0x3] =	wrdreg s4  }
0xaa: {  	[dreg:$0x4] =	wrdreg $0xC0  }
0xab: {  	_ =	task [dreg:s6], $0x5FFFF  }
0xac: {  	[dreg:$0x1] =	wrdreg $0xFFFFFFFF  }
0xad: {  	[dreg:$0x0] =	wrdreg $0x60  }
0xae: {  	[dreg:$0x2] =	wrdreg s24  }
0xaf: {  	[dreg:$0x3] =	wrdreg $0x9  }
0xb0: {  	_ =	task.clear_ibuf [dreg:s6], $0x4FFFF;
	_ =	strace $0x90000046  }
0xb1: {  	s29 =	simm.s32 $0x9;
	_ =	strace $0x80000048  }
0xb2: {  	_ =	swait.ge [sflag:s29], $0x1  }
0xb3: {  	[sflag:s29] =	ssyncadd.s32 $0xFFFFFFFF  }
0xb4: {  	_ =	strace $0x90000048  }
0xb5: {  	_ =	sfence  }
0xb6: {  	s30 =	sld [smem:$0x0];
	_ =	sdelay $0x2  }
0xb7: {  	s31 =	sshll.u32 s1, $0xD;
	s1 =	sshrl.u32 s1, $0x2  }
0xb8: {  	s3 =	sand.u32 $0x4000, s31;
	s1 =	sadd.s32 s1, s30  }
0xb9: {  	s0 =	sor.u32 s3, s0;
	s1 =	sshll.u32 s1, $0x11  }
0xba: {  	s0 =	sor.u32 s1, s0  }
0xbb: {  	s0 =	sadd.s32 $0x8F2B, s0  }
0xbc: {  	[sflag:s0] =	ssyncadd.remote.s32 $0x1  }
0xbd: {  	_ =	sfence.sel $0xFFFF  }
0xbe: {  	[dreg:$0x0] =	wrdreg $0xFFFFFFFF;
	(pc) =	sbr.abs _section_cstart, $3  }
0xbf: {  	[dreg:$0x1] =	wrdreg $0xFFFFFFFF  }
0xc0: {  	_ =	task.clear_ibuf [dreg:s6], $0x2FFFF;
	_ =	strace $0x9FFFFFFF  }
0xc1: {  	(tm) =	ssettm $0x7FFFFFFF  }
tec
execute0_lowered:
.L_overlay_start_1:
0x0: {  	(tag) =	ssettag $0x1  }
0x1: {  	s0 =	srdreg.scid  }
0x2: {  	s15 =	sand.u32 $0x1, s0  }
0x3: {  	s8 =	rddreg [dreg:$0x0];
	s1 =	stileid.u32;
	s3 =	sshll.u32 s15, $0x4  }
0x4: {  	s2 =	simm.s32 $0x0;
	s4 =	simm.s32 $0x3;
	s10 =	sor.u32 s1, s3  }
0x5: {  	[smem:$0x7FF] =	sst s2;
	s12 =	sadd.s32 $0x2AC00, s8;
	s3 =	sshll.u32 s10, $0x4  }
0x6: {  	s0 =	rddreg [dreg:$0x1];
	_ =	strace $0x80000047;
	s3 =	sadd.s32 s12, s3  }
0x7: {  	[tilespmem:s2], [sflag:$0x3] =	stream.linear.gather [hbm4b:s3+s2], $0x80, $0x38;
	[tilespmem:$0x4080] =	vst v63  }
0x8: {  	_ =	swait.ge [sflag:s4], $0x80  }
0x9: {  	s6 =	simm.s32 $0x80;
	[sflag:s4] =	ssyncset.done $0x0  }
0xa: {  	s7 =	simm.s32 $0x1;
	s5 =	sadd.s32 $0x2C00, s8;
	[sflag:s4] =	ssyncadd.s32 $0xFFFFFF80  }
0xb: {  	[tilespmem:s6], [sflag:$0x1] =	stream.indirect.gather [hbm4b:s5+s6], $0x80, s2, s6, $0xb8;
	[tilespmem:$0x4080] =	vst v63  }
0xc: {  	_ =	swait.ge [sflag:s7], $0x4000  }
0xd: {  	s17 =	sadd.s32 $0x2B200, s8;
	s31 =	sshll.u32 s10, $0xB;
	[sflag:s7] =	ssyncset.done $0x0  }
0xe: {  	s9 =	simm.s32 $0x2;
	s8 =	sadd.s32 s17, s31;
	[sflag:s7] =	ssyncadd.s32 $0xFFFFC000  }
0xf: {  	[hbm4b:s8+s2] =	stream.linear.scatter [tilespmem:s6], [sflag:$0x2], $0x4000, $0x38;
	[tilespmem:$0x4080] =	vst v63  }
0x10: {  	s11 =	sor.u32 $0x20, s10;
	_ =	swait.ge [sflag:s9], $0x4000  }
0x11: {  	s10 =	sshll.u32 s11, $0x4;
	[sflag:s9] =	ssyncset.done $0x0  }
0x12: {  	s10 =	sadd.s32 s12, s10;
	[sflag:s9] =	ssyncadd.s32 $0xFFFFC000  }
0x13: {  	[tilespmem:s2], [sflag:$0x3] =	stream.linear.gather [hbm4b:s10+s2], $0x80, $0x38;
	[tilespmem:$0x4080] =	vst v63  }
0x14: {  	_ =	swait.ge [sflag:s4], $0x80  }
0x15: {  	[sflag:s4] =	ssyncset.done $0x0  }
0x16: {  	[sflag:s4] =	ssyncadd.s32 $0xFFFFFF80  }
0x17: {  	[tilespmem:s6], [sflag:$0x1] =	stream.indirect.gather [hbm4b:s5+s6], $0x80, s2, s6, $0xb8;
	[tilespmem:$0x4080] =	vst v63  }
0x18: {  	_ =	swait.ge [sflag:s7], $0x4000  }
0x19: {  	s18 =	sor.u32 $0x40, s1;
	s11 =	sshll.u32 s11, $0xB;
	[sflag:s7] =	ssyncset.done $0x0  }
0x1a: {  	s13 =	sshll.u32 s18, $0x4;
	s11 =	sadd.s32 s17, s11;
	[sflag:s7] =	ssyncadd.s32 $0xFFFFC000  }
0x1b: {  	[hbm4b:s11+s2] =	stream.linear.scatter [tilespmem:s6], [sflag:$0x2], $0x4000, $0x38;
	[tilespmem:$0x4080] =	vst v63  }
0x1c: {  	p0 =	sne.s32 s15, $0x0;
	s19 =	ssub.s32 $0x2, s15;
	_ =	swait.ge [sflag:s9], $0x4000  }
0x1d: {  	s14 =	simm.s32 @!p0 $0x3;
	s20 =	sshrl.u32 s19, $0x1;
	[sflag:s9] =	ssyncset.done $0x0  }
0x1e: {  	s12 =	sadd.s32 s12, s13;
	s13 =	simm.s32 @!p0 $0x0;
	[sflag:s9] =	ssyncadd.s32 $0xFFFFC000  }
0x1f: {  	[tilespmem:s13], [sflag:$0x3] =	stream.linear.gather @!p0 [hbm4b:s12+s13], $0x80, $0x38;
	[tilespmem:$0x4080] =	vst v63  }
0x20: {  	s19 =	ssub.s32 s19, s20;
	_ =	swait.ge @!p0 [sflag:s14], $0x80  }
0x21: {  	s15 =	simm.s32 @!p0 $0x80;
	s19 =	smax.u32 s19, $0x1;
	[sflag:s14] =	ssyncset.done @!p0 $0x0  }
0x22: {  	s16 =	simm.s32 @!p0 $0x1;
	s19 =	sadd.s32 $0xFFFFFFFF, s19;
	[sflag:s14] =	ssyncadd.s32 @!p0 $0xFFFFFF80  }
0x23: {  	[tilespmem:s15], [sflag:$0x1] =	stream.indirect.gather @!p0 [hbm4b:s5+s15], $0x80, s13, s15, $0xb8;
	[tilespmem:$0x4080] =	vst v63  }
0x24: {  	p1 =	sne.s32 s19, $0x0;
	_ =	swait.ge @!p0 [sflag:s16], $0x4000  }
.Ltmp0:
0x25: {  	s18 =	sshll.u32 s18, $0xB;
	[sflag:s16] =	ssyncset.done @!p0 $0x0;
	(pc) =	sbr.rel @!p1 .LBB2_2-.Ltmp0, $4  }
0x26: {  	s18 =	sadd.s32 s17, s18;
	s17 =	simm.s32 @!p0 $0x2;
	[sflag:s16] =	ssyncadd.s32 @!p0 $0xFFFFC000  }
0x27: {  	[hbm4b:s18+s13] =	stream.linear.scatter @!p0 [tilespmem:s15], [sflag:$0x2], $0x4000, $0x38;
	[tilespmem:$0x4080] =	vst v63  }
0x28: {  	_ =	swait.ge @!p0 [sflag:s17], $0x4000  }
0x29: {  	[sflag:s17] =	ssyncset.done @!p0 $0x0  }
.LBB2_1:
0x2a: {  	s19 =	sadd.s32 $0xFFFFFFFF, s19;
	[sflag:s17] =	ssyncadd.s32 @!p0 $0xFFFFC000  }
0x2b: {  	[tilespmem:s2], [sflag:$0x3] =	stream.linear.gather [hbm4b:s3+s2], $0x80, $0x38;
	[tilespmem:$0x4080] =	vst v63  }
0x2c: {  	p1 =	sne.s32 s19, $0x0;
	_ =	swait.ge [sflag:s4], $0x80  }
0x2d: {  	[sflag:s4] =	ssyncset.done $0x0  }
0x2e: {  	[sflag:s4] =	ssyncadd.s32 $0xFFFFFF80  }
0x2f: {  	[tilespmem:s6], [sflag:$0x1] =	stream.indirect.gather [hbm4b:s5+s6], $0x80, s2, s6, $0xb8;
	[tilespmem:$0x4080] =	vst v63  }
0x30: {  	_ =	swait.ge [sflag:s7], $0x4000  }
0x31: {  	[sflag:s7] =	ssyncset.done $0x0  }
0x32: {  	[sflag:s7] =	ssyncadd.s32 $0xFFFFC000  }
0x33: {  	[hbm4b:s8+s2] =	stream.linear.scatter [tilespmem:s6], [sflag:$0x2], $0x4000, $0x38;
	[tilespmem:$0x4080] =	vst v63  }
0x34: {  	_ =	swait.ge [sflag:s9], $0x4000  }
0x35: {  	[sflag:s9] =	ssyncset.done $0x0  }
0x36: {  	[sflag:s9] =	ssyncadd.s32 $0xFFFFC000  }
0x37: {  	[tilespmem:s2], [sflag:$0x3] =	stream.linear.gather [hbm4b:s10+s2], $0x80, $0x38;
	[tilespmem:$0x4080] =	vst v63  }
0x38: {  	_ =	swait.ge [sflag:s4], $0x80  }
0x39: {  	[sflag:s4] =	ssyncset.done $0x0  }
0x3a: {  	[sflag:s4] =	ssyncadd.s32 $0xFFFFFF80  }
0x3b: {  	[tilespmem:s6], [sflag:$0x1] =	stream.indirect.gather [hbm4b:s5+s6], $0x80, s2, s6, $0xb8;
	[tilespmem:$0x4080] =	vst v63  }
0x3c: {  	_ =	swait.ge [sflag:s7], $0x4000  }
0x3d: {  	[sflag:s7] =	ssyncset.done $0x0  }
0x3e: {  	[sflag:s7] =	ssyncadd.s32 $0xFFFFC000  }
0x3f: {  	[hbm4b:s11+s2] =	stream.linear.scatter [tilespmem:s6], [sflag:$0x2], $0x4000, $0x38;
	[tilespmem:$0x4080] =	vst v63  }
0x40: {  	_ =	swait.ge [sflag:s9], $0x4000  }
0x41: {  	[sflag:s9] =	ssyncset.done $0x0  }
0x42: {  	[sflag:s9] =	ssyncadd.s32 $0xFFFFC000  }
0x43: {  	[tilespmem:s13], [sflag:$0x3] =	stream.linear.gather @!p0 [hbm4b:s12+s13], $0x80, $0x38;
	[tilespmem:$0x4080] =	vst v63  }
0x44: {  	_ =	swait.ge @!p0 [sflag:s14], $0x80  }
0x45: {  	[sflag:s14] =	ssyncset.done @!p0 $0x0  }
0x46: {  	[sflag:s14] =	ssyncadd.s32 @!p0 $0xFFFFFF80  }
0x47: {  	[tilespmem:s15], [sflag:$0x1] =	stream.indirect.gather @!p0 [hbm4b:s5+s15], $0x80, s13, s15, $0xb8;
	[tilespmem:$0x4080] =	vst v63  }
0x48: {  	_ =	swait.ge @!p0 [sflag:s16], $0x4000  }
.Ltmp1:
0x49: {  	[sflag:s16] =	ssyncset.done @!p0 $0x0;
	(pc) =	sbr.rel @p1 .LBB2_1-.Ltmp1, $4  }
0x4a: {  	[sflag:s16] =	ssyncadd.s32 @!p0 $0xFFFFC000  }
0x4b: {  	[hbm4b:s18+s13] =	stream.linear.scatter @!p0 [tilespmem:s15], [sflag:$0x2], $0x4000, $0x38;
	[tilespmem:$0x4080] =	vst v63  }
0x4c: {  	_ =	swait.ge @!p0 [sflag:s17], $0x4000  }
0x4d: {  	[sflag:s17] =	ssyncset.done @!p0 $0x0  }
.LBB2_2:
0x4e: {  	[sflag:s17] =	ssyncadd.s32 @!p0 $0xFFFFC000  }
0x4f: {  	_ =	sfence.sel $0x180000  }
0x50: {  	[bflag:$0x0] =	sbarrier.arrive $0xFFFF  }
0x51: {  	p0 =	sne.s32 s1, $0x0;
	_ =	strace $0x90000047  }
0x52: {  	s0 =	sadd.s32 @!p0 $0x100000, s0;
	[bflag:$0x2] =	sbarrier.arrive $0xFFFF  }
0x53: {  	[sflag:s0] =	ssyncadd.tile.s32 @!p0 $0x1;
	_ =	shalt  }
.Lfunc_end2:
_tile_overlayer_lowered:
.L_overlay_start_2:
0x54: {  	(tag) =	ssettag $0x2  }
0x55: {  	s0 =	rddreg [dreg:$0x0];
	s2 =	stileid.u32  }
0x56: {  	s1 =	rddreg [dreg:$0x1];
	p0 =	sne.s32 s2, $0x0  }
0x57: {  	s3 =	rddreg [dreg:$0x2];
	[bflag:$0x3] =	sbarrier.arrive $0xFFFF;
	s2 =	simm.s32 @!p0 $0x1C02  }
0x58: {  	[timem:s3], [sflag:s2] =	dma.local @!p0 [hbm:s0], s1  }
0x59: {  	s0 =	simm.s32 @!p0 $0x2  }
0x5a: {  	_ =	swait.ge @!p0 [sflag:s0], s1  }
0x5b: {  	s1 =	ssub.s32 @!p0 $0x0, s1;
	[sflag:s0] =	ssyncset.done @!p0 $0x0  }
0x5c: {  	[sflag:s0] =	ssyncadd.s32 @!p0 s1  }
0x5d: {  	[bflag:$0x3] =	sbarrier.arrive $0xFFFF  }
0x5e: {  	_ =	shalt  }

// kernel: kernel.13.cloned.1.call-start
scs
__scs_entry_jumppad:
0x0: {  	(pc) =	sbr.rel $0x88, $3  }
0x1: {  	(tag) =	ssettag $0x0;
	lr =	simm.s32 $0x1  }
0x2: {  	[smem:$0x3F9A] =	sst lr;
	_ =	strace $0xD0000000  }
0x3: {  	_ = 	snop  }
0x4: {  	_ = 	snop  }
0x5: {  	_ = 	snop  }
0x6: {  	_ = 	snop  }
0x7: {  	_ = 	snop  }
__scs_overlays_trampoline_lowered:
0x8: {  	[smem:$0x3FA9] =	sst s0  }
0x9: {  	[smem:$0x3FAA] =	sst s1  }
0xa: {  	[smem:$0x3FAB] =	sst s2  }
0xb: {  	[smem:$0x3FAC] =	sst s3  }
0xc: {  	[smem:$0x3FAD] =	sst s4  }
0xd: {  	[smem:$0x3FAE] =	sst s5  }
0xe: {  	[smem:$0x3FAF] =	sst s6  }
0xf: {  	[smem:$0x3FB0] =	sst s7  }
0x10: {  	[smem:$0x3FB1] =	sst s8  }
0x11: {  	[smem:$0x3FB2] =	sst s9;
	s0 =	simm.s32 @!p0 $0x0  }
0x12: {  	s1 =	sld [smem:$0x3F98];
	s0 =	simm.s32 @p0 $0x1  }
0x13: {  	[smem:$0x3FB3] =	sst s0;
	s0 =	simm.s32 @!p1 $0x0  }
0x14: {  	s2 =	sld [smem:$0x3F97];
	s0 =	simm.s32 @p1 $0x1  }
0x15: {  	[smem:$0x3FB4] =	sst s0;
	s0 =	simm.s32 @!p2 $0x0  }
0x16: {  	s3 =	sld [smem:$0x3FDB];
	s0 =	simm.s32 @p2 $0x1  }
0x17: {  	s4 =	simm.s32 $0x1BF5;
	[smem:$0x3FB6] =	sst s0  }
0x18: {  	s0 =	sld [smem:$0x3F99];
	_ =	swait.ge [sflag:s4], $0x0  }
0x19: {  	s7 =	sld [smem:$0x3F9A]  }
0x1a: {  	s8 =	sadd.s32 $0xFFFFE003, lr  }
0x1b: {  	s9 =	sadd.s32 $0xFFFFFEF7, lr;
	s5 =	simm.s32 $0xFFFFFFFF;
	p2 =	slt.u32 s8, $0xFFFFF086  }
0x1c: {  	p1 =	slt.u32 s9, $0xF7A;
	s5 =	simm.s32 @!p2 $0x0  }
0x1d: {  	s5 =	simm.s32 @p1 $0x1;
	p0 =	seq.s32 s7, s2  }
0x1e: {  	s7 =	smul.u32 @!p0 $0xF7A, s2;
	p2 =	seq.s32 @!p0 s5, $0x0  }
0x1f: {  	s9 =	smul.u32 $0xF7A, s1;
	s8 =	simm.s32 @!p0 $0x1BF5;
	p2 =	por !p2, p0  }
0x20: {  	[sflag:s8] =	ssyncset.s32 @!p0 $0xFFFFF086;
	s6 =	sadd.s32 @!p0 s3, s7;
	s7 =	simm.s32 @!p0 $0x108  }
0x21: {  	s3 =	sadd.s32 s3, s9;
	s6 =	sadd.s32 @!p0 $0x88, s6;
	s7 =	simm.s32 @p2 $0x1082  }
0x22: {  	[simem:s7], [sflag:s8] =	dma.local @!p0 [hbm:s6], $0xF7A  }
0x23: {  	s9 =	sor.u32 $0xD0000000, s2;
	s6 =	simm.s32 $0x108;
	_ =	swait.ge @!p0 [sflag:s8], $0x0  }
0x24: {  	s3 =	sadd.s32 $0x88, s3;
	s6 =	simm.s32 @!p1 $0x1082;
	[sflag:s4] =	ssyncset.s32 $0xFFFFF086  }
0x25: {  	[simem:s6], [sflag:s4] =	dma.local [hbm:s3], $0xF7A  }
0x26: {  	[smem:$0x3F9A] =	sst s1;
	(tag) =	ssettag s2;
	_ =	strace s9  }
0x27: {  	s1 =	sld [smem:$0x3FAA]  }
0x28: {  	s2 =	sld [smem:$0x3FAB]  }
0x29: {  	s4 =	sld [smem:$0x3FAD]  }
0x2a: {  	p0 =	seq.s32 s5, $0x0;
	s5 =	sld [smem:$0x3FAE]  }
0x2b: {  	s6 =	sld [smem:$0x3FAF]  }
0x2c: {  	s7 =	sld [smem:$0x3FB0]  }
0x2d: {  	s3 =	simm.s32 $0x108;
	s8 =	sld [smem:$0x3FB1]  }
0x2e: {  	s3 =	simm.s32 @!p0 $0x1082;
	s9 =	sld [smem:$0x3FB2]  }
0x2f: {  	lr =	sadd.s32 s0, s3;
	s0 =	sld [smem:$0x3FA9]  }
0x30: {  	s3 =	sld [smem:$0x3FAC]  }
0x31: {  	[smem:$0x3FB5] =	sst s10  }
0x32: {  	s10 =	sld [smem:$0x3FB3];
	_ =	sdelay $0x3  }
0x33: {  	p0 =	seq.s32 s10, $0x1;
	s10 =	sld [smem:$0x3FB5];
	_ =	sdelay $0x3  }
0x34: {  	[smem:$0x3FB5] =	sst s10  }
0x35: {  	s10 =	sld [smem:$0x3FB4];
	_ =	sdelay $0x3  }
0x36: {  	p1 =	seq.s32 s10, $0x1;
	s10 =	sld [smem:$0x3FB5];
	_ =	sdelay $0x3  }
0x37: {  	[smem:$0x3FB5] =	sst s10  }
0x38: {  	s10 =	sld [smem:$0x3FB6]  }
0x39: {  	_ = 	snop;
	(pc) =	sbr.ind lr, $3  }
0x3a: {  	_ = 	snop  }
0x3b: {  	_ = 	snop  }
0x3c: {  	p2 =	seq.s32 s10, $0x1;
	s10 =	sld [smem:$0x3FB5]  }
0x3d: {  	_ =	shalt  }
0x3e: {  	_ =	shalt  }
0x3f: {  	_ =	shalt  }
0x40: {  	_ =	shalt  }
0x41: {  	_ =	shalt  }
0x42: {  	_ =	shalt  }
0x43: {  	_ =	shalt  }
0x44: {  	_ =	shalt  }
0x45: {  	_ =	shalt  }
0x46: {  	_ =	shalt  }
0x47: {  	_ =	shalt  }
0x48: {  	_ =	shalt  }
0x49: {  	_ =	shalt  }
0x4a: {  	_ =	shalt  }
0x4b: {  	_ =	shalt  }
0x4c: {  	_ =	shalt  }
0x4d: {  	_ =	shalt  }
0x4e: {  	_ =	shalt  }
0x4f: {  	_ =	shalt  }
0x50: {  	_ =	shalt  }
0x51: {  	_ =	shalt  }
0x52: {  	_ =	shalt  }
0x53: {  	_ =	shalt  }
0x54: {  	_ =	shalt  }
0x55: {  	_ =	shalt  }
0x56: {  	_ =	shalt  }
0x57: {  	_ =	shalt  }
0x58: {  	_ =	shalt  }
0x59: {  	_ =	shalt  }
0x5a: {  	_ =	shalt  }
0x5b: {  	_ =	shalt  }
0x5c: {  	_ =	shalt  }
0x5d: {  	_ =	shalt  }
0x5e: {  	_ =	shalt  }
0x5f: {  	_ =	shalt  }
0x60: {  	_ =	shalt  }
0x61: {  	_ =	shalt  }
0x62: {  	_ =	shalt  }
0x63: {  	_ =	shalt  }
0x64: {  	_ =	shalt  }
0x65: {  	_ =	shalt  }
0x66: {  	_ =	shalt  }
0x67: {  	_ =	shalt  }
0x68: {  	_ =	shalt  }
0x69: {  	_ =	shalt  }
0x6a: {  	_ =	shalt  }
0x6b: {  	_ =	shalt  }
0x6c: {  	_ =	shalt  }
0x6d: {  	_ =	shalt  }
0x6e: {  	_ =	shalt  }
0x6f: {  	_ =	shalt  }
0x70: {  	_ =	shalt  }
0x71: {  	_ =	shalt  }
0x72: {  	_ =	shalt  }
0x73: {  	_ =	shalt  }
0x74: {  	_ =	shalt  }
0x75: {  	_ =	shalt  }
0x76: {  	_ =	shalt  }
0x77: {  	_ =	shalt  }
0x78: {  	_ =	shalt  }
0x79: {  	_ =	shalt  }
0x7a: {  	_ =	shalt  }
0x7b: {  	_ =	shalt  }
0x7c: {  	_ =	shalt  }
0x7d: {  	_ =	shalt  }
0x7e: {  	_ =	shalt  }
0x7f: {  	_ =	shalt  }
0x80: {  	_ =	shalt  }
0x81: {  	_ =	shalt  }
0x82: {  	_ =	shalt  }
0x83: {  	_ =	shalt  }
0x84: {  	_ =	shalt  }
0x85: {  	_ =	shalt  }
0x86: {  	_ =	shalt  }
0x87: {  	_ =	shalt  }
.Lfunc_end0:
.L_simem_size_0:
called_computation.1_lowered:
.L_overlay_start_0:
0x88: {  	s2 =	sld [smem:$0x3FD9]  }
0x89: {  	s3 =	sld [smem:$0x3FFE];
	_ =	sdelay $0x1  }
0x8a: {  	s1 =	srdreg.scid  }
0x8b: {  	s0 =	sand.u32 $0x1, s1  }
0x8c: {  	s17 =	sshll.u32 s0, $0xA;
	s2 =	sadd.s32 s3, s2  }
0x8d: {  	s2 =	sadd.s32 s2, s17  }
0x8e: {  	[smem:$0x3FC1] =	sst s2  }
0x8f: {  	_ = 	snop  }
0x90: {  	(tm) =	ssettm $0x1  }
0x91: {  	s18 =	sld [smem:$0x3FFB];
	_ =	sdelay $0x3  }
0x92: {  	_ =	strace s18  }
0x93: {  	s2 =	sld [smem:$0x3FFC];
	_ =	sdelay $0x3  }
0x94: {  	_ =	strace s2  }
0x95: {  	s2 =	sld [smem:$0x3FFD];
	_ =	sdelay $0x3  }
0x96: {  	_ =	strace s2  }
0x97: {  	_ =	strace $0x8FFFFFFF  }
0x98: {  	s19 =	sld [smem:$0x3FDB];
	_ =	sdelay $0x1  }
0x99: {  	s20 =	simm.s32 $_scs_section_size  }
0x9a: {  	s4 =	simm.s32 $_size__tile_overlayer_lowered;
	s5 =	simm.s32 $_tile_overlayer_lowered  }
0x9b: {  	s6 =	simm.s32 $0x1BFF;
	s21 =	sshll.u32 s5, $0x1;
	s3 =	sadd.s32 s20, s19  }
0x9c: {  	s22 =	simm.s32 $0x0;
	s4 =	sshll.u32 s4, $0x1;
	s5 =	sadd.s32 s21, s3  }
0x9d: {  	[timem:s22], [sflag:s6] =	dma.local [hbm:s5], s4  }
0x9e: {  	_ =	swait.ge [sflag:s6], s4  }
0x9f: {  	s4 =	ssub.s32 $0x0, s4;
	[sflag:s6] =	ssyncset.done $0x0  }
0xa0: {  	[sflag:s6] =	ssyncadd.s32 s4;
	_ =	sdelay $0x1  }
0xa1: {  	s23 =	simm.s32 $0x1B8B  }
0xa2: {  	_ =	swait.ge [sflag:s23], $0x1  }
0xa3: {  	[sflag:s23] =	ssyncset.done $0x0  }
0xa4: {  	[sflag:s23] =	ssyncadd.s32 $0xFFFFFFFF  }
0xa5: {  	s4 =	sld [smem:$0x0]  }
0xa6: {  	s5 =	sand.u32 $0xFFFFFFFE, s1  }
0xa7: {  	p0 =	sne.s32 s1, s5  }
0xa8: {  	s5 =	sshll.u32 @p0 s5, $0xE  }
0xa9: {  	s5 =	sadd.s32 @p0 $0x11B8D, s5;
	s6 =	sshll.u32 @p0 s4, $0x11  }
0xaa: {  	s5 =	sor.u32 @p0 s6, s5  }
0xab: {  	[sflag:s5] =	ssyncadd.remote.s32 @p0 $0x1;
	_ =	sdelay $0x1  }
0xac: {  	s5 =	simm.s32 @p0 $0x1B8D  }
0xad: {  	_ =	swait.eq @p0 [sflag:s5], $0x1  }
0xae: {  	[sflag:s5] =	ssyncadd.s32 @p0 $0xFFFFFFFF  }
0xaf: {  	s6 =	sshll.u32 @!p0 s1, $0xE  }
0xb0: {  	s6 =	sor.u32 @!p0 $0x4000, s6;
	s5 =	simm.s32 @!p0 $0x1B8D  }
0xb1: {  	s4 =	sshll.u32 @!p0 s4, $0x11;
	s6 =	sadd.s32 @!p0 $0x11B8D, s6;
	_ =	swait.eq @!p0 [sflag:s5], $0x1  }
0xb2: {  	s4 =	sor.u32 @!p0 s4, s6;
	[sflag:s5] =	ssyncadd.s32 @!p0 $0xFFFFFFFF  }
0xb3: {  	s25 =	simm.s32 $0x1B8E;
	s24 =	sld [smem:$0x3FFE];
	[sflag:s4] =	ssyncadd.remote.s32 @!p0 $0x1  }
0xb4: {  	s26 =	simm.s32 $execute0_lowered;
	[smem:$0x3FD2] =	sst s25  }
0xb5: {  	s5 =	sshll.u32 s26, $0x1;
	_ =	strace $0x80000049;
	[dreg:$0x1] =	wrdreg $0xFFFFFFFF  }
0xb6: {  	s28 =	simm.s32 $_size_execute0_lowered;
	s3 =	sadd.s32 s3, s5;
	[dreg:$0x0] =	wrdreg $0x0  }
0xb7: {  	s5 =	sshll.u32 s28, $0x1;
	[dreg:$0x2] =	wrdreg s3  }
0xb8: {  	[dreg:$0x3] =	wrdreg s5  }
0xb9: {  	[dreg:$0x4] =	wrdreg $0xC0  }
0xba: {  	_ =	task [dreg:s22], $0x5FFFF  }
0xbb: {  	[dreg:$0x1] =	wrdreg $0xFFFFFFFF  }
0xbc: {  	[dreg:$0x0] =	wrdreg $0x60  }
0xbd: {  	[dreg:$0x2] =	wrdreg s24  }
0xbe: {  	[dreg:$0x3] =	wrdreg $0x80800  }
0xbf: {  	[dreg:$0x4] =	wrdreg $0xA  }
0xc0: {  	_ =	task.clear_ibuf [dreg:s22], $0x5FFFF;
	_ =	strace $0x90000049  }
0xc1: {  	s29 =	simm.s32 $0xA;
	_ =	strace $0x8000004B  }
0xc2: {  	_ =	swait.ge [sflag:s29], $0x1  }
0xc3: {  	[sflag:s29] =	ssyncadd.s32 $0xFFFFFFFF  }
0xc4: {  	_ =	strace $0x9000004B  }
0xc5: {  	_ =	sfence  }
0xc6: {  	s30 =	sld [smem:$0x0];
	_ =	sdelay $0x2  }
0xc7: {  	s31 =	sshll.u32 s1, $0xD;
	s1 =	sshrl.u32 s1, $0x2  }
0xc8: {  	s4 =	sand.u32 $0x4000, s31;
	s1 =	sadd.s32 s1, s30  }
0xc9: {  	s0 =	sor.u32 s4, s0;
	s1 =	sshll.u32 s1, $0x11  }
0xca: {  	s0 =	sor.u32 s1, s0  }
0xcb: {  	s0 =	sadd.s32 $0x8F2B, s0  }
0xcc: {  	[sflag:s0] =	ssyncadd.remote.s32 $0x1  }
0xcd: {  	_ =	sfence.sel $0xFFFF  }
0xce: {  	[dreg:$0x0] =	wrdreg $0xFFFFFFFF;
	(pc) =	sbr.abs _section_cstart, $3  }
0xcf: {  	[dreg:$0x1] =	wrdreg $0xFFFFFFFF  }
0xd0: {  	_ =	task.clear_ibuf [dreg:s22], $0x2FFFF;
	_ =	strace $0x9FFFFFFF  }
0xd1: {  	(tm) =	ssettm $0x7FFFFFFF  }
tec
execute0_lowered:
.L_overlay_start_1:
0x0: {  	(tag) =	ssettag $0x1  }
0x1: {  	s4 =	rddreg [dreg:$0x0]  }
0x2: {  	s2 =	rddreg [dreg:$0x1]  }
0x3: {  	s0 =	rddreg [dreg:$0x2]  }
0x4: {  	s1 =	stileid.u32;
	s5 =	srdreg.scid  }
0x5: {  	s3 =	simm.s32 $0x0;
	s12 =	simm.s32 $0x2;
	s13 =	simm.s32 $0x1  }
0x6: {  	s14 =	simm.s32 $0x0;
	s6 =	smul.u32 $0x9E0, s1;
	s5 =	sand.u32 $0x1, s5  }
0x7: {  	[smem:$0x7FF] =	sst s3;
	s7 =	smul.u32 $0x2800, s1;
	s8 =	ssub.s32 $0x2, s5  }
.Ltmp0:
0x8: {  	_ =	strace $0x8000004A;
	p0 =	seq.s32 s5, $0x1;
	(pc) =	sbr.rel .LBB2_1-.Ltmp0, $4  }
0x9: {  	s9 =	sshrl.u32 s8, $0x1;
	s10 =	sadd.s32 s6, s4;
	s11 =	sadd.s32 s7, s4  }
0xa: {  	s4 =	smul.u32 $0x280, s1;
	s31 =	ssub.s32 s8, s9;
	s6 =	sadd.s32 $0x53200, s10  }
0xb: {  	s7 =	sadd.s32 $0x66E00, s11;
	s8 =	sadd.s32 $0x5D000, s10;
	s9 =	sadd.s32 $0x8EE00, s11  }
0xc: {  	v0 =	vimm.f32 $1.000000000e+00;
	v1 =	vimm.f32 $0.0e+00;
	v2 =	vlaneseq.u32;
	s10 =	simm.s32 $0x80;
	s11 =	simm.s32 $0x4080;
	s5 =	smax.u32 s31, $0x1  }
.LBB2_12:
0xd: {  	_ =	swait.ge [sflag:s13], $0x4000  }
0xe: {  	[sflag:s13] =	ssyncset.done $0x0  }
0xf: {  	[sflag:s13] =	ssyncadd.s32 $0xFFFFC000  }
0x10: {  	[hbm4b:s17+s3] =	stream.linear.scatter [tilespmem:s11], [sflag:$0x2], $0x4000, $0x38;
	[tilespmem:$0x1C080] =	vst v63  }
0x11: {  	_ =	swait.ge [sflag:s12], $0x4000  }
0x12: {  	[sflag:s12] =	ssyncset.done $0x0  }
0x13: {  	[sflag:s12] =	ssyncadd.s32 $0xFFFFC000  }
.LBB2_18:
0x14: {  	s14 =	sadd.s32 $0x1, s14  }
0x15: {  	p1 =	sne.s32 s14, s5  }
.Ltmp1:
0x16: {  	_ = 	snop;
	(pc) =	sbr.rel @!p1 .LBB2_19-.Ltmp1, $1  }
0x17: {  	_ =	sdelay $0x3  }
.LBB2_1:
0x18: {  	s15 =	sand.u32 $0xFE00, s3  }
0x19: {  	s17 =	sand.u32 $0x70, s3;
	s15 =	sshrl.u32 s15, $0x2  }
0x1a: {  	s16 =	simm.s32 $0x40;
	s18 =	sor.u32 s17, s15;
	s17 =	simm.s32 $0x0  }
.LBB2_2:
0x1b: {  	p1 =	sne.s32 s16, $0xFFC0  }
0x1c: {  	[tilespmem:s18+$0x80] =	vst v0;
	s17 =	sadd.s32 $0x10, s17;
	s15 =	smov.u32 s16;
	s16 =	sadd.s32 $0x40, s16  }
.Ltmp2:
0x1d: {  	(pc) =	sbr.rel @p1 .LBB2_2-.Ltmp2, $4  }
0x1e: {  	_ = 	snop  }
0x1f: {  	s15 =	sand.u32 $0xFE00, s15  }
0x20: {  	s18 =	sand.u32 $0x70, s17;
	s15 =	sshrl.u32 s15, $0x2  }
0x21: {  	s18 =	sor.u32 s18, s15;
	s15 =	simm.s32 $0x0  }
0x22: {  	s16 =	sand.u32 $0xFE00, s15  }
0x23: {  	s17 =	sand.u32 $0x70, s15;
	s19 =	sshrl.u32 s16, $0x2  }
0x24: {  	[tilespmem:s18+$0x80] =	vst v0;
	s16 =	simm.s32 $0x40;
	s17 =	sor.u32 s17, s19  }
.LBB2_4:
0x25: {  	p1 =	sne.s32 s16, $0xFFC0  }
0x26: {  	[tilespmem:s17+$0x4080] =	vst v1;
	s15 =	sadd.s32 $0x10, s15;
	s17 =	smov.u32 s16;
	s16 =	sadd.s32 $0x40, s16  }
.Ltmp3:
0x27: {  	(pc) =	sbr.rel @p1 .LBB2_4-.Ltmp3, $4  }
0x28: {  	_ = 	snop  }
0x29: {  	s17 =	sand.u32 $0xFE00, s17  }
0x2a: {  	s18 =	sand.u32 $0x70, s15;
	s17 =	sshrl.u32 s17, $0x2  }
0x2b: {  	s17 =	sor.u32 s18, s17  }
0x2c: {  	s15 =	sadd.s32 $0x0, s4  }
0x2d: {  	v3 =	vmov s15  }
0x2e: {  	v4 =	vor.u32 $0x70, v3  }
0x2f: {  	v5 =	vor.u32 $0x60, v3;
	v4 =	vbroadcast v4, $0x0  }
0x30: {  	[tilespmem:s17+$0x4080] =	vst v1;
	v6 =	vor.u32 s15, v2;
	v7 =	vor.u32 $0x50, v3;
	v5 =	vbroadcast v5, $0x0  }
0x31: {  	[tilespmem:$0x0] =	vst v6;
	v6 =	vor.u32 $0x40, v3;
	v7 =	vbroadcast v7, $0x0;
	v8 =	vor.u32 v2, v4  }
0x32: {  	v9 =	vor.u32 $0x30, v3;
	v4 =	vbroadcast v6, $0x0;
	v10 =	vor.u32 v2, v5;
	[tilespmem:$0x70] =	vst v8  }
0x33: {  	s15 =	simm.s32 $0x80;
	v6 =	vor.u32 $0x20, v3;
	v5 =	vbroadcast v9, $0x0;
	v7 =	vor.u32 v2, v7;
	[tilespmem:$0x60] =	vst v10  }
.LBB2_6:
0x34: {  	p1 =	sne.s32 s15, $0x200;
	v3 =	vor.u32 $0x10, v3;
	v6 =	vbroadcast v6, $0x0;
	v4 =	vor.u32 v2, v4;
	[tilespmem:$0x50] =	vst v7  }
0x35: {  	v3 =	vbroadcast v3, $0x0;
	v5 =	vor.u32 v2, v5;
	[tilespmem:$0x40] =	vst v4  }
0x36: {  	v4 =	vor.u32 v2, v6;
	[tilespmem:$0x30] =	vst v5  }
0x37: {  	s16 =	sadd.s32 s15, s4;
	v5 =	vor.u32 v2, v3;
	[tilespmem:$0x20] =	vst v4  }
0x38: {  	v3 =	vmov s16;
	[tilespmem:$0x10] =	vst v5;
	[spmem:s2] =	stream.indirect.scatter [tilespmem:s11], [sflag:$0x2], $0x80, s3, s10, $0xb8  }
0x39: {  	v4 =	vor.u32 $0x70, v3;
	_ =	swait.ge [sflag:s12], $0x4000  }
.Ltmp4:
0x3a: {  	v5 =	vor.u32 $0x60, v3;
	v4 =	vbroadcast v4, $0x0;
	[sflag:s12] =	ssyncset.done $0x0;
	(pc) =	sbr.rel @p1 .LBB2_6-.Ltmp4, $4  }
0x3b: {  	v6 =	vor.u32 s16, v2;
	v7 =	vor.u32 $0x50, v3;
	v5 =	vbroadcast v5, $0x0;
	[sflag:s12] =	ssyncadd.s32 $0xFFFFC000  }
0x3c: {  	v7 =	vbroadcast v7, $0x0;
	v8 =	vor.u32 v2, v4;
	[tilespmem:$0x0] =	vst v6;
	v6 =	vor.u32 $0x40, v3  }
0x3d: {  	v9 =	vor.u32 $0x30, v3;
	v10 =	vor.u32 v2, v5;
	v4 =	vbroadcast v6, $0x0;
	[tilespmem:$0x70] =	vst v8  }
0x3e: {  	s15 =	sadd.s32 $0x80, s15;
	v5 =	vbroadcast v9, $0x0;
	v7 =	vor.u32 v2, v7;
	v6 =	vor.u32 $0x20, v3;
	[tilespmem:$0x60] =	vst v10  }
0x3f: {  	v3 =	vor.u32 $0x10, v3;
	v6 =	vbroadcast v6, $0x0;
	v4 =	vor.u32 v2, v4;
	[tilespmem:$0x50] =	vst v7  }
0x40: {  	v3 =	vbroadcast v3, $0x0;
	v5 =	vor.u32 v2, v5;
	[tilespmem:$0x40] =	vst v4  }
0x41: {  	v63 =	vor.u32 v2, v6;
	[tilespmem:$0x30] =	vst v5  }
0x42: {  	v3 =	vor.u32 v2, v3;
	[tilespmem:$0x20] =	vst v63  }
0x43: {  	[tilespmem:$0x10] =	vst v3  }
0x44: {  	[spmem:s2] =	stream.indirect.scatter [tilespmem:s11], [sflag:$0x2], $0x80, s3, s10, $0xb8;
	[tilespmem:$0x1C080] =	vst v63  }
.Ltmp5:
0x45: {  	_ =	swait.ge [sflag:s12], $0x4000;
	(pc) =	sbr.rel @!p0 .LBB2_8-.Ltmp5, $3  }
0x46: {  	[sflag:s12] =	ssyncset.done $0x0  }
0x47: {  	[sflag:s12] =	ssyncadd.s32 $0xFFFFC000  }
0x48: {  	[bflag:$0x0] =	sbarrier.arrive $0xFFFF;
	_ =	sdelay $0x1  }
0x49: {  	s15 =	sadd.s32 $0x0, s8  }
0x4a: {  	[tilespmem:s3], [sflag:$0x2] =	stream.linear.gather [hbm4b:s15+s3], $0x80, $0x38;
	[tilespmem:$0x1C080] =	vst v63  }
0x4b: {  	_ =	swait.ge [sflag:s12], $0x80  }
0x4c: {  	[sflag:s12] =	ssyncset.done $0x0  }
0x4d: {  	[sflag:s12] =	ssyncadd.s32 $0xFFFFFF80  }
0x4e: {  	[spmem:s2] =	stream.indirect.scatter.add.f32 [tilespmem:s10], [sflag:$0x2], $0x80, s3, s10, $0xb8;
	[tilespmem:$0x1C080] =	vst v63  }
0x4f: {  	_ =	swait.ge [sflag:s12], $0x4000  }
0x50: {  	s16 =	simm.s32 $0x20;
	s15 =	simm.s32 $0x10;
	[sflag:s12] =	ssyncset.done $0x0  }
.LBB2_14:
0x51: {  	s17 =	sadd.s32 s15, s8  }
0x52: {  	[sflag:s12] =	ssyncadd.s32 $0xFFFFC000;
	s15 =	smov.u32 s16;
	s18 =	sadd.s32 $0x10, s16  }
0x53: {  	[tilespmem:s3], [sflag:$0x2] =	stream.linear.gather [hbm4b:s17+s3], $0x80, $0x38;
	[tilespmem:$0x1C080] =	vst v63  }
0x54: {  	p1 =	sne.s32 s16, $0x9D0;
	_ =	swait.ge [sflag:s12], $0x80  }
.Ltmp6:
0x55: {  	[sflag:s12] =	ssyncset.done $0x0;
	(pc) =	sbr.rel @p1 .LBB2_14-.Ltmp6, $4  }
0x56: {  	[sflag:s12] =	ssyncadd.s32 $0xFFFFFF80  }
0x57: {  	[spmem:s2] =	stream.indirect.scatter.add.f32 [tilespmem:s10], [sflag:$0x2], $0x80, s3, s10, $0xb8;
	[tilespmem:$0x1C080] =	vst v63  }
0x58: {  	_ =	swait.ge [sflag:s12], $0x4000  }
0x59: {  	s16 =	smov.u32 s18;
	[sflag:s12] =	ssyncset.done $0x0  }
0x5a: {  	s15 =	sadd.s32 s15, s8;
	[sflag:s12] =	ssyncadd.s32 $0xFFFFC000  }
0x5b: {  	[tilespmem:s3], [sflag:$0x2] =	stream.linear.gather [hbm4b:s15+s3], $0x80, $0x38;
	[tilespmem:$0x1C080] =	vst v63  }
0x5c: {  	_ =	swait.ge [sflag:s12], $0x80  }
0x5d: {  	[sflag:s12] =	ssyncset.done $0x0  }
0x5e: {  	s31 =	sadd.s32 $0x0, s4;
	[sflag:s12] =	ssyncadd.s32 $0xFFFFFF80  }
0x5f: {  	[spmem:s2] =	stream.indirect.scatter.add.f32 [tilespmem:s10], [sflag:$0x2], $0x80, s3, s10, $0xb8;
	[tilespmem:$0x1C080] =	vst v63  }
0x60: {  	v3 =	vmov s31;
	_ =	swait.ge [sflag:s12], $0x4000  }
0x61: {  	v6 =	vor.u32 s31, v2;
	v4 =	vor.u32 $0x10, v3;
	[sflag:s12] =	ssyncset.done $0x0  }
0x62: {  	v5 =	vor.u32 $0x20, v3;
	v7 =	vor.u32 $0x40, v3;
	v4 =	vbroadcast v4, $0x0;
	[sflag:s12] =	ssyncadd.s32 $0xFFFFC000  }
0x63: {  	v8 =	vor.u32 $0x60, v3;
	v59 =	vor.u32 $0x70, v3;
	v5 =	vbroadcast v5, $0x0;
	[bflag:$0x0] =	sbarrier.arrive $0xFFFF  }
0x64: {  	v61 =	vor.u32 $0x50, v3;
	v7 =	vbroadcast v7, $0x0;
	v4 =	vor.u32 v2, v4;
	[tilespmem:$0x0] =	vst v6  }
0x65: {  	v3 =	vor.u32 $0x30, v3;
	v62 =	vbroadcast v61, $0x0;
	v5 =	vor.u32 v2, v5;
	[tilespmem:$0x10] =	vst v4  }
0x66: {  	v3 =	vbroadcast v3, $0x0;
	v7 =	vor.u32 v2, v7;
	[tilespmem:$0x20] =	vst v5  }
0x67: {  	v60 =	vbroadcast v8, $0x0;
	v63 =	vor.u32 v2, v62;
	[tilespmem:$0x40] =	vst v7  }
0x68: {  	v3 =	vor.u32 v2, v3;
	v6 =	vbroadcast v59, $0x0;
	[tilespmem:$0x50] =	vst v63  }
0x69: {  	v4 =	vor.u32 v2, v60;
	[tilespmem:$0x30] =	vst v3  }
0x6a: {  	[tilespmem:$0x60] =	vst v4;
	v6 =	vor.u32 v2, v6  }
0x6b: {  	s16 =	smov.u32 s9;
	s17 =	smov.u32 s9;
	s15 =	simm.s32 $0x80;
	[tilespmem:$0x70] =	vst v6  }
0x6c: {  	[tilespmem:s11], [sflag:$0x1] =	stream.indirect.gather [spmem:s2], $0x80, s3, s10, $0xb8;
	[tilespmem:$0x1C080] =	vst v63  }
.LBB2_16:
0x6d: {  	p1 =	sne.s32 s15, $0x200;
	_ =	swait.ge [sflag:s13], $0x4000;
	s16 =	sadd.s32 $0x800, s16  }
0x6e: {  	s18 =	sadd.s32 s15, s4;
	s15 =	sadd.s32 $0x80, s15;
	[sflag:s13] =	ssyncset.done $0x0  }
0x6f: {  	[sflag:s13] =	ssyncadd.s32 $0xFFFFC000  }
0x70: {  	v3 =	vmov s18;
	v4 =	vor.u32 s18, v2;
	[hbm4b:s17+s3] =	stream.linear.scatter [tilespmem:s11], [sflag:$0x2], $0x4000, $0x38;
	[tilespmem:$0x1C080] =	vst v63  }
0x71: {  	v5 =	vor.u32 $0x10, v3;
	v6 =	vor.u32 $0x20, v3;
	v7 =	vor.u32 $0x70, v3;
	s17 =	smov.u32 s16;
	_ =	swait.ge [sflag:s12], $0x4000  }
0x72: {  	v8 =	vor.u32 $0x40, v3;
	v5 =	vbroadcast v5, $0x0;
	v6 =	vbroadcast v6, $0x0;
	[sflag:s12] =	ssyncset.done $0x0  }
0x73: {  	v9 =	vor.u32 $0x60, v3;
	v8 =	vbroadcast v8, $0x0;
	v7 =	vbroadcast v7, $0x0;
	[sflag:s12] =	ssyncadd.s32 $0xFFFFC000  }
0x74: {  	[tilespmem:$0x0] =	vst v4;
	v4 =	vor.u32 v2, v5;
	v5 =	vor.u32 v2, v6;
	v6 =	vor.u32 $0x50, v3  }
0x75: {  	v7 =	vor.u32 v2, v7;
	[tilespmem:$0x10] =	vst v4;
	v4 =	vor.u32 v2, v8;
	v8 =	vbroadcast v9, $0x0  }
0x76: {  	v3 =	vor.u32 $0x30, v3;
	[tilespmem:$0x20] =	vst v5;
	v5 =	vbroadcast v6, $0x0  }
0x77: {  	v3 =	vbroadcast v3, $0x0;
	[tilespmem:$0x40] =	vst v4;
	v4 =	vor.u32 v2, v8  }
.Ltmp7:
0x78: {  	v5 =	vor.u32 v2, v5;
	[tilespmem:$0x60] =	vst v4;
	(pc) =	sbr.rel @p1 .LBB2_16-.Ltmp7, $4  }
0x79: {  	v3 =	vor.u32 v2, v3;
	[tilespmem:$0x70] =	vst v7  }
0x7a: {  	[tilespmem:$0x50] =	vst v5  }
0x7b: {  	[tilespmem:$0x30] =	vst v3  }
0x7c: {  	[tilespmem:s11], [sflag:$0x1] =	stream.indirect.gather [spmem:s2], $0x80, s3, s10, $0xb8;
	[tilespmem:$0x1C080] =	vst v63  }
0x7d: {  	_ =	swait.ge [sflag:s13], $0x4000  }
0x7e: {  	[sflag:s13] =	ssyncset.done $0x0  }
.Ltmp8:
0x7f: {  	[sflag:s13] =	ssyncadd.s32 $0xFFFFC000;
	(pc) =	sbr.rel .LBB2_18-.Ltmp8, $4  }
0x80: {  	[hbm4b:s17+s3] =	stream.linear.scatter [tilespmem:s11], [sflag:$0x2], $0x4000, $0x38;
	[tilespmem:$0x1C080] =	vst v63  }
0x81: {  	_ =	swait.ge [sflag:s12], $0x4000  }
0x82: {  	[sflag:s12] =	ssyncset.done $0x0  }
0x83: {  	[sflag:s12] =	ssyncadd.s32 $0xFFFFC000  }
.LBB2_8:
0x84: {  	s15 =	sadd.s32 $0x0, s6  }
0x85: {  	[tilespmem:s3], [sflag:$0x2] =	stream.linear.gather [hbm4b:s15+s3], $0x80, $0x38;
	[tilespmem:$0x1C080] =	vst v63  }
0x86: {  	_ =	swait.ge [sflag:s12], $0x80  }
0x87: {  	[sflag:s12] =	ssyncset.done $0x0  }
0x88: {  	[sflag:s12] =	ssyncadd.s32 $0xFFFFFF80  }
0x89: {  	[spmem:s2] =	stream.indirect.scatter.add.f32 [tilespmem:s10], [sflag:$0x2], $0x80, s3, s10, $0xb8;
	[tilespmem:$0x1C080] =	vst v63  }
0x8a: {  	_ =	swait.ge [sflag:s12], $0x4000  }
0x8b: {  	s16 =	simm.s32 $0x20;
	s15 =	simm.s32 $0x10;
	[sflag:s12] =	ssyncset.done $0x0  }
.LBB2_9:
0x8c: {  	s17 =	sadd.s32 s15, s6  }
0x8d: {  	[sflag:s12] =	ssyncadd.s32 $0xFFFFC000;
	s15 =	smov.u32 s16;
	s18 =	sadd.s32 $0x10, s16  }
0x8e: {  	[tilespmem:s3], [sflag:$0x2] =	stream.linear.gather [hbm4b:s17+s3], $0x80, $0x38;
	[tilespmem:$0x1C080] =	vst v63  }
0x8f: {  	p1 =	sne.s32 s16, $0x9D0;
	_ =	swait.ge [sflag:s12], $0x80  }
.Ltmp9:
0x90: {  	[sflag:s12] =	ssyncset.done $0x0;
	(pc) =	sbr.rel @p1 .LBB2_9-.Ltmp9, $4  }
0x91: {  	[sflag:s12] =	ssyncadd.s32 $0xFFFFFF80  }
0x92: {  	[spmem:s2] =	stream.indirect.scatter.add.f32 [tilespmem:s10], [sflag:$0x2], $0x80, s3, s10, $0xb8;
	[tilespmem:$0x1C080] =	vst v63  }
0x93: {  	_ =	swait.ge [sflag:s12], $0x4000  }
0x94: {  	s16 =	smov.u32 s18;
	[sflag:s12] =	ssyncset.done $0x0  }
0x95: {  	s15 =	sadd.s32 s15, s6;
	[sflag:s12] =	ssyncadd.s32 $0xFFFFC000  }
0x96: {  	[tilespmem:s3], [sflag:$0x2] =	stream.linear.gather [hbm4b:s15+s3], $0x80, $0x38;
	[tilespmem:$0x1C080] =	vst v63  }
0x97: {  	_ =	swait.ge [sflag:s12], $0x80  }
0x98: {  	[sflag:s12] =	ssyncset.done $0x0  }
0x99: {  	s31 =	sadd.s32 $0x0, s4;
	[sflag:s12] =	ssyncadd.s32 $0xFFFFFF80  }
0x9a: {  	[spmem:s2] =	stream.indirect.scatter.add.f32 [tilespmem:s10], [sflag:$0x2], $0x80, s3, s10, $0xb8;
	[tilespmem:$0x1C080] =	vst v63  }
0x9b: {  	v3 =	vmov s31;
	_ =	swait.ge [sflag:s12], $0x4000  }
0x9c: {  	v6 =	vor.u32 s31, v2;
	v4 =	vor.u32 $0x10, v3;
	[sflag:s12] =	ssyncset.done $0x0  }
0x9d: {  	v5 =	vor.u32 $0x20, v3;
	v7 =	vor.u32 $0x40, v3;
	v4 =	vbroadcast v4, $0x0;
	[sflag:s12] =	ssyncadd.s32 $0xFFFFC000  }
0x9e: {  	v8 =	vor.u32 $0x60, v3;
	v59 =	vor.u32 $0x70, v3;
	v5 =	vbroadcast v5, $0x0;
	[bflag:$0x0] =	sbarrier.arrive $0xFFFF  }
0x9f: {  	v61 =	vor.u32 $0x50, v3;
	v7 =	vbroadcast v7, $0x0;
	v4 =	vor.u32 v2, v4;
	[tilespmem:$0x0] =	vst v6  }
0xa0: {  	v3 =	vor.u32 $0x30, v3;
	v62 =	vbroadcast v61, $0x0;
	v5 =	vor.u32 v2, v5;
	[tilespmem:$0x10] =	vst v4  }
0xa1: {  	v3 =	vbroadcast v3, $0x0;
	v7 =	vor.u32 v2, v7;
	[tilespmem:$0x20] =	vst v5  }
0xa2: {  	v60 =	vbroadcast v8, $0x0;
	v63 =	vor.u32 v2, v62;
	[tilespmem:$0x40] =	vst v7  }
0xa3: {  	v3 =	vor.u32 v2, v3;
	v6 =	vbroadcast v59, $0x0;
	[tilespmem:$0x50] =	vst v63  }
0xa4: {  	v4 =	vor.u32 v2, v60;
	[tilespmem:$0x30] =	vst v3  }
0xa5: {  	[tilespmem:$0x60] =	vst v4;
	v6 =	vor.u32 v2, v6  }
0xa6: {  	s16 =	smov.u32 s7;
	s17 =	smov.u32 s7;
	s15 =	simm.s32 $0x80;
	[tilespmem:$0x70] =	vst v6  }
0xa7: {  	[tilespmem:s11], [sflag:$0x1] =	stream.indirect.gather [spmem:s2], $0x80, s3, s10, $0xb8;
	[tilespmem:$0x1C080] =	vst v63  }
.LBB2_11:
0xa8: {  	p1 =	seq.s32 s15, $0x200;
	_ =	swait.ge [sflag:s13], $0x4000;
	s16 =	sadd.s32 $0x800, s16  }
0xa9: {  	s18 =	sadd.s32 s15, s4;
	s15 =	sadd.s32 $0x80, s15;
	[sflag:s13] =	ssyncset.done $0x0  }
0xaa: {  	[sflag:s13] =	ssyncadd.s32 $0xFFFFC000  }
0xab: {  	v3 =	vmov s18;
	v4 =	vor.u32 s18, v2;
	[hbm4b:s17+s3] =	stream.linear.scatter [tilespmem:s11], [sflag:$0x2], $0x4000, $0x38;
	[tilespmem:$0x1C080] =	vst v63  }
0xac: {  	v5 =	vor.u32 $0x10, v3;
	v6 =	vor.u32 $0x20, v3;
	v7 =	vor.u32 $0x70, v3;
	s17 =	smov.u32 s16;
	_ =	swait.ge [sflag:s12], $0x4000  }
0xad: {  	v8 =	vor.u32 $0x40, v3;
	v5 =	vbroadcast v5, $0x0;
	v6 =	vbroadcast v6, $0x0;
	[sflag:s12] =	ssyncset.done $0x0  }
0xae: {  	v9 =	vor.u32 $0x60, v3;
	v8 =	vbroadcast v8, $0x0;
	v7 =	vbroadcast v7, $0x0;
	[sflag:s12] =	ssyncadd.s32 $0xFFFFC000  }
0xaf: {  	[tilespmem:$0x0] =	vst v4;
	v4 =	vor.u32 v2, v5;
	v5 =	vor.u32 v2, v6;
	v6 =	vor.u32 $0x50, v3  }
0xb0: {  	v7 =	vor.u32 v2, v7;
	[tilespmem:$0x10] =	vst v4;
	v4 =	vor.u32 v2, v8;
	v8 =	vbroadcast v9, $0x0  }
0xb1: {  	v3 =	vor.u32 $0x30, v3;
	[tilespmem:$0x20] =	vst v5;
	v5 =	vbroadcast v6, $0x0  }
0xb2: {  	v3 =	vbroadcast v3, $0x0;
	[tilespmem:$0x40] =	vst v4;
	v4 =	vor.u32 v2, v8  }
.Ltmp10:
0xb3: {  	v5 =	vor.u32 v2, v5;
	[tilespmem:$0x60] =	vst v4;
	(pc) =	sbr.rel @!p1 .LBB2_11-.Ltmp10, $4  }
0xb4: {  	v3 =	vor.u32 v2, v3;
	[tilespmem:$0x70] =	vst v7  }
0xb5: {  	[tilespmem:$0x50] =	vst v5  }
0xb6: {  	[tilespmem:$0x30] =	vst v3  }
0xb7: {  	[tilespmem:s11], [sflag:$0x1] =	stream.indirect.gather [spmem:s2], $0x80, s3, s10, $0xb8;
	[tilespmem:$0x1C080] =	vst v63  }
.Ltmp11:
0xb8: {  	_ = 	snop;
	(pc) =	sbr.rel .LBB2_12-.Ltmp11, $1  }
0xb9: {  	_ =	sdelay $0x3  }
.LBB2_19:
0xba: {  	_ =	sfence.sel $0x180000  }
0xbb: {  	[bflag:$0x0] =	sbarrier.arrive $0xFFFF  }
0xbc: {  	p0 =	sne.s32 s1, $0x0;
	_ =	strace $0x9000004A  }
0xbd: {  	s0 =	sadd.s32 @!p0 $0x100000, s0;
	[bflag:$0x2] =	sbarrier.arrive $0xFFFF  }
0xbe: {  	[sflag:s0] =	ssyncadd.tile.s32 @!p0 $0x1;
	_ =	shalt  }
.Lfunc_end2:
_tile_overlayer_lowered:
.L_overlay_start_2:
0xbf: {  	(tag) =	ssettag $0x2  }
0xc0: {  	s0 =	rddreg [dreg:$0x0];
	s2 =	stileid.u32  }
0xc1: {  	s1 =	rddreg [dreg:$0x1];
	p0 =	sne.s32 s2, $0x0  }
0xc2: {  	s3 =	rddreg [dreg:$0x2];
	[bflag:$0x3] =	sbarrier.arrive $0xFFFF;
	s2 =	simm.s32 @!p0 $0x1C02  }
0xc3: {  	[timem:s3], [sflag:s2] =	dma.local @!p0 [hbm:s0], s1  }
0xc4: {  	s0 =	simm.s32 @!p0 $0x2  }
0xc5: {  	_ =	swait.ge @!p0 [sflag:s0], s1  }
0xc6: {  	s1 =	ssub.s32 @!p0 $0x0, s1;
	[sflag:s0] =	ssyncset.done @!p0 $0x0  }
0xc7: {  	[sflag:s0] =	ssyncadd.s32 @!p0 s1  }
0xc8: {  	[bflag:$0x3] =	sbarrier.arrive $0xFFFF  }
0xc9: {  	_ =	shalt  }

// kernel: kernel.16.cloned.1.call-start
scs
__scs_entry_jumppad:
0x0: {  	(pc) =	sbr.rel $0x88, $3  }
0x1: {  	(tag) =	ssettag $0x0;
	lr =	simm.s32 $0x1  }
0x2: {  	[smem:$0x3F9A] =	sst lr;
	_ =	strace $0xD0000000  }
0x3: {  	_ = 	snop  }
0x4: {  	_ = 	snop  }
0x5: {  	_ = 	snop  }
0x6: {  	_ = 	snop  }
0x7: {  	_ = 	snop  }
__scs_overlays_trampoline_lowered:
0x8: {  	[smem:$0x3FA9] =	sst s0  }
0x9: {  	[smem:$0x3FAA] =	sst s1  }
0xa: {  	[smem:$0x3FAB] =	sst s2  }
0xb: {  	[smem:$0x3FAC] =	sst s3  }
0xc: {  	[smem:$0x3FAD] =	sst s4  }
0xd: {  	[smem:$0x3FAE] =	sst s5  }
0xe: {  	[smem:$0x3FAF] =	sst s6  }
0xf: {  	[smem:$0x3FB0] =	sst s7  }
0x10: {  	[smem:$0x3FB1] =	sst s8  }
0x11: {  	[smem:$0x3FB2] =	sst s9;
	s0 =	simm.s32 @!p0 $0x0  }
0x12: {  	s1 =	sld [smem:$0x3F98];
	s0 =	simm.s32 @p0 $0x1  }
0x13: {  	[smem:$0x3FB3] =	sst s0;
	s0 =	simm.s32 @!p1 $0x0  }
0x14: {  	s2 =	sld [smem:$0x3F97];
	s0 =	simm.s32 @p1 $0x1  }
0x15: {  	[smem:$0x3FB4] =	sst s0;
	s0 =	simm.s32 @!p2 $0x0  }
0x16: {  	s3 =	sld [smem:$0x3FDB];
	s0 =	simm.s32 @p2 $0x1  }
0x17: {  	s4 =	simm.s32 $0x1BF5;
	[smem:$0x3FB6] =	sst s0  }
0x18: {  	s0 =	sld [smem:$0x3F99];
	_ =	swait.ge [sflag:s4], $0x0  }
0x19: {  	s7 =	sld [smem:$0x3F9A]  }
0x1a: {  	s8 =	sadd.s32 $0xFFFFE003, lr  }
0x1b: {  	s9 =	sadd.s32 $0xFFFFFEF7, lr;
	s5 =	simm.s32 $0xFFFFFFFF;
	p2 =	slt.u32 s8, $0xFFFFF086  }
0x1c: {  	p1 =	slt.u32 s9, $0xF7A;
	s5 =	simm.s32 @!p2 $0x0  }
0x1d: {  	s5 =	simm.s32 @p1 $0x1;
	p0 =	seq.s32 s7, s2  }
0x1e: {  	s7 =	smul.u32 @!p0 $0xF7A, s2;
	p2 =	seq.s32 @!p0 s5, $0x0  }
0x1f: {  	s9 =	smul.u32 $0xF7A, s1;
	s8 =	simm.s32 @!p0 $0x1BF5;
	p2 =	por !p2, p0  }
0x20: {  	[sflag:s8] =	ssyncset.s32 @!p0 $0xFFFFF086;
	s6 =	sadd.s32 @!p0 s3, s7;
	s7 =	simm.s32 @!p0 $0x108  }
0x21: {  	s3 =	sadd.s32 s3, s9;
	s6 =	sadd.s32 @!p0 $0x88, s6;
	s7 =	simm.s32 @p2 $0x1082  }
0x22: {  	[simem:s7], [sflag:s8] =	dma.local @!p0 [hbm:s6], $0xF7A  }
0x23: {  	s9 =	sor.u32 $0xD0000000, s2;
	s6 =	simm.s32 $0x108;
	_ =	swait.ge @!p0 [sflag:s8], $0x0  }
0x24: {  	s3 =	sadd.s32 $0x88, s3;
	s6 =	simm.s32 @!p1 $0x1082;
	[sflag:s4] =	ssyncset.s32 $0xFFFFF086  }
0x25: {  	[simem:s6], [sflag:s4] =	dma.local [hbm:s3], $0xF7A  }
0x26: {  	[smem:$0x3F9A] =	sst s1;
	(tag) =	ssettag s2;
	_ =	strace s9  }
0x27: {  	s1 =	sld [smem:$0x3FAA]  }
0x28: {  	s2 =	sld [smem:$0x3FAB]  }
0x29: {  	s4 =	sld [smem:$0x3FAD]  }
0x2a: {  	p0 =	seq.s32 s5, $0x0;
	s5 =	sld [smem:$0x3FAE]  }
0x2b: {  	s6 =	sld [smem:$0x3FAF]  }
0x2c: {  	s7 =	sld [smem:$0x3FB0]  }
0x2d: {  	s3 =	simm.s32 $0x108;
	s8 =	sld [smem:$0x3FB1]  }
0x2e: {  	s3 =	simm.s32 @!p0 $0x1082;
	s9 =	sld [smem:$0x3FB2]  }
0x2f: {  	lr =	sadd.s32 s0, s3;
	s0 =	sld [smem:$0x3FA9]  }
0x30: {  	s3 =	sld [smem:$0x3FAC]  }
0x31: {  	[smem:$0x3FB5] =	sst s10  }
0x32: {  	s10 =	sld [smem:$0x3FB3];
	_ =	sdelay $0x3  }
0x33: {  	p0 =	seq.s32 s10, $0x1;
	s10 =	sld [smem:$0x3FB5];
	_ =	sdelay $0x3  }
0x34: {  	[smem:$0x3FB5] =	sst s10  }
0x35: {  	s10 =	sld [smem:$0x3FB4];
	_ =	sdelay $0x3  }
0x36: {  	p1 =	seq.s32 s10, $0x1;
	s10 =	sld [smem:$0x3FB5];
	_ =	sdelay $0x3  }
0x37: {  	[smem:$0x3FB5] =	sst s10  }
0x38: {  	s10 =	sld [smem:$0x3FB6]  }
0x39: {  	_ = 	snop;
	(pc) =	sbr.ind lr, $3  }
0x3a: {  	_ = 	snop  }
0x3b: {  	_ = 	snop  }
0x3c: {  	p2 =	seq.s32 s10, $0x1;
	s10 =	sld [smem:$0x3FB5]  }
0x3d: {  	_ =	shalt  }
0x3e: {  	_ =	shalt  }
0x3f: {  	_ =	shalt  }
0x40: {  	_ =	shalt  }
0x41: {  	_ =	shalt  }
0x42: {  	_ =	shalt  }
0x43: {  	_ =	shalt  }
0x44: {  	_ =	shalt  }
0x45: {  	_ =	shalt  }
0x46: {  	_ =	shalt  }
0x47: {  	_ =	shalt  }
0x48: {  	_ =	shalt  }
0x49: {  	_ =	shalt  }
0x4a: {  	_ =	shalt  }
0x4b: {  	_ =	shalt  }
0x4c: {  	_ =	shalt  }
0x4d: {  	_ =	shalt  }
0x4e: {  	_ =	shalt  }
0x4f: {  	_ =	shalt  }
0x50: {  	_ =	shalt  }
0x51: {  	_ =	shalt  }
0x52: {  	_ =	shalt  }
0x53: {  	_ =	shalt  }
0x54: {  	_ =	shalt  }
0x55: {  	_ =	shalt  }
0x56: {  	_ =	shalt  }
0x57: {  	_ =	shalt  }
0x58: {  	_ =	shalt  }
0x59: {  	_ =	shalt  }
0x5a: {  	_ =	shalt  }
0x5b: {  	_ =	shalt  }
0x5c: {  	_ =	shalt  }
0x5d: {  	_ =	shalt  }
0x5e: {  	_ =	shalt  }
0x5f: {  	_ =	shalt  }
0x60: {  	_ =	shalt  }
0x61: {  	_ =	shalt  }
0x62: {  	_ =	shalt  }
0x63: {  	_ =	shalt  }
0x64: {  	_ =	shalt  }
0x65: {  	_ =	shalt  }
0x66: {  	_ =	shalt  }
0x67: {  	_ =	shalt  }
0x68: {  	_ =	shalt  }
0x69: {  	_ =	shalt  }
0x6a: {  	_ =	shalt  }
0x6b: {  	_ =	shalt  }
0x6c: {  	_ =	shalt  }
0x6d: {  	_ =	shalt  }
0x6e: {  	_ =	shalt  }
0x6f: {  	_ =	shalt  }
0x70: {  	_ =	shalt  }
0x71: {  	_ =	shalt  }
0x72: {  	_ =	shalt  }
0x73: {  	_ =	shalt  }
0x74: {  	_ =	shalt  }
0x75: {  	_ =	shalt  }
0x76: {  	_ =	shalt  }
0x77: {  	_ =	shalt  }
0x78: {  	_ =	shalt  }
0x79: {  	_ =	shalt  }
0x7a: {  	_ =	shalt  }
0x7b: {  	_ =	shalt  }
0x7c: {  	_ =	shalt  }
0x7d: {  	_ =	shalt  }
0x7e: {  	_ =	shalt  }
0x7f: {  	_ =	shalt  }
0x80: {  	_ =	shalt  }
0x81: {  	_ =	shalt  }
0x82: {  	_ =	shalt  }
0x83: {  	_ =	shalt  }
0x84: {  	_ =	shalt  }
0x85: {  	_ =	shalt  }
0x86: {  	_ =	shalt  }
0x87: {  	_ =	shalt  }
.Lfunc_end0:
.L_simem_size_0:
called_computation.2_lowered:
.L_overlay_start_0:
0x88: {  	s2 =	sld [smem:$0x3FD9]  }
0x89: {  	s3 =	sld [smem:$0x3FFE];
	_ =	sdelay $0x1  }
0x8a: {  	s1 =	srdreg.scid  }
0x8b: {  	s0 =	sand.u32 $0x1, s1  }
0x8c: {  	s16 =	sshll.u32 s0, $0xA;
	s2 =	sadd.s32 s3, s2  }
0x8d: {  	s2 =	sadd.s32 s2, s16  }
0x8e: {  	[smem:$0x3FC1] =	sst s2  }
0x8f: {  	_ = 	snop  }
0x90: {  	(tm) =	ssettm $0x1  }
0x91: {  	s17 =	sld [smem:$0x3FFB];
	_ =	sdelay $0x3  }
0x92: {  	_ =	strace s17  }
0x93: {  	s2 =	sld [smem:$0x3FFC];
	_ =	sdelay $0x3  }
0x94: {  	_ =	strace s2  }
0x95: {  	s2 =	sld [smem:$0x3FFD];
	_ =	sdelay $0x3  }
0x96: {  	_ =	strace s2  }
0x97: {  	_ =	strace $0x8FFFFFFF  }
0x98: {  	s18 =	sld [smem:$0x3FDB];
	_ =	sdelay $0x1  }
0x99: {  	s19 =	simm.s32 $_scs_section_size  }
0x9a: {  	s4 =	simm.s32 $_size__tile_overlayer_lowered;
	s5 =	simm.s32 $_tile_overlayer_lowered  }
0x9b: {  	s22 =	simm.s32 $0x1BFF;
	s21 =	sshll.u32 s5, $0x1;
	s2 =	sadd.s32 s19, s18  }
0x9c: {  	s6 =	simm.s32 $0x0;
	s20 =	sshll.u32 s4, $0x1;
	s4 =	sadd.s32 s21, s2  }
0x9d: {  	[timem:s6], [sflag:s22] =	dma.local [hbm:s4], s20  }
0x9e: {  	_ =	swait.ge [sflag:s22], s20  }
0x9f: {  	s3 =	ssub.s32 $0x0, s20;
	[sflag:s22] =	ssyncset.done $0x0  }
0xa0: {  	[sflag:s22] =	ssyncadd.s32 s3;
	_ =	sdelay $0x1  }
0xa1: {  	s23 =	simm.s32 $0x1B8B  }
0xa2: {  	_ =	swait.ge [sflag:s23], $0x1  }
0xa3: {  	[sflag:s23] =	ssyncset.done $0x0  }
0xa4: {  	s25 =	simm.s32 $0x1B8E;
	s24 =	sld [smem:$0x3FFE];
	[sflag:s23] =	ssyncadd.s32 $0xFFFFFFFF  }
0xa5: {  	s26 =	simm.s32 $execute0_lowered;
	[smem:$0x3FD2] =	sst s25  }
0xa6: {  	s4 =	sshll.u32 s26, $0x1;
	_ =	strace $0x8000004C;
	[dreg:$0x1] =	wrdreg $0xFFFFFFFF  }
0xa7: {  	s28 =	simm.s32 $_size_execute0_lowered;
	s2 =	sadd.s32 s2, s4;
	[dreg:$0x0] =	wrdreg $0x0  }
0xa8: {  	s4 =	sshll.u32 s28, $0x1;
	[dreg:$0x2] =	wrdreg s2  }
0xa9: {  	[dreg:$0x3] =	wrdreg s4  }
0xaa: {  	[dreg:$0x4] =	wrdreg $0xC0  }
0xab: {  	_ =	task [dreg:s6], $0x5FFFF  }
0xac: {  	[dreg:$0x1] =	wrdreg $0xFFFFFFFF  }
0xad: {  	[dreg:$0x0] =	wrdreg $0x60  }
0xae: {  	[dreg:$0x2] =	wrdreg s24  }
0xaf: {  	[dreg:$0x3] =	wrdreg $0x82800  }
0xb0: {  	[dreg:$0x4] =	wrdreg $0x9  }
0xb1: {  	_ =	task.clear_ibuf [dreg:s6], $0x5FFFF;
	_ =	strace $0x9000004C  }
0xb2: {  	s29 =	simm.s32 $0x9;
	_ =	strace $0x8000004E  }
0xb3: {  	_ =	swait.ge [sflag:s29], $0x1  }
0xb4: {  	[sflag:s29] =	ssyncadd.s32 $0xFFFFFFFF  }
0xb5: {  	_ =	strace $0x9000004E  }
0xb6: {  	_ =	sfence  }
0xb7: {  	s30 =	sld [smem:$0x0];
	_ =	sdelay $0x2  }
0xb8: {  	s31 =	sshll.u32 s1, $0xD;
	s1 =	sshrl.u32 s1, $0x2  }
0xb9: {  	s3 =	sand.u32 $0x4000, s31;
	s1 =	sadd.s32 s1, s30  }
0xba: {  	s0 =	sor.u32 s3, s0;
	s1 =	sshll.u32 s1, $0x11  }
0xbb: {  	s0 =	sor.u32 s1, s0  }
0xbc: {  	s0 =	sadd.s32 $0x8F2B, s0  }
0xbd: {  	[sflag:s0] =	ssyncadd.remote.s32 $0x1  }
0xbe: {  	_ =	sfence.sel $0xFFFF  }
0xbf: {  	[dreg:$0x0] =	wrdreg $0xFFFFFFFF;
	(pc) =	sbr.abs _section_cstart, $3  }
0xc0: {  	[dreg:$0x1] =	wrdreg $0xFFFFFFFF  }
0xc1: {  	_ =	task.clear_ibuf [dreg:s6], $0x2FFFF;
	_ =	strace $0x9FFFFFFF  }
0xc2: {  	(tm) =	ssettm $0x7FFFFFFF  }
0xc3: {  	_ =	shalt  }
tec
execute0_lowered:
.L_overlay_start_1:
0x0: {  	(tag) =	ssettag $0x1  }
0x1: {  	s6 =	rddreg [dreg:$0x0]  }
0x2: {  	s2 =	rddreg [dreg:$0x1]  }
0x3: {  	s0 =	rddreg [dreg:$0x2]  }
0x4: {  	s3 =	simm.s32 $0x0;
	s1 =	stileid.u32;
	s4 =	srdreg.scid  }
0x5: {  	s13 =	simm.s32 $0x200;
	s14 =	simm.s32 $0x280;
	s15 =	simm.s32 $0x3  }
0x6: {  	s16 =	simm.s32 $0x100;
	s17 =	simm.s32 $0x180;
	s18 =	simm.s32 $0x4280  }
0x7: {  	s19 =	simm.s32 $0x1;
	s20 =	simm.s32 $0x2;
	s7 =	smul.u32 $0x9E0, s1  }
0x8: {  	s21 =	simm.s32 $0x0;
	[smem:$0x7FF] =	sst s3;
	s8 =	smul.u32 $0x2800, s1  }
0x9: {  	s9 =	sand.u32 $0x1, s4;
	s4 =	sadd.s32 $0x2C00, s6;
	s5 =	sadd.s32 $0x2AC00, s6  }
.Ltmp0:
0xa: {  	_ =	strace $0x8000004D;
	s10 =	ssub.s32 $0x2, s9;
	(pc) =	sbr.rel .LBB2_1-.Ltmp0, $4  }
0xb: {  	p0 =	seq.s32 s9, $0x1;
	s11 =	sadd.s32 s7, s6;
	s30 =	sshrl.u32 s10, $0x1  }
0xc: {  	s12 =	sadd.s32 s8, s6;
	s6 =	smul.u32 $0x280, s1;
	s31 =	ssub.s32 s10, s30  }
0xd: {  	s8 =	sadd.s32 $0x5D000, s11;
	s9 =	sadd.s32 $0x53200, s11;
	s10 =	sadd.s32 $0xB6E00, s12  }
0xe: {  	v0 =	vimm.f32 $0.0e+00;
	v1 =	vlaneseq.u32;
	s11 =	sadd.s32 $0xDEE00, s12;
	s12 =	simm.s32 $0x80;
	s7 =	smax.u32 s31, $0x1  }
.LBB2_10:
0xf: {  	_ =	swait.ge [sflag:s19], $0x4000  }
0x10: {  	[sflag:s19] =	ssyncset.done $0x0  }
0x11: {  	[sflag:s19] =	ssyncadd.s32 $0xFFFFC000  }
0x12: {  	[hbm4b:s24+s3] =	stream.linear.scatter [tilespmem:s14], [sflag:$0x3], $0x4000, $0x38;
	[tilespmem:$0x1C280] =	vst v63  }
0x13: {  	_ =	swait.ge [sflag:s15], $0x4000  }
0x14: {  	[sflag:s15] =	ssyncset.done $0x0  }
0x15: {  	[sflag:s15] =	ssyncadd.s32 $0xFFFFC000  }
.LBB2_16:
0x16: {  	s21 =	sadd.s32 $0x1, s21  }
0x17: {  	p1 =	sne.s32 s21, s7  }
.Ltmp1:
0x18: {  	_ = 	snop;
	(pc) =	sbr.rel @!p1 .LBB2_17-.Ltmp1, $1  }
0x19: {  	_ =	sdelay $0x3  }
.LBB2_1:
0x1a: {  	s22 =	simm.s32 $0x0;
	s23 =	simm.s32 $0x0  }
.LBB2_2:
0x1b: {  	p1 =	sne.s32 s23, $0xFFC0  }
.Ltmp2:
0x1c: {  	_ = 	snop;
	(pc) =	sbr.rel @p1 .LBB2_2-.Ltmp2, $4  }
0x1d: {  	s24 =	sand.u32 $0xFE00, s23  }
0x1e: {  	s25 =	sand.u32 $0x70, s22;
	s24 =	sshrl.u32 s24, $0x2  }
0x1f: {  	s24 =	sor.u32 s25, s24  }
0x20: {  	s22 =	sadd.s32 $0x10, s22;
	s23 =	sadd.s32 $0x40, s23;
	[tilespmem:s24+$0x280] =	vst v0  }
0x21: {  	s22 =	sadd.s32 $0x0, s6  }
0x22: {  	v2 =	vmov s22  }
0x23: {  	v3 =	vor.u32 $0x70, v2  }
0x24: {  	v4 =	vor.u32 $0x60, v2;
	v3 =	vbroadcast v3, $0x0  }
0x25: {  	v5 =	vor.u32 s22, v1;
	v6 =	vor.u32 $0x50, v2;
	v4 =	vbroadcast v4, $0x0  }
0x26: {  	[tilespmem:$0x200] =	vst v5;
	v5 =	vor.u32 $0x40, v2;
	v6 =	vbroadcast v6, $0x0;
	v7 =	vor.u32 v1, v3  }
0x27: {  	v8 =	vor.u32 $0x30, v2;
	v3 =	vbroadcast v5, $0x0;
	v9 =	vor.u32 v1, v4;
	[tilespmem:$0x270] =	vst v7  }
0x28: {  	s22 =	simm.s32 $0x80;
	v5 =	vor.u32 $0x20, v2;
	v4 =	vbroadcast v8, $0x0;
	v6 =	vor.u32 v1, v6;
	[tilespmem:$0x260] =	vst v9  }
.LBB2_4:
0x29: {  	p1 =	sne.s32 s22, $0x200;
	v2 =	vor.u32 $0x10, v2;
	v5 =	vbroadcast v5, $0x0;
	v3 =	vor.u32 v1, v3;
	[tilespmem:$0x250] =	vst v6  }
0x2a: {  	v2 =	vbroadcast v2, $0x0;
	v4 =	vor.u32 v1, v4;
	[tilespmem:$0x240] =	vst v3  }
0x2b: {  	v3 =	vor.u32 v1, v5;
	[tilespmem:$0x230] =	vst v4  }
0x2c: {  	s23 =	sadd.s32 s22, s6;
	v4 =	vor.u32 v1, v2;
	[tilespmem:$0x220] =	vst v3  }
0x2d: {  	v2 =	vmov s23;
	[tilespmem:$0x210] =	vst v4;
	[spmem:s2] =	stream.indirect.scatter [tilespmem:s14], [sflag:$0x3], $0x80, s13, s12, $0xb8  }
0x2e: {  	v3 =	vor.u32 $0x70, v2;
	_ =	swait.ge [sflag:s15], $0x4000  }
.Ltmp3:
0x2f: {  	v4 =	vor.u32 $0x60, v2;
	v3 =	vbroadcast v3, $0x0;
	[sflag:s15] =	ssyncset.done $0x0;
	(pc) =	sbr.rel @p1 .LBB2_4-.Ltmp3, $4  }
0x30: {  	v5 =	vor.u32 s23, v1;
	v6 =	vor.u32 $0x50, v2;
	v4 =	vbroadcast v4, $0x0;
	[sflag:s15] =	ssyncadd.s32 $0xFFFFC000  }
0x31: {  	v6 =	vbroadcast v6, $0x0;
	v7 =	vor.u32 v1, v3;
	[tilespmem:$0x200] =	vst v5;
	v5 =	vor.u32 $0x40, v2  }
0x32: {  	v8 =	vor.u32 $0x30, v2;
	v9 =	vor.u32 v1, v4;
	v3 =	vbroadcast v5, $0x0;
	[tilespmem:$0x270] =	vst v7  }
0x33: {  	s22 =	sadd.s32 $0x80, s22;
	v4 =	vbroadcast v8, $0x0;
	v6 =	vor.u32 v1, v6;
	v5 =	vor.u32 $0x20, v2;
	[tilespmem:$0x260] =	vst v9  }
0x34: {  	v2 =	vor.u32 $0x10, v2;
	v5 =	vbroadcast v5, $0x0;
	v3 =	vor.u32 v1, v3;
	[tilespmem:$0x250] =	vst v6  }
0x35: {  	v2 =	vbroadcast v2, $0x0;
	v4 =	vor.u32 v1, v4;
	[tilespmem:$0x240] =	vst v3  }
0x36: {  	v3 =	vor.u32 v1, v5;
	[tilespmem:$0x230] =	vst v4  }
0x37: {  	v2 =	vor.u32 v1, v2;
	[tilespmem:$0x220] =	vst v3  }
0x38: {  	[tilespmem:$0x210] =	vst v2  }
0x39: {  	[spmem:s2] =	stream.indirect.scatter [tilespmem:s14], [sflag:$0x3], $0x80, s13, s12, $0xb8;
	[tilespmem:$0x1C280] =	vst v63  }
.Ltmp4:
0x3a: {  	_ =	swait.ge [sflag:s15], $0x4000;
	(pc) =	sbr.rel @!p0 .LBB2_6-.Ltmp4, $4  }
0x3b: {  	[sflag:s15] =	ssyncset.done $0x0  }
0x3c: {  	[sflag:s15] =	ssyncadd.s32 $0xFFFFC000  }
0x3d: {  	[bflag:$0x0] =	sbarrier.arrive $0xFFFF  }
0x3e: {  	s22 =	sadd.s32 $0x0, s9  }
0x3f: {  	[tilespmem:s3], [sflag:$0x3] =	stream.linear.gather [hbm4b:s22+s3], $0x80, $0x38;
	[tilespmem:$0x1C280] =	vst v63  }
0x40: {  	_ =	swait.ge [sflag:s15], $0x80  }
0x41: {  	[sflag:s15] =	ssyncset.done $0x0  }
0x42: {  	s23 =	sadd.s32 $0x0, s8;
	[sflag:s15] =	ssyncadd.s32 $0xFFFFFF80  }
0x43: {  	[tilespmem:s12], [sflag:$0x3] =	stream.linear.gather [hbm4b:s23+s3], $0x80, $0x38;
	[tilespmem:$0x1C280] =	vst v63  }
0x44: {  	_ =	swait.ge [sflag:s15], $0x80  }
0x45: {  	[sflag:s15] =	ssyncset.done $0x0  }
0x46: {  	[sflag:s15] =	ssyncadd.s32 $0xFFFFFF80  }
0x47: {  	[tilespmem:s14], [sflag:$0x1] =	stream.indirect.gather [hbm4b:s5+s12], $0x80, s3, s12, $0xb8;
	[tilespmem:$0x1C280] =	vst v63  }
0x48: {  	s30 =	sadd.s32 $0x10, s22  }
0x49: {  	[tilespmem:s16], [sflag:$0x3] =	stream.linear.gather [hbm4b:s30+s3], $0x80, $0x38;
	[tilespmem:$0x1C280] =	vst v63  }
0x4a: {  	_ =	swait.ge [sflag:s15], $0x80  }
0x4b: {  	[sflag:s15] =	ssyncset.done $0x0  }
0x4c: {  	s31 =	sadd.s32 $0x10, s23;
	[sflag:s15] =	ssyncadd.s32 $0xFFFFFF80  }
0x4d: {  	[tilespmem:s17], [sflag:$0x3] =	stream.linear.gather [hbm4b:s31+s3], $0x80, $0x38;
	[tilespmem:$0x1C280] =	vst v63  }
0x4e: {  	_ =	swait.ge [sflag:s15], $0x80  }
0x4f: {  	[sflag:s15] =	ssyncset.done $0x0  }
0x50: {  	[sflag:s15] =	ssyncadd.s32 $0xFFFFFF80  }
0x51: {  	[tilespmem:s18], [sflag:$0x2] =	stream.indirect.gather [hbm4b:s5+s12], $0x80, s16, s12, $0xb8;
	[tilespmem:$0x1C280] =	vst v63  }
0x52: {  	_ =	swait.ge [sflag:s19], $0x4000  }
0x53: {  	[sflag:s19] =	ssyncset.done $0x0  }
0x54: {  	[sflag:s19] =	ssyncadd.s32 $0xFFFFC000  }
0x55: {  	[spmem:s2] =	stream.indirect.scatter.add.f32 [tilespmem:s14], [sflag:$0x3], $0x80, s12, s12, $0xb8;
	[tilespmem:$0x1C280] =	vst v63  }
0x56: {  	_ =	swait.ge [sflag:s15], $0x4000  }
0x57: {  	[sflag:s15] =	ssyncset.done $0x0  }
0x58: {  	[sflag:s15] =	ssyncadd.s32 $0xFFFFC000  }
0x59: {  	_ =	swait.ge [sflag:s20], $0x4000  }
0x5a: {  	[sflag:s20] =	ssyncset.done $0x0  }
0x5b: {  	[sflag:s20] =	ssyncadd.s32 $0xFFFFC000  }
0x5c: {  	[spmem:s2] =	stream.indirect.scatter.add.f32 [tilespmem:s18], [sflag:$0x3], $0x80, s17, s12, $0xb8;
	[tilespmem:$0x1C280] =	vst v63  }
0x5d: {  	_ =	swait.ge [sflag:s15], $0x4000  }
0x5e: {  	s22 =	simm.s32 $0x20;
	s24 =	simm.s32 $0x40;
	[sflag:s15] =	ssyncset.done $0x0  }
.LBB2_12:
0x5f: {  	s25 =	sadd.s32 s22, s9  }
0x60: {  	[sflag:s15] =	ssyncadd.s32 $0xFFFFC000;
	s26 =	smov.u32 s24;
	s23 =	sadd.s32 $0x20, s24  }
0x61: {  	[tilespmem:s3], [sflag:$0x3] =	stream.linear.gather [hbm4b:s25+s3], $0x80, $0x38;
	[tilespmem:$0x1C280] =	vst v63  }
0x62: {  	p1 =	sne.s32 s24, $0x9C0;
	_ =	swait.ge [sflag:s15], $0x80  }
0x63: {  	[sflag:s15] =	ssyncset.done $0x0  }
0x64: {  	s24 =	sadd.s32 s22, s8;
	s22 =	smov.u32 s26;
	[sflag:s15] =	ssyncadd.s32 $0xFFFFFF80  }
0x65: {  	[tilespmem:s12], [sflag:$0x3] =	stream.linear.gather [hbm4b:s24+s3], $0x80, $0x38;
	[tilespmem:$0x1C280] =	vst v63  }
0x66: {  	_ =	swait.ge [sflag:s15], $0x80  }
0x67: {  	[sflag:s15] =	ssyncset.done $0x0  }
0x68: {  	[sflag:s15] =	ssyncadd.s32 $0xFFFFFF80  }
0x69: {  	[tilespmem:s14], [sflag:$0x1] =	stream.indirect.gather [hbm4b:s5+s12], $0x80, s3, s12, $0xb8;
	[tilespmem:$0x1C280] =	vst v63  }
0x6a: {  	s25 =	sadd.s32 $0x10, s25  }
0x6b: {  	[tilespmem:s16], [sflag:$0x3] =	stream.linear.gather [hbm4b:s25+s3], $0x80, $0x38;
	[tilespmem:$0x1C280] =	vst v63  }
0x6c: {  	_ =	swait.ge [sflag:s15], $0x80  }
0x6d: {  	[sflag:s15] =	ssyncset.done $0x0  }
0x6e: {  	s24 =	sadd.s32 $0x10, s24;
	[sflag:s15] =	ssyncadd.s32 $0xFFFFFF80  }
0x6f: {  	[tilespmem:s17], [sflag:$0x3] =	stream.linear.gather [hbm4b:s24+s3], $0x80, $0x38;
	[tilespmem:$0x1C280] =	vst v63  }
0x70: {  	_ =	swait.ge [sflag:s15], $0x80  }
0x71: {  	[sflag:s15] =	ssyncset.done $0x0  }
0x72: {  	[sflag:s15] =	ssyncadd.s32 $0xFFFFFF80  }
0x73: {  	[tilespmem:s18], [sflag:$0x2] =	stream.indirect.gather [hbm4b:s5+s12], $0x80, s16, s12, $0xb8;
	[tilespmem:$0x1C280] =	vst v63  }
0x74: {  	_ =	swait.ge [sflag:s19], $0x4000  }
0x75: {  	[sflag:s19] =	ssyncset.done $0x0  }
0x76: {  	[sflag:s19] =	ssyncadd.s32 $0xFFFFC000  }
0x77: {  	[spmem:s2] =	stream.indirect.scatter.add.f32 [tilespmem:s14], [sflag:$0x3], $0x80, s12, s12, $0xb8;
	[tilespmem:$0x1C280] =	vst v63  }
0x78: {  	_ =	swait.ge [sflag:s15], $0x4000  }
0x79: {  	[sflag:s15] =	ssyncset.done $0x0  }
0x7a: {  	[sflag:s15] =	ssyncadd.s32 $0xFFFFC000  }
0x7b: {  	_ =	swait.ge [sflag:s20], $0x4000  }
.Ltmp5:
0x7c: {  	[sflag:s20] =	ssyncset.done $0x0;
	(pc) =	sbr.rel @p1 .LBB2_12-.Ltmp5, $4  }
0x7d: {  	[sflag:s20] =	ssyncadd.s32 $0xFFFFC000  }
0x7e: {  	[spmem:s2] =	stream.indirect.scatter.add.f32 [tilespmem:s18], [sflag:$0x3], $0x80, s17, s12, $0xb8;
	[tilespmem:$0x1C280] =	vst v63  }
0x7f: {  	_ =	swait.ge [sflag:s15], $0x4000  }
0x80: {  	s24 =	smov.u32 s23;
	[sflag:s15] =	ssyncset.done $0x0  }
0x81: {  	s23 =	sadd.s32 s22, s9;
	[sflag:s15] =	ssyncadd.s32 $0xFFFFC000  }
0x82: {  	[tilespmem:s3], [sflag:$0x3] =	stream.linear.gather [hbm4b:s23+s3], $0x80, $0x38;
	[tilespmem:$0x1C280] =	vst v63  }
0x83: {  	_ =	swait.ge [sflag:s15], $0x80  }
0x84: {  	[sflag:s15] =	ssyncset.done $0x0  }
0x85: {  	s30 =	sadd.s32 s22, s8;
	[sflag:s15] =	ssyncadd.s32 $0xFFFFFF80  }
0x86: {  	[tilespmem:s12], [sflag:$0x3] =	stream.linear.gather [hbm4b:s30+s3], $0x80, $0x38;
	[tilespmem:$0x1C280] =	vst v63  }
0x87: {  	_ =	swait.ge [sflag:s15], $0x80  }
0x88: {  	[sflag:s15] =	ssyncset.done $0x0  }
0x89: {  	[sflag:s15] =	ssyncadd.s32 $0xFFFFFF80  }
0x8a: {  	[tilespmem:s14], [sflag:$0x1] =	stream.indirect.gather [hbm4b:s5+s12], $0x80, s3, s12, $0xb8;
	[tilespmem:$0x1C280] =	vst v63  }
0x8b: {  	s23 =	sadd.s32 $0x10, s23  }
0x8c: {  	[tilespmem:s16], [sflag:$0x3] =	stream.linear.gather [hbm4b:s23+s3], $0x80, $0x38;
	[tilespmem:$0x1C280] =	vst v63  }
0x8d: {  	_ =	swait.ge [sflag:s15], $0x80  }
0x8e: {  	[sflag:s15] =	ssyncset.done $0x0  }
0x8f: {  	s22 =	sadd.s32 $0x10, s30;
	[sflag:s15] =	ssyncadd.s32 $0xFFFFFF80  }
0x90: {  	[tilespmem:s17], [sflag:$0x3] =	stream.linear.gather [hbm4b:s22+s3], $0x80, $0x38;
	[tilespmem:$0x1C280] =	vst v63  }
0x91: {  	_ =	swait.ge [sflag:s15], $0x80  }
0x92: {  	[sflag:s15] =	ssyncset.done $0x0  }
0x93: {  	[sflag:s15] =	ssyncadd.s32 $0xFFFFFF80  }
0x94: {  	[tilespmem:s18], [sflag:$0x2] =	stream.indirect.gather [hbm4b:s5+s12], $0x80, s16, s12, $0xb8;
	[tilespmem:$0x1C280] =	vst v63  }
0x95: {  	_ =	swait.ge [sflag:s19], $0x4000  }
0x96: {  	[sflag:s19] =	ssyncset.done $0x0  }
0x97: {  	[sflag:s19] =	ssyncadd.s32 $0xFFFFC000  }
0x98: {  	[spmem:s2] =	stream.indirect.scatter.add.f32 [tilespmem:s14], [sflag:$0x3], $0x80, s12, s12, $0xb8;
	[tilespmem:$0x1C280] =	vst v63  }
0x99: {  	_ =	swait.ge [sflag:s15], $0x4000  }
0x9a: {  	[sflag:s15] =	ssyncset.done $0x0  }
0x9b: {  	[sflag:s15] =	ssyncadd.s32 $0xFFFFC000  }
0x9c: {  	_ =	swait.ge [sflag:s20], $0x4000  }
0x9d: {  	[sflag:s20] =	ssyncset.done $0x0  }
0x9e: {  	s31 =	sadd.s32 $0x0, s6;
	[sflag:s20] =	ssyncadd.s32 $0xFFFFC000  }
0x9f: {  	[spmem:s2] =	stream.indirect.scatter.add.f32 [tilespmem:s18], [sflag:$0x3], $0x80, s17, s12, $0xb8;
	[tilespmem:$0x1C280] =	vst v63  }
0xa0: {  	v2 =	vmov s31;
	_ =	swait.ge [sflag:s15], $0x4000  }
0xa1: {  	v5 =	vor.u32 s31, v1;
	v3 =	vor.u32 $0x10, v2;
	v4 =	vor.u32 $0x20, v2;
	[sflag:s15] =	ssyncset.done $0x0  }
0xa2: {  	v6 =	vor.u32 $0x40, v2;
	v7 =	vor.u32 $0x60, v2;
	v3 =	vbroadcast v3, $0x0;
	[sflag:s15] =	ssyncadd.s32 $0xFFFFC000  }
0xa3: {  	v61 =	vor.u32 $0x70, v2;
	v62 =	vor.u32 $0x50, v2;
	v4 =	vbroadcast v4, $0x0;
	[bflag:$0x0] =	sbarrier.arrive $0xFFFF  }
0xa4: {  	v2 =	vor.u32 $0x30, v2;
	v6 =	vbroadcast v6, $0x0;
	v3 =	vor.u32 v1, v3;
	[tilespmem:$0x200] =	vst v5  }
0xa5: {  	v2 =	vbroadcast v2, $0x0;
	v4 =	vor.u32 v1, v4;
	[tilespmem:$0x210] =	vst v3  }
0xa6: {  	v6 =	vor.u32 v1, v6;
	v3 =	vbroadcast v7, $0x0;
	[tilespmem:$0x220] =	vst v4  }
0xa7: {  	v2 =	vor.u32 v1, v2;
	v5 =	vbroadcast v61, $0x0;
	[tilespmem:$0x240] =	vst v6  }
0xa8: {  	v63 =	vbroadcast v62, $0x0;
	[tilespmem:$0x230] =	vst v2;
	v3 =	vor.u32 v1, v3  }
0xa9: {  	v5 =	vor.u32 v1, v5;
	[tilespmem:$0x260] =	vst v3  }
0xaa: {  	v3 =	vor.u32 v1, v63;
	[tilespmem:$0x270] =	vst v5  }
0xab: {  	s24 =	smov.u32 s11;
	s23 =	smov.u32 s11;
	s22 =	simm.s32 $0x80;
	[tilespmem:$0x250] =	vst v3  }
0xac: {  	[tilespmem:s14], [sflag:$0x1] =	stream.indirect.gather [spmem:s2], $0x80, s13, s12, $0xb8;
	[tilespmem:$0x1C280] =	vst v63  }
.LBB2_14:
0xad: {  	p1 =	sne.s32 s22, $0x200;
	_ =	swait.ge [sflag:s19], $0x4000;
	s23 =	sadd.s32 $0x800, s23  }
0xae: {  	s25 =	sadd.s32 s22, s6;
	s22 =	sadd.s32 $0x80, s22;
	[sflag:s19] =	ssyncset.done $0x0  }
0xaf: {  	[sflag:s19] =	ssyncadd.s32 $0xFFFFC000  }
0xb0: {  	v2 =	vmov s25;
	v3 =	vor.u32 s25, v1;
	[hbm4b:s24+s3] =	stream.linear.scatter [tilespmem:s14], [sflag:$0x3], $0x4000, $0x38;
	[tilespmem:$0x1C280] =	vst v63  }
0xb1: {  	v4 =	vor.u32 $0x10, v2;
	v5 =	vor.u32 $0x20, v2;
	v6 =	vor.u32 $0x70, v2;
	s24 =	smov.u32 s23;
	_ =	swait.ge [sflag:s15], $0x4000  }
0xb2: {  	v7 =	vor.u32 $0x40, v2;
	v4 =	vbroadcast v4, $0x0;
	v5 =	vbroadcast v5, $0x0;
	[sflag:s15] =	ssyncset.done $0x0  }
0xb3: {  	v8 =	vor.u32 $0x60, v2;
	v7 =	vbroadcast v7, $0x0;
	v6 =	vbroadcast v6, $0x0;
	[sflag:s15] =	ssyncadd.s32 $0xFFFFC000  }
0xb4: {  	[tilespmem:$0x200] =	vst v3;
	v3 =	vor.u32 v1, v4;
	v4 =	vor.u32 v1, v5;
	v5 =	vor.u32 $0x50, v2  }
0xb5: {  	v6 =	vor.u32 v1, v6;
	[tilespmem:$0x210] =	vst v3;
	v3 =	vor.u32 v1, v7;
	v7 =	vbroadcast v8, $0x0  }
0xb6: {  	v2 =	vor.u32 $0x30, v2;
	[tilespmem:$0x220] =	vst v4;
	v4 =	vbroadcast v5, $0x0  }
0xb7: {  	v2 =	vbroadcast v2, $0x0;
	[tilespmem:$0x240] =	vst v3;
	v3 =	vor.u32 v1, v7  }
.Ltmp6:
0xb8: {  	v4 =	vor.u32 v1, v4;
	[tilespmem:$0x260] =	vst v3;
	(pc) =	sbr.rel @p1 .LBB2_14-.Ltmp6, $4  }
0xb9: {  	v2 =	vor.u32 v1, v2;
	[tilespmem:$0x270] =	vst v6  }
0xba: {  	[tilespmem:$0x250] =	vst v4  }
0xbb: {  	[tilespmem:$0x230] =	vst v2  }
0xbc: {  	[tilespmem:s14], [sflag:$0x1] =	stream.indirect.gather [spmem:s2], $0x80, s13, s12, $0xb8;
	[tilespmem:$0x1C280] =	vst v63  }
0xbd: {  	_ =	swait.ge [sflag:s19], $0x4000  }
0xbe: {  	[sflag:s19] =	ssyncset.done $0x0  }
.Ltmp7:
0xbf: {  	[sflag:s19] =	ssyncadd.s32 $0xFFFFC000;
	(pc) =	sbr.rel .LBB2_16-.Ltmp7, $4  }
0xc0: {  	[hbm4b:s24+s3] =	stream.linear.scatter [tilespmem:s14], [sflag:$0x3], $0x4000, $0x38;
	[tilespmem:$0x1C280] =	vst v63  }
0xc1: {  	_ =	swait.ge [sflag:s15], $0x4000  }
0xc2: {  	[sflag:s15] =	ssyncset.done $0x0  }
0xc3: {  	[sflag:s15] =	ssyncadd.s32 $0xFFFFC000  }
.LBB2_6:
0xc4: {  	[tilespmem:s3], [sflag:$0x3] =	stream.linear.gather [hbm4b:s22+s3], $0x80, $0x38;
	[tilespmem:$0x1C280] =	vst v63  }
0xc5: {  	_ =	swait.ge [sflag:s15], $0x80  }
0xc6: {  	[sflag:s15] =	ssyncset.done $0x0  }
0xc7: {  	s23 =	sadd.s32 $0x0, s8;
	[sflag:s15] =	ssyncadd.s32 $0xFFFFFF80  }
0xc8: {  	[tilespmem:s12], [sflag:$0x3] =	stream.linear.gather [hbm4b:s23+s3], $0x80, $0x38;
	[tilespmem:$0x1C280] =	vst v63  }
0xc9: {  	_ =	swait.ge [sflag:s15], $0x80  }
0xca: {  	[sflag:s15] =	ssyncset.done $0x0  }
0xcb: {  	[sflag:s15] =	ssyncadd.s32 $0xFFFFFF80  }
0xcc: {  	[tilespmem:s14], [sflag:$0x1] =	stream.indirect.gather [hbm4b:s4+s12], $0x80, s3, s12, $0xb8;
	[tilespmem:$0x1C280] =	vst v63  }
0xcd: {  	s30 =	sadd.s32 $0x10, s22  }
0xce: {  	[tilespmem:s16], [sflag:$0x3] =	stream.linear.gather [hbm4b:s30+s3], $0x80, $0x38;
	[tilespmem:$0x1C280] =	vst v63  }
0xcf: {  	_ =	swait.ge [sflag:s15], $0x80  }
0xd0: {  	[sflag:s15] =	ssyncset.done $0x0  }
0xd1: {  	s31 =	sadd.s32 $0x10, s23;
	[sflag:s15] =	ssyncadd.s32 $0xFFFFFF80  }
0xd2: {  	[tilespmem:s17], [sflag:$0x3] =	stream.linear.gather [hbm4b:s31+s3], $0x80, $0x38;
	[tilespmem:$0x1C280] =	vst v63  }
0xd3: {  	_ =	swait.ge [sflag:s15], $0x80  }
0xd4: {  	[sflag:s15] =	ssyncset.done $0x0  }
0xd5: {  	[sflag:s15] =	ssyncadd.s32 $0xFFFFFF80  }
0xd6: {  	[tilespmem:s18], [sflag:$0x2] =	stream.indirect.gather [hbm4b:s4+s12], $0x80, s16, s12, $0xb8;
	[tilespmem:$0x1C280] =	vst v63  }
0xd7: {  	_ =	swait.ge [sflag:s19], $0x4000  }
0xd8: {  	[sflag:s19] =	ssyncset.done $0x0  }
0xd9: {  	[sflag:s19] =	ssyncadd.s32 $0xFFFFC000  }
0xda: {  	[spmem:s2] =	stream.indirect.scatter.add.f32 [tilespmem:s14], [sflag:$0x3], $0x80, s12, s12, $0xb8;
	[tilespmem:$0x1C280] =	vst v63  }
0xdb: {  	_ =	swait.ge [sflag:s15], $0x4000  }
0xdc: {  	[sflag:s15] =	ssyncset.done $0x0  }
0xdd: {  	[sflag:s15] =	ssyncadd.s32 $0xFFFFC000  }
0xde: {  	_ =	swait.ge [sflag:s20], $0x4000  }
0xdf: {  	[sflag:s20] =	ssyncset.done $0x0  }
0xe0: {  	[sflag:s20] =	ssyncadd.s32 $0xFFFFC000  }
0xe1: {  	[spmem:s2] =	stream.indirect.scatter.add.f32 [tilespmem:s18], [sflag:$0x3], $0x80, s17, s12, $0xb8;
	[tilespmem:$0x1C280] =	vst v63  }
0xe2: {  	_ =	swait.ge [sflag:s15], $0x4000  }
0xe3: {  	s22 =	simm.s32 $0x20;
	s24 =	simm.s32 $0x40;
	[sflag:s15] =	ssyncset.done $0x0  }
.LBB2_7:
0xe4: {  	s25 =	sadd.s32 s22, s9  }
0xe5: {  	[sflag:s15] =	ssyncadd.s32 $0xFFFFC000;
	s26 =	smov.u32 s24;
	s23 =	sadd.s32 $0x20, s24  }
0xe6: {  	[tilespmem:s3], [sflag:$0x3] =	stream.linear.gather [hbm4b:s25+s3], $0x80, $0x38;
	[tilespmem:$0x1C280] =	vst v63  }
0xe7: {  	p1 =	sne.s32 s24, $0x9C0;
	_ =	swait.ge [sflag:s15], $0x80  }
0xe8: {  	[sflag:s15] =	ssyncset.done $0x0  }
0xe9: {  	s24 =	sadd.s32 s22, s8;
	s22 =	smov.u32 s26;
	[sflag:s15] =	ssyncadd.s32 $0xFFFFFF80  }
0xea: {  	[tilespmem:s12], [sflag:$0x3] =	stream.linear.gather [hbm4b:s24+s3], $0x80, $0x38;
	[tilespmem:$0x1C280] =	vst v63  }
0xeb: {  	_ =	swait.ge [sflag:s15], $0x80  }
0xec: {  	[sflag:s15] =	ssyncset.done $0x0  }
0xed: {  	[sflag:s15] =	ssyncadd.s32 $0xFFFFFF80  }
0xee: {  	[tilespmem:s14], [sflag:$0x1] =	stream.indirect.gather [hbm4b:s4+s12], $0x80, s3, s12, $0xb8;
	[tilespmem:$0x1C280] =	vst v63  }
0xef: {  	s25 =	sadd.s32 $0x10, s25  }
0xf0: {  	[tilespmem:s16], [sflag:$0x3] =	stream.linear.gather [hbm4b:s25+s3], $0x80, $0x38;
	[tilespmem:$0x1C280] =	vst v63  }
0xf1: {  	_ =	swait.ge [sflag:s15], $0x80  }
0xf2: {  	[sflag:s15] =	ssyncset.done $0x0  }
0xf3: {  	s24 =	sadd.s32 $0x10, s24;
	[sflag:s15] =	ssyncadd.s32 $0xFFFFFF80  }
0xf4: {  	[tilespmem:s17], [sflag:$0x3] =	stream.linear.gather [hbm4b:s24+s3], $0x80, $0x38;
	[tilespmem:$0x1C280] =	vst v63  }
0xf5: {  	_ =	swait.ge [sflag:s15], $0x80  }
0xf6: {  	[sflag:s15] =	ssyncset.done $0x0  }
0xf7: {  	[sflag:s15] =	ssyncadd.s32 $0xFFFFFF80  }
0xf8: {  	[tilespmem:s18], [sflag:$0x2] =	stream.indirect.gather [hbm4b:s4+s12], $0x80, s16, s12, $0xb8;
	[tilespmem:$0x1C280] =	vst v63  }
0xf9: {  	_ =	swait.ge [sflag:s19], $0x4000  }
0xfa: {  	[sflag:s19] =	ssyncset.done $0x0  }
0xfb: {  	[sflag:s19] =	ssyncadd.s32 $0xFFFFC000  }
0xfc: {  	[spmem:s2] =	stream.indirect.scatter.add.f32 [tilespmem:s14], [sflag:$0x3], $0x80, s12, s12, $0xb8;
	[tilespmem:$0x1C280] =	vst v63  }
0xfd: {  	_ =	swait.ge [sflag:s15], $0x4000  }
0xfe: {  	[sflag:s15] =	ssyncset.done $0x0  }
0xff: {  	[sflag:s15] =	ssyncadd.s32 $0xFFFFC000  }
0x100: {  	_ =	swait.ge [sflag:s20], $0x4000  }
.Ltmp8:
0x101: {  	[sflag:s20] =	ssyncset.done $0x0;
	(pc) =	sbr.rel @p1 .LBB2_7-.Ltmp8, $4  }
0x102: {  	[sflag:s20] =	ssyncadd.s32 $0xFFFFC000  }
0x103: {  	[spmem:s2] =	stream.indirect.scatter.add.f32 [tilespmem:s18], [sflag:$0x3], $0x80, s17, s12, $0xb8;
	[tilespmem:$0x1C280] =	vst v63  }
0x104: {  	_ =	swait.ge [sflag:s15], $0x4000  }
0x105: {  	s24 =	smov.u32 s23;
	[sflag:s15] =	ssyncset.done $0x0  }
0x106: {  	s23 =	sadd.s32 s22, s9;
	[sflag:s15] =	ssyncadd.s32 $0xFFFFC000  }
0x107: {  	[tilespmem:s3], [sflag:$0x3] =	stream.linear.gather [hbm4b:s23+s3], $0x80, $0x38;
	[tilespmem:$0x1C280] =	vst v63  }
0x108: {  	_ =	swait.ge [sflag:s15], $0x80  }
0x109: {  	[sflag:s15] =	ssyncset.done $0x0  }
0x10a: {  	s30 =	sadd.s32 s22, s8;
	[sflag:s15] =	ssyncadd.s32 $0xFFFFFF80  }
0x10b: {  	[tilespmem:s12], [sflag:$0x3] =	stream.linear.gather [hbm4b:s30+s3], $0x80, $0x38;
	[tilespmem:$0x1C280] =	vst v63  }
0x10c: {  	_ =	swait.ge [sflag:s15], $0x80  }
0x10d: {  	[sflag:s15] =	ssyncset.done $0x0  }
0x10e: {  	[sflag:s15] =	ssyncadd.s32 $0xFFFFFF80  }
0x10f: {  	[tilespmem:s14], [sflag:$0x1] =	stream.indirect.gather [hbm4b:s4+s12], $0x80, s3, s12, $0xb8;
	[tilespmem:$0x1C280] =	vst v63  }
0x110: {  	s23 =	sadd.s32 $0x10, s23  }
0x111: {  	[tilespmem:s16], [sflag:$0x3] =	stream.linear.gather [hbm4b:s23+s3], $0x80, $0x38;
	[tilespmem:$0x1C280] =	vst v63  }
0x112: {  	_ =	swait.ge [sflag:s15], $0x80  }
0x113: {  	[sflag:s15] =	ssyncset.done $0x0  }
0x114: {  	s22 =	sadd.s32 $0x10, s30;
	[sflag:s15] =	ssyncadd.s32 $0xFFFFFF80  }
0x115: {  	[tilespmem:s17], [sflag:$0x3] =	stream.linear.gather [hbm4b:s22+s3], $0x80, $0x38;
	[tilespmem:$0x1C280] =	vst v63  }
0x116: {  	_ =	swait.ge [sflag:s15], $0x80  }
0x117: {  	[sflag:s15] =	ssyncset.done $0x0  }
0x118: {  	[sflag:s15] =	ssyncadd.s32 $0xFFFFFF80  }
0x119: {  	[tilespmem:s18], [sflag:$0x2] =	stream.indirect.gather [hbm4b:s4+s12], $0x80, s16, s12, $0xb8;
	[tilespmem:$0x1C280] =	vst v63  }
0x11a: {  	_ =	swait.ge [sflag:s19], $0x4000  }
0x11b: {  	[sflag:s19] =	ssyncset.done $0x0  }
0x11c: {  	[sflag:s19] =	ssyncadd.s32 $0xFFFFC000  }
0x11d: {  	[spmem:s2] =	stream.indirect.scatter.add.f32 [tilespmem:s14], [sflag:$0x3], $0x80, s12, s12, $0xb8;
	[tilespmem:$0x1C280] =	vst v63  }
0x11e: {  	_ =	swait.ge [sflag:s15], $0x4000  }
0x11f: {  	[sflag:s15] =	ssyncset.done $0x0  }
0x120: {  	[sflag:s15] =	ssyncadd.s32 $0xFFFFC000  }
0x121: {  	_ =	swait.ge [sflag:s20], $0x4000  }
0x122: {  	[sflag:s20] =	ssyncset.done $0x0  }
0x123: {  	s31 =	sadd.s32 $0x0, s6;
	[sflag:s20] =	ssyncadd.s32 $0xFFFFC000  }
0x124: {  	[spmem:s2] =	stream.indirect.scatter.add.f32 [tilespmem:s18], [sflag:$0x3], $0x80, s17, s12, $0xb8;
	[tilespmem:$0x1C280] =	vst v63  }
0x125: {  	v2 =	vmov s31;
	_ =	swait.ge [sflag:s15], $0x4000  }
0x126: {  	v5 =	vor.u32 s31, v1;
	v3 =	vor.u32 $0x10, v2;
	v4 =	vor.u32 $0x20, v2;
	[sflag:s15] =	ssyncset.done $0x0  }
0x127: {  	v6 =	vor.u32 $0x40, v2;
	v7 =	vor.u32 $0x60, v2;
	v3 =	vbroadcast v3, $0x0;
	[sflag:s15] =	ssyncadd.s32 $0xFFFFC000  }
0x128: {  	v61 =	vor.u32 $0x70, v2;
	v62 =	vor.u32 $0x50, v2;
	v4 =	vbroadcast v4, $0x0;
	[bflag:$0x0] =	sbarrier.arrive $0xFFFF  }
0x129: {  	v2 =	vor.u32 $0x30, v2;
	v6 =	vbroadcast v6, $0x0;
	v3 =	vor.u32 v1, v3;
	[tilespmem:$0x200] =	vst v5  }
0x12a: {  	v2 =	vbroadcast v2, $0x0;
	v4 =	vor.u32 v1, v4;
	[tilespmem:$0x210] =	vst v3  }
0x12b: {  	v6 =	vor.u32 v1, v6;
	v3 =	vbroadcast v7, $0x0;
	[tilespmem:$0x220] =	vst v4  }
0x12c: {  	v2 =	vor.u32 v1, v2;
	v5 =	vbroadcast v61, $0x0;
	[tilespmem:$0x240] =	vst v6  }
0x12d: {  	v63 =	vbroadcast v62, $0x0;
	[tilespmem:$0x230] =	vst v2;
	v3 =	vor.u32 v1, v3  }
0x12e: {  	v5 =	vor.u32 v1, v5;
	[tilespmem:$0x260] =	vst v3  }
0x12f: {  	v3 =	vor.u32 v1, v63;
	[tilespmem:$0x270] =	vst v5  }
0x130: {  	s24 =	smov.u32 s10;
	s23 =	smov.u32 s10;
	s22 =	simm.s32 $0x80;
	[tilespmem:$0x250] =	vst v3  }
0x131: {  	[tilespmem:s14], [sflag:$0x1] =	stream.indirect.gather [spmem:s2], $0x80, s13, s12, $0xb8;
	[tilespmem:$0x1C280] =	vst v63  }
.LBB2_9:
0x132: {  	p1 =	seq.s32 s22, $0x200;
	_ =	swait.ge [sflag:s19], $0x4000;
	s23 =	sadd.s32 $0x800, s23  }
0x133: {  	s25 =	sadd.s32 s22, s6;
	s22 =	sadd.s32 $0x80, s22;
	[sflag:s19] =	ssyncset.done $0x0  }
0x134: {  	[sflag:s19] =	ssyncadd.s32 $0xFFFFC000  }
0x135: {  	v2 =	vmov s25;
	v3 =	vor.u32 s25, v1;
	[hbm4b:s24+s3] =	stream.linear.scatter [tilespmem:s14], [sflag:$0x3], $0x4000, $0x38;
	[tilespmem:$0x1C280] =	vst v63  }
0x136: {  	v4 =	vor.u32 $0x10, v2;
	v5 =	vor.u32 $0x20, v2;
	v6 =	vor.u32 $0x70, v2;
	s24 =	smov.u32 s23;
	_ =	swait.ge [sflag:s15], $0x4000  }
0x137: {  	v7 =	vor.u32 $0x40, v2;
	v4 =	vbroadcast v4, $0x0;
	v5 =	vbroadcast v5, $0x0;
	[sflag:s15] =	ssyncset.done $0x0  }
0x138: {  	v8 =	vor.u32 $0x60, v2;
	v7 =	vbroadcast v7, $0x0;
	v6 =	vbroadcast v6, $0x0;
	[sflag:s15] =	ssyncadd.s32 $0xFFFFC000  }
0x139: {  	[tilespmem:$0x200] =	vst v3;
	v3 =	vor.u32 v1, v4;
	v4 =	vor.u32 v1, v5;
	v5 =	vor.u32 $0x50, v2  }
0x13a: {  	v6 =	vor.u32 v1, v6;
	[tilespmem:$0x210] =	vst v3;
	v3 =	vor.u32 v1, v7;
	v7 =	vbroadcast v8, $0x0  }
0x13b: {  	v2 =	vor.u32 $0x30, v2;
	[tilespmem:$0x220] =	vst v4;
	v4 =	vbroadcast v5, $0x0  }
0x13c: {  	v2 =	vbroadcast v2, $0x0;
	[tilespmem:$0x240] =	vst v3;
	v3 =	vor.u32 v1, v7  }
.Ltmp9:
0x13d: {  	v4 =	vor.u32 v1, v4;
	[tilespmem:$0x260] =	vst v3;
	(pc) =	sbr.rel @!p1 .LBB2_9-.Ltmp9, $4  }
0x13e: {  	v2 =	vor.u32 v1, v2;
	[tilespmem:$0x270] =	vst v6  }
0x13f: {  	[tilespmem:$0x250] =	vst v4  }
0x140: {  	[tilespmem:$0x230] =	vst v2  }
0x141: {  	[tilespmem:s14], [sflag:$0x1] =	stream.indirect.gather [spmem:s2], $0x80, s13, s12, $0xb8;
	[tilespmem:$0x1C280] =	vst v63  }
.Ltmp10:
0x142: {  	_ = 	snop;
	(pc) =	sbr.rel .LBB2_10-.Ltmp10, $1  }
0x143: {  	_ =	sdelay $0x3  }
.LBB2_17:
0x144: {  	_ =	sfence.sel $0x180000  }
0x145: {  	[bflag:$0x0] =	sbarrier.arrive $0xFFFF  }
0x146: {  	p0 =	sne.s32 s1, $0x0;
	_ =	strace $0x9000004D  }
0x147: {  	s0 =	sadd.s32 @!p0 $0x100000, s0;
	[bflag:$0x2] =	sbarrier.arrive $0xFFFF  }
0x148: {  	[sflag:s0] =	ssyncadd.tile.s32 @!p0 $0x1;
	_ =	shalt  }
.Lfunc_end2:
_tile_overlayer_lowered:
.L_overlay_start_2:
0x149: {  	(tag) =	ssettag $0x2  }
0x14a: {  	s0 =	rddreg [dreg:$0x0];
	s2 =	stileid.u32  }
0x14b: {  	s1 =	rddreg [dreg:$0x1];
	p0 =	sne.s32 s2, $0x0  }
0x14c: {  	s3 =	rddreg [dreg:$0x2];
	[bflag:$0x3] =	sbarrier.arrive $0xFFFF;
	s2 =	simm.s32 @!p0 $0x1C03  }
0x14d: {  	[timem:s3], [sflag:s2] =	dma.local @!p0 [hbm:s0], s1  }
0x14e: {  	s0 =	simm.s32 @!p0 $0x3  }
0x14f: {  	_ =	swait.ge @!p0 [sflag:s0], s1  }
0x150: {  	s1 =	ssub.s32 @!p0 $0x0, s1;
	[sflag:s0] =	ssyncset.done @!p0 $0x0  }
0x151: {  	[sflag:s0] =	ssyncadd.s32 @!p0 s1  }
0x152: {  	[bflag:$0x3] =	sbarrier.arrive $0xFFFF  }
0x153: {  	_ =	shalt  }

// kernel: kernel.19.cloned.1.call-start
scs
__scs_entry_jumppad:
0x0: {  	(pc) =	sbr.rel $0x88, $3  }
0x1: {  	(tag) =	ssettag $0x0;
	lr =	simm.s32 $0x1  }
0x2: {  	[smem:$0x3F9A] =	sst lr;
	_ =	strace $0xD0000000  }
0x3: {  	_ = 	snop  }
0x4: {  	_ = 	snop  }
0x5: {  	_ = 	snop  }
0x6: {  	_ = 	snop  }
0x7: {  	_ = 	snop  }
__scs_overlays_trampoline_lowered:
0x8: {  	[smem:$0x3FA9] =	sst s0  }
0x9: {  	[smem:$0x3FAA] =	sst s1  }
0xa: {  	[smem:$0x3FAB] =	sst s2  }
0xb: {  	[smem:$0x3FAC] =	sst s3  }
0xc: {  	[smem:$0x3FAD] =	sst s4  }
0xd: {  	[smem:$0x3FAE] =	sst s5  }
0xe: {  	[smem:$0x3FAF] =	sst s6  }
0xf: {  	[smem:$0x3FB0] =	sst s7  }
0x10: {  	[smem:$0x3FB1] =	sst s8  }
0x11: {  	[smem:$0x3FB2] =	sst s9;
	s0 =	simm.s32 @!p0 $0x0  }
0x12: {  	s1 =	sld [smem:$0x3F98];
	s0 =	simm.s32 @p0 $0x1  }
0x13: {  	[smem:$0x3FB3] =	sst s0;
	s0 =	simm.s32 @!p1 $0x0  }
0x14: {  	s2 =	sld [smem:$0x3F97];
	s0 =	simm.s32 @p1 $0x1  }
0x15: {  	[smem:$0x3FB4] =	sst s0;
	s0 =	simm.s32 @!p2 $0x0  }
0x16: {  	s3 =	sld [smem:$0x3FDB];
	s0 =	simm.s32 @p2 $0x1  }
0x17: {  	s4 =	simm.s32 $0x1BF5;
	[smem:$0x3FB6] =	sst s0  }
0x18: {  	s0 =	sld [smem:$0x3F99];
	_ =	swait.ge [sflag:s4], $0x0  }
0x19: {  	s7 =	sld [smem:$0x3F9A]  }
0x1a: {  	s8 =	sadd.s32 $0xFFFFE003, lr  }
0x1b: {  	s9 =	sadd.s32 $0xFFFFFEF7, lr;
	s5 =	simm.s32 $0xFFFFFFFF;
	p2 =	slt.u32 s8, $0xFFFFF086  }
0x1c: {  	p1 =	slt.u32 s9, $0xF7A;
	s5 =	simm.s32 @!p2 $0x0  }
0x1d: {  	s5 =	simm.s32 @p1 $0x1;
	p0 =	seq.s32 s7, s2  }
0x1e: {  	s7 =	smul.u32 @!p0 $0xF7A, s2;
	p2 =	seq.s32 @!p0 s5, $0x0  }
0x1f: {  	s9 =	smul.u32 $0xF7A, s1;
	s8 =	simm.s32 @!p0 $0x1BF5;
	p2 =	por !p2, p0  }
0x20: {  	[sflag:s8] =	ssyncset.s32 @!p0 $0xFFFFF086;
	s6 =	sadd.s32 @!p0 s3, s7;
	s7 =	simm.s32 @!p0 $0x108  }
0x21: {  	s3 =	sadd.s32 s3, s9;
	s6 =	sadd.s32 @!p0 $0x88, s6;
	s7 =	simm.s32 @p2 $0x1082  }
0x22: {  	[simem:s7], [sflag:s8] =	dma.local @!p0 [hbm:s6], $0xF7A  }
0x23: {  	s9 =	sor.u32 $0xD0000000, s2;
	s6 =	simm.s32 $0x108;
	_ =	swait.ge @!p0 [sflag:s8], $0x0  }
0x24: {  	s3 =	sadd.s32 $0x88, s3;
	s6 =	simm.s32 @!p1 $0x1082;
	[sflag:s4] =	ssyncset.s32 $0xFFFFF086  }
0x25: {  	[simem:s6], [sflag:s4] =	dma.local [hbm:s3], $0xF7A  }
0x26: {  	[smem:$0x3F9A] =	sst s1;
	(tag) =	ssettag s2;
	_ =	strace s9  }
0x27: {  	s1 =	sld [smem:$0x3FAA]  }
0x28: {  	s2 =	sld [smem:$0x3FAB]  }
0x29: {  	s4 =	sld [smem:$0x3FAD]  }
0x2a: {  	p0 =	seq.s32 s5, $0x0;
	s5 =	sld [smem:$0x3FAE]  }
0x2b: {  	s6 =	sld [smem:$0x3FAF]  }
0x2c: {  	s7 =	sld [smem:$0x3FB0]  }
0x2d: {  	s3 =	simm.s32 $0x108;
	s8 =	sld [smem:$0x3FB1]  }
0x2e: {  	s3 =	simm.s32 @!p0 $0x1082;
	s9 =	sld [smem:$0x3FB2]  }
0x2f: {  	lr =	sadd.s32 s0, s3;
	s0 =	sld [smem:$0x3FA9]  }
0x30: {  	s3 =	sld [smem:$0x3FAC]  }
0x31: {  	[smem:$0x3FB5] =	sst s10  }
0x32: {  	s10 =	sld [smem:$0x3FB3];
	_ =	sdelay $0x3  }
0x33: {  	p0 =	seq.s32 s10, $0x1;
	s10 =	sld [smem:$0x3FB5];
	_ =	sdelay $0x3  }
0x34: {  	[smem:$0x3FB5] =	sst s10  }
0x35: {  	s10 =	sld [smem:$0x3FB4];
	_ =	sdelay $0x3  }
0x36: {  	p1 =	seq.s32 s10, $0x1;
	s10 =	sld [smem:$0x3FB5];
	_ =	sdelay $0x3  }
0x37: {  	[smem:$0x3FB5] =	sst s10  }
0x38: {  	s10 =	sld [smem:$0x3FB6]  }
0x39: {  	_ = 	snop;
	(pc) =	sbr.ind lr, $3  }
0x3a: {  	_ = 	snop  }
0x3b: {  	_ = 	snop  }
0x3c: {  	p2 =	seq.s32 s10, $0x1;
	s10 =	sld [smem:$0x3FB5]  }
0x3d: {  	_ =	shalt  }
0x3e: {  	_ =	shalt  }
0x3f: {  	_ =	shalt  }
0x40: {  	_ =	shalt  }
0x41: {  	_ =	shalt  }
0x42: {  	_ =	shalt  }
0x43: {  	_ =	shalt  }
0x44: {  	_ =	shalt  }
0x45: {  	_ =	shalt  }
0x46: {  	_ =	shalt  }
0x47: {  	_ =	shalt  }
0x48: {  	_ =	shalt  }
0x49: {  	_ =	shalt  }
0x4a: {  	_ =	shalt  }
0x4b: {  	_ =	shalt  }
0x4c: {  	_ =	shalt  }
0x4d: {  	_ =	shalt  }
0x4e: {  	_ =	shalt  }
0x4f: {  	_ =	shalt  }
0x50: {  	_ =	shalt  }
0x51: {  	_ =	shalt  }
0x52: {  	_ =	shalt  }
0x53: {  	_ =	shalt  }
0x54: {  	_ =	shalt  }
0x55: {  	_ =	shalt  }
0x56: {  	_ =	shalt  }
0x57: {  	_ =	shalt  }
0x58: {  	_ =	shalt  }
0x59: {  	_ =	shalt  }
0x5a: {  	_ =	shalt  }
0x5b: {  	_ =	shalt  }
0x5c: {  	_ =	shalt  }
0x5d: {  	_ =	shalt  }
0x5e: {  	_ =	shalt  }
0x5f: {  	_ =	shalt  }
0x60: {  	_ =	shalt  }
0x61: {  	_ =	shalt  }
0x62: {  	_ =	shalt  }
0x63: {  	_ =	shalt  }
0x64: {  	_ =	shalt  }
0x65: {  	_ =	shalt  }
0x66: {  	_ =	shalt  }
0x67: {  	_ =	shalt  }
0x68: {  	_ =	shalt  }
0x69: {  	_ =	shalt  }
0x6a: {  	_ =	shalt  }
0x6b: {  	_ =	shalt  }
0x6c: {  	_ =	shalt  }
0x6d: {  	_ =	shalt  }
0x6e: {  	_ =	shalt  }
0x6f: {  	_ =	shalt  }
0x70: {  	_ =	shalt  }
0x71: {  	_ =	shalt  }
0x72: {  	_ =	shalt  }
0x73: {  	_ =	shalt  }
0x74: {  	_ =	shalt  }
0x75: {  	_ =	shalt  }
0x76: {  	_ =	shalt  }
0x77: {  	_ =	shalt  }
0x78: {  	_ =	shalt  }
0x79: {  	_ =	shalt  }
0x7a: {  	_ =	shalt  }
0x7b: {  	_ =	shalt  }
0x7c: {  	_ =	shalt  }
0x7d: {  	_ =	shalt  }
0x7e: {  	_ =	shalt  }
0x7f: {  	_ =	shalt  }
0x80: {  	_ =	shalt  }
0x81: {  	_ =	shalt  }
0x82: {  	_ =	shalt  }
0x83: {  	_ =	shalt  }
0x84: {  	_ =	shalt  }
0x85: {  	_ =	shalt  }
0x86: {  	_ =	shalt  }
0x87: {  	_ =	shalt  }
.Lfunc_end0:
.L_simem_size_0:
called_computation.3_lowered:
.L_overlay_start_0:
0x88: {  	s2 =	sld [smem:$0x3FD9]  }
0x89: {  	s3 =	sld [smem:$0x3FFE];
	_ =	sdelay $0x1  }
0x8a: {  	s1 =	srdreg.scid  }
0x8b: {  	s0 =	sand.u32 $0x1, s1  }
0x8c: {  	s16 =	sshll.u32 s0, $0xA;
	s2 =	sadd.s32 s3, s2  }
0x8d: {  	s2 =	sadd.s32 s2, s16  }
0x8e: {  	[smem:$0x3FC1] =	sst s2  }
0x8f: {  	_ = 	snop  }
0x90: {  	(tm) =	ssettm $0x1  }
0x91: {  	s17 =	sld [smem:$0x3FFB];
	_ =	sdelay $0x3  }
0x92: {  	_ =	strace s17  }
0x93: {  	s2 =	sld [smem:$0x3FFC];
	_ =	sdelay $0x3  }
0x94: {  	_ =	strace s2  }
0x95: {  	s2 =	sld [smem:$0x3FFD];
	_ =	sdelay $0x3  }
0x96: {  	_ =	strace s2  }
0x97: {  	_ =	strace $0x8FFFFFFF  }
0x98: {  	s18 =	sld [smem:$0x3FDB];
	_ =	sdelay $0x1  }
0x99: {  	s19 =	simm.s32 $_scs_section_size  }
0x9a: {  	s4 =	simm.s32 $_size__tile_overlayer_lowered;
	s5 =	simm.s32 $_tile_overlayer_lowered  }
0x9b: {  	s22 =	simm.s32 $0x1BFF;
	s21 =	sshll.u32 s5, $0x1;
	s2 =	sadd.s32 s19, s18  }
0x9c: {  	s6 =	simm.s32 $0x0;
	s20 =	sshll.u32 s4, $0x1;
	s4 =	sadd.s32 s21, s2  }
0x9d: {  	[timem:s6], [sflag:s22] =	dma.local [hbm:s4], s20  }
0x9e: {  	_ =	swait.ge [sflag:s22], s20  }
0x9f: {  	s3 =	ssub.s32 $0x0, s20;
	[sflag:s22] =	ssyncset.done $0x0  }
0xa0: {  	[sflag:s22] =	ssyncadd.s32 s3;
	_ =	sdelay $0x1  }
0xa1: {  	s23 =	simm.s32 $0x1B8B  }
0xa2: {  	_ =	swait.ge [sflag:s23], $0x1  }
0xa3: {  	[sflag:s23] =	ssyncset.done $0x0  }
0xa4: {  	s25 =	simm.s32 $0x1B8E;
	s24 =	sld [smem:$0x3FFE];
	[sflag:s23] =	ssyncadd.s32 $0xFFFFFFFF  }
0xa5: {  	s26 =	simm.s32 $execute0_lowered;
	[smem:$0x3FD2] =	sst s25  }
0xa6: {  	s4 =	sshll.u32 s26, $0x1;
	_ =	strace $0x8000004F;
	[dreg:$0x1] =	wrdreg $0xFFFFFFFF  }
0xa7: {  	s28 =	simm.s32 $_size_execute0_lowered;
	s2 =	sadd.s32 s2, s4;
	[dreg:$0x0] =	wrdreg $0x0  }
0xa8: {  	s4 =	sshll.u32 s28, $0x1;
	[dreg:$0x2] =	wrdreg s2  }
0xa9: {  	[dreg:$0x3] =	wrdreg s4  }
0xaa: {  	[dreg:$0x4] =	wrdreg $0xC0  }
0xab: {  	_ =	task [dreg:s6], $0x5FFFF  }
0xac: {  	[dreg:$0x1] =	wrdreg $0xFFFFFFFF  }
0xad: {  	[dreg:$0x0] =	wrdreg $0x60  }
0xae: {  	[dreg:$0x2] =	wrdreg s24  }
0xaf: {  	[dreg:$0x3] =	wrdreg $0x82800  }
0xb0: {  	[dreg:$0x4] =	wrdreg $0x9  }
0xb1: {  	_ =	task.clear_ibuf [dreg:s6], $0x5FFFF;
	_ =	strace $0x9000004F  }
0xb2: {  	s29 =	simm.s32 $0x9;
	_ =	strace $0x80000051  }
0xb3: {  	_ =	swait.ge [sflag:s29], $0x1  }
0xb4: {  	[sflag:s29] =	ssyncadd.s32 $0xFFFFFFFF  }
0xb5: {  	_ =	strace $0x90000051  }
0xb6: {  	_ =	sfence  }
0xb7: {  	s30 =	sld [smem:$0x0];
	_ =	sdelay $0x2  }
0xb8: {  	s31 =	sshll.u32 s1, $0xD;
	s1 =	sshrl.u32 s1, $0x2  }
0xb9: {  	s3 =	sand.u32 $0x4000, s31;
	s1 =	sadd.s32 s1, s30  }
0xba: {  	s0 =	sor.u32 s3, s0;
	s1 =	sshll.u32 s1, $0x11  }
0xbb: {  	s0 =	sor.u32 s1, s0  }
0xbc: {  	s0 =	sadd.s32 $0x8F2B, s0  }
0xbd: {  	[sflag:s0] =	ssyncadd.remote.s32 $0x1  }
0xbe: {  	_ =	sfence.sel $0xFFFF  }
0xbf: {  	[dreg:$0x0] =	wrdreg $0xFFFFFFFF;
	(pc) =	sbr.abs _section_cstart, $3  }
0xc0: {  	[dreg:$0x1] =	wrdreg $0xFFFFFFFF  }
0xc1: {  	_ =	task.clear_ibuf [dreg:s6], $0x2FFFF;
	_ =	strace $0x9FFFFFFF  }
0xc2: {  	(tm) =	ssettm $0x7FFFFFFF  }
0xc3: {  	_ =	shalt  }
tec
execute0_lowered:
.L_overlay_start_1:
0x0: {  	(tag) =	ssettag $0x1  }
0x1: {  	s6 =	rddreg [dreg:$0x0]  }
0x2: {  	s2 =	rddreg [dreg:$0x1]  }
0x3: {  	s0 =	rddreg [dreg:$0x2]  }
0x4: {  	s3 =	simm.s32 $0x0;
	s1 =	stileid.u32;
	s4 =	srdreg.scid  }
0x5: {  	s13 =	simm.s32 $0x200;
	s14 =	simm.s32 $0x280;
	s15 =	simm.s32 $0x3  }
0x6: {  	s16 =	simm.s32 $0x100;
	s17 =	simm.s32 $0x180;
	s18 =	simm.s32 $0x4280  }
0x7: {  	s19 =	simm.s32 $0x1;
	s20 =	simm.s32 $0x2;
	s7 =	smul.u32 $0x9E0, s1  }
0x8: {  	s21 =	simm.s32 $0x0;
	[smem:$0x7FF] =	sst s3;
	s8 =	smul.u32 $0x2800, s1  }
0x9: {  	s9 =	sand.u32 $0x1, s4;
	s4 =	sadd.s32 $0x66E00, s6;
	s5 =	sadd.s32 $0x2C00, s6  }
.Ltmp0:
0xa: {  	_ =	strace $0x80000050;
	s10 =	ssub.s32 $0x2, s9;
	(pc) =	sbr.rel .LBB2_1-.Ltmp0, $4  }
0xb: {  	p0 =	seq.s32 s9, $0x1;
	s11 =	sadd.s32 s7, s6;
	s30 =	sshrl.u32 s10, $0x1  }
0xc: {  	s12 =	sadd.s32 s8, s6;
	s6 =	smul.u32 $0x280, s1;
	s31 =	ssub.s32 s10, s30  }
0xd: {  	s8 =	sadd.s32 $0x5D000, s11;
	s9 =	sadd.s32 $0x53200, s11;
	s10 =	sadd.s32 $0x2AC00, s12  }
0xe: {  	v0 =	vimm.f32 $0.0e+00;
	v1 =	vlaneseq.u32;
	s11 =	sadd.s32 $0xB6E00, s12;
	s12 =	simm.s32 $0x80;
	s7 =	smax.u32 s31, $0x1  }
.LBB2_10:
0xf: {  	_ =	swait.ge [sflag:s19], $0x4000  }
0x10: {  	[sflag:s19] =	ssyncset.done $0x0  }
0x11: {  	[sflag:s19] =	ssyncadd.s32 $0xFFFFC000  }
0x12: {  	[hbm4b:s24+s3] =	stream.linear.scatter [tilespmem:s14], [sflag:$0x3], $0x4000, $0x38;
	[tilespmem:$0x1C280] =	vst v63  }
0x13: {  	_ =	swait.ge [sflag:s15], $0x4000  }
0x14: {  	[sflag:s15] =	ssyncset.done $0x0  }
0x15: {  	[sflag:s15] =	ssyncadd.s32 $0xFFFFC000  }
.LBB2_16:
0x16: {  	s21 =	sadd.s32 $0x1, s21  }
0x17: {  	p1 =	sne.s32 s21, s7  }
.Ltmp1:
0x18: {  	_ = 	snop;
	(pc) =	sbr.rel @!p1 .LBB2_17-.Ltmp1, $1  }
0x19: {  	_ =	sdelay $0x3  }
.LBB2_1:
0x1a: {  	s22 =	simm.s32 $0x0;
	s23 =	simm.s32 $0x0  }
.LBB2_2:
0x1b: {  	p1 =	sne.s32 s23, $0xFFC0  }
.Ltmp2:
0x1c: {  	_ = 	snop;
	(pc) =	sbr.rel @p1 .LBB2_2-.Ltmp2, $4  }
0x1d: {  	s24 =	sand.u32 $0xFE00, s23  }
0x1e: {  	s25 =	sand.u32 $0x70, s22;
	s24 =	sshrl.u32 s24, $0x2  }
0x1f: {  	s24 =	sor.u32 s25, s24  }
0x20: {  	s22 =	sadd.s32 $0x10, s22;
	s23 =	sadd.s32 $0x40, s23;
	[tilespmem:s24+$0x280] =	vst v0  }
0x21: {  	s22 =	sadd.s32 $0x0, s6  }
0x22: {  	v2 =	vmov s22  }
0x23: {  	v3 =	vor.u32 $0x70, v2  }
0x24: {  	v4 =	vor.u32 $0x60, v2;
	v3 =	vbroadcast v3, $0x0  }
0x25: {  	v5 =	vor.u32 s22, v1;
	v6 =	vor.u32 $0x50, v2;
	v4 =	vbroadcast v4, $0x0  }
0x26: {  	[tilespmem:$0x200] =	vst v5;
	v5 =	vor.u32 $0x40, v2;
	v6 =	vbroadcast v6, $0x0;
	v7 =	vor.u32 v1, v3  }
0x27: {  	v8 =	vor.u32 $0x30, v2;
	v3 =	vbroadcast v5, $0x0;
	v9 =	vor.u32 v1, v4;
	[tilespmem:$0x270] =	vst v7  }
0x28: {  	s22 =	simm.s32 $0x80;
	v5 =	vor.u32 $0x20, v2;
	v4 =	vbroadcast v8, $0x0;
	v6 =	vor.u32 v1, v6;
	[tilespmem:$0x260] =	vst v9  }
.LBB2_4:
0x29: {  	p1 =	sne.s32 s22, $0x200;
	v2 =	vor.u32 $0x10, v2;
	v5 =	vbroadcast v5, $0x0;
	v3 =	vor.u32 v1, v3;
	[tilespmem:$0x250] =	vst v6  }
0x2a: {  	v2 =	vbroadcast v2, $0x0;
	v4 =	vor.u32 v1, v4;
	[tilespmem:$0x240] =	vst v3  }
0x2b: {  	v3 =	vor.u32 v1, v5;
	[tilespmem:$0x230] =	vst v4  }
0x2c: {  	s23 =	sadd.s32 s22, s6;
	v4 =	vor.u32 v1, v2;
	[tilespmem:$0x220] =	vst v3  }
0x2d: {  	v2 =	vmov s23;
	[tilespmem:$0x210] =	vst v4;
	[spmem:s2] =	stream.indirect.scatter [tilespmem:s14], [sflag:$0x3], $0x80, s13, s12, $0xb8  }
0x2e: {  	v3 =	vor.u32 $0x70, v2;
	_ =	swait.ge [sflag:s15], $0x4000  }
.Ltmp3:
0x2f: {  	v4 =	vor.u32 $0x60, v2;
	v3 =	vbroadcast v3, $0x0;
	[sflag:s15] =	ssyncset.done $0x0;
	(pc) =	sbr.rel @p1 .LBB2_4-.Ltmp3, $4  }
0x30: {  	v5 =	vor.u32 s23, v1;
	v6 =	vor.u32 $0x50, v2;
	v4 =	vbroadcast v4, $0x0;
	[sflag:s15] =	ssyncadd.s32 $0xFFFFC000  }
0x31: {  	v6 =	vbroadcast v6, $0x0;
	v7 =	vor.u32 v1, v3;
	[tilespmem:$0x200] =	vst v5;
	v5 =	vor.u32 $0x40, v2  }
0x32: {  	v8 =	vor.u32 $0x30, v2;
	v9 =	vor.u32 v1, v4;
	v3 =	vbroadcast v5, $0x0;
	[tilespmem:$0x270] =	vst v7  }
0x33: {  	s22 =	sadd.s32 $0x80, s22;
	v4 =	vbroadcast v8, $0x0;
	v6 =	vor.u32 v1, v6;
	v5 =	vor.u32 $0x20, v2;
	[tilespmem:$0x260] =	vst v9  }
0x34: {  	v2 =	vor.u32 $0x10, v2;
	v5 =	vbroadcast v5, $0x0;
	v3 =	vor.u32 v1, v3;
	[tilespmem:$0x250] =	vst v6  }
0x35: {  	v2 =	vbroadcast v2, $0x0;
	v4 =	vor.u32 v1, v4;
	[tilespmem:$0x240] =	vst v3  }
0x36: {  	v3 =	vor.u32 v1, v5;
	[tilespmem:$0x230] =	vst v4  }
0x37: {  	v2 =	vor.u32 v1, v2;
	[tilespmem:$0x220] =	vst v3  }
0x38: {  	[tilespmem:$0x210] =	vst v2  }
0x39: {  	[spmem:s2] =	stream.indirect.scatter [tilespmem:s14], [sflag:$0x3], $0x80, s13, s12, $0xb8;
	[tilespmem:$0x1C280] =	vst v63  }
.Ltmp4:
0x3a: {  	_ =	swait.ge [sflag:s15], $0x4000;
	(pc) =	sbr.rel @!p0 .LBB2_6-.Ltmp4, $4  }
0x3b: {  	[sflag:s15] =	ssyncset.done $0x0  }
0x3c: {  	[sflag:s15] =	ssyncadd.s32 $0xFFFFC000  }
0x3d: {  	[bflag:$0x0] =	sbarrier.arrive $0xFFFF  }
0x3e: {  	s22 =	sadd.s32 $0x0, s9  }
0x3f: {  	[tilespmem:s3], [sflag:$0x3] =	stream.linear.gather [hbm4b:s22+s3], $0x80, $0x38;
	[tilespmem:$0x1C280] =	vst v63  }
0x40: {  	_ =	swait.ge [sflag:s15], $0x80  }
0x41: {  	[sflag:s15] =	ssyncset.done $0x0  }
0x42: {  	s23 =	sadd.s32 $0x0, s8;
	[sflag:s15] =	ssyncadd.s32 $0xFFFFFF80  }
0x43: {  	[tilespmem:s12], [sflag:$0x3] =	stream.linear.gather [hbm4b:s23+s3], $0x80, $0x38;
	[tilespmem:$0x1C280] =	vst v63  }
0x44: {  	_ =	swait.ge [sflag:s15], $0x80  }
0x45: {  	[sflag:s15] =	ssyncset.done $0x0  }
0x46: {  	[sflag:s15] =	ssyncadd.s32 $0xFFFFFF80  }
0x47: {  	[tilespmem:s14], [sflag:$0x1] =	stream.indirect.gather [hbm4b:s5+s12], $0x80, s3, s12, $0xb8;
	[tilespmem:$0x1C280] =	vst v63  }
0x48: {  	s30 =	sadd.s32 $0x10, s22  }
0x49: {  	[tilespmem:s16], [sflag:$0x3] =	stream.linear.gather [hbm4b:s30+s3], $0x80, $0x38;
	[tilespmem:$0x1C280] =	vst v63  }
0x4a: {  	_ =	swait.ge [sflag:s15], $0x80  }
0x4b: {  	[sflag:s15] =	ssyncset.done $0x0  }
0x4c: {  	s31 =	sadd.s32 $0x10, s23;
	[sflag:s15] =	ssyncadd.s32 $0xFFFFFF80  }
0x4d: {  	[tilespmem:s17], [sflag:$0x3] =	stream.linear.gather [hbm4b:s31+s3], $0x80, $0x38;
	[tilespmem:$0x1C280] =	vst v63  }
0x4e: {  	_ =	swait.ge [sflag:s15], $0x80  }
0x4f: {  	[sflag:s15] =	ssyncset.done $0x0  }
0x50: {  	[sflag:s15] =	ssyncadd.s32 $0xFFFFFF80  }
0x51: {  	[tilespmem:s18], [sflag:$0x2] =	stream.indirect.gather [hbm4b:s5+s12], $0x80, s16, s12, $0xb8;
	[tilespmem:$0x1C280] =	vst v63  }
0x52: {  	_ =	swait.ge [sflag:s19], $0x4000  }
0x53: {  	[sflag:s19] =	ssyncset.done $0x0  }
0x54: {  	[sflag:s19] =	ssyncadd.s32 $0xFFFFC000  }
0x55: {  	[spmem:s2] =	stream.indirect.scatter.add.f32 [tilespmem:s14], [sflag:$0x3], $0x80, s12, s12, $0xb8;
	[tilespmem:$0x1C280] =	vst v63  }
0x56: {  	_ =	swait.ge [sflag:s15], $0x4000  }
0x57: {  	[sflag:s15] =	ssyncset.done $0x0  }
0x58: {  	[sflag:s15] =	ssyncadd.s32 $0xFFFFC000  }
0x59: {  	_ =	swait.ge [sflag:s20], $0x4000  }
0x5a: {  	[sflag:s20] =	ssyncset.done $0x0  }
0x5b: {  	[sflag:s20] =	ssyncadd.s32 $0xFFFFC000  }
0x5c: {  	[spmem:s2] =	stream.indirect.scatter.add.f32 [tilespmem:s18], [sflag:$0x3], $0x80, s17, s12, $0xb8;
	[tilespmem:$0x1C280] =	vst v63  }
0x5d: {  	_ =	swait.ge [sflag:s15], $0x4000  }
0x5e: {  	s22 =	simm.s32 $0x20;
	s24 =	simm.s32 $0x40;
	[sflag:s15] =	ssyncset.done $0x0  }
.LBB2_12:
0x5f: {  	s25 =	sadd.s32 s22, s9  }
0x60: {  	[sflag:s15] =	ssyncadd.s32 $0xFFFFC000;
	s26 =	smov.u32 s24;
	s23 =	sadd.s32 $0x20, s24  }
0x61: {  	[tilespmem:s3], [sflag:$0x3] =	stream.linear.gather [hbm4b:s25+s3], $0x80, $0x38;
	[tilespmem:$0x1C280] =	vst v63  }
0x62: {  	p1 =	sne.s32 s24, $0x9C0;
	_ =	swait.ge [sflag:s15], $0x80  }
0x63: {  	[sflag:s15] =	ssyncset.done $0x0  }
0x64: {  	s24 =	sadd.s32 s22, s8;
	s22 =	smov.u32 s26;
	[sflag:s15] =	ssyncadd.s32 $0xFFFFFF80  }
0x65: {  	[tilespmem:s12], [sflag:$0x3] =	stream.linear.gather [hbm4b:s24+s3], $0x80, $0x38;
	[tilespmem:$0x1C280] =	vst v63  }
0x66: {  	_ =	swait.ge [sflag:s15], $0x80  }
0x67: {  	[sflag:s15] =	ssyncset.done $0x0  }
0x68: {  	[sflag:s15] =	ssyncadd.s32 $0xFFFFFF80  }
0x69: {  	[tilespmem:s14], [sflag:$0x1] =	stream.indirect.gather [hbm4b:s5+s12], $0x80, s3, s12, $0xb8;
	[tilespmem:$0x1C280] =	vst v63  }
0x6a: {  	s25 =	sadd.s32 $0x10, s25  }
0x6b: {  	[tilespmem:s16], [sflag:$0x3] =	stream.linear.gather [hbm4b:s25+s3], $0x80, $0x38;
	[tilespmem:$0x1C280] =	vst v63  }
0x6c: {  	_ =	swait.ge [sflag:s15], $0x80  }
0x6d: {  	[sflag:s15] =	ssyncset.done $0x0  }
0x6e: {  	s24 =	sadd.s32 $0x10, s24;
	[sflag:s15] =	ssyncadd.s32 $0xFFFFFF80  }
0x6f: {  	[tilespmem:s17], [sflag:$0x3] =	stream.linear.gather [hbm4b:s24+s3], $0x80, $0x38;
	[tilespmem:$0x1C280] =	vst v63  }
0x70: {  	_ =	swait.ge [sflag:s15], $0x80  }
0x71: {  	[sflag:s15] =	ssyncset.done $0x0  }
0x72: {  	[sflag:s15] =	ssyncadd.s32 $0xFFFFFF80  }
0x73: {  	[tilespmem:s18], [sflag:$0x2] =	stream.indirect.gather [hbm4b:s5+s12], $0x80, s16, s12, $0xb8;
	[tilespmem:$0x1C280] =	vst v63  }
0x74: {  	_ =	swait.ge [sflag:s19], $0x4000  }
0x75: {  	[sflag:s19] =	ssyncset.done $0x0  }
0x76: {  	[sflag:s19] =	ssyncadd.s32 $0xFFFFC000  }
0x77: {  	[spmem:s2] =	stream.indirect.scatter.add.f32 [tilespmem:s14], [sflag:$0x3], $0x80, s12, s12, $0xb8;
	[tilespmem:$0x1C280] =	vst v63  }
0x78: {  	_ =	swait.ge [sflag:s15], $0x4000  }
0x79: {  	[sflag:s15] =	ssyncset.done $0x0  }
0x7a: {  	[sflag:s15] =	ssyncadd.s32 $0xFFFFC000  }
0x7b: {  	_ =	swait.ge [sflag:s20], $0x4000  }
.Ltmp5:
0x7c: {  	[sflag:s20] =	ssyncset.done $0x0;
	(pc) =	sbr.rel @p1 .LBB2_12-.Ltmp5, $4  }
0x7d: {  	[sflag:s20] =	ssyncadd.s32 $0xFFFFC000  }
0x7e: {  	[spmem:s2] =	stream.indirect.scatter.add.f32 [tilespmem:s18], [sflag:$0x3], $0x80, s17, s12, $0xb8;
	[tilespmem:$0x1C280] =	vst v63  }
0x7f: {  	_ =	swait.ge [sflag:s15], $0x4000  }
0x80: {  	s24 =	smov.u32 s23;
	[sflag:s15] =	ssyncset.done $0x0  }
0x81: {  	s23 =	sadd.s32 s22, s9;
	[sflag:s15] =	ssyncadd.s32 $0xFFFFC000  }
0x82: {  	[tilespmem:s3], [sflag:$0x3] =	stream.linear.gather [hbm4b:s23+s3], $0x80, $0x38;
	[tilespmem:$0x1C280] =	vst v63  }
0x83: {  	_ =	swait.ge [sflag:s15], $0x80  }
0x84: {  	[sflag:s15] =	ssyncset.done $0x0  }
0x85: {  	s30 =	sadd.s32 s22, s8;
	[sflag:s15] =	ssyncadd.s32 $0xFFFFFF80  }
0x86: {  	[tilespmem:s12], [sflag:$0x3] =	stream.linear.gather [hbm4b:s30+s3], $0x80, $0x38;
	[tilespmem:$0x1C280] =	vst v63  }
0x87: {  	_ =	swait.ge [sflag:s15], $0x80  }
0x88: {  	[sflag:s15] =	ssyncset.done $0x0  }
0x89: {  	[sflag:s15] =	ssyncadd.s32 $0xFFFFFF80  }
0x8a: {  	[tilespmem:s14], [sflag:$0x1] =	stream.indirect.gather [hbm4b:s5+s12], $0x80, s3, s12, $0xb8;
	[tilespmem:$0x1C280] =	vst v63  }
0x8b: {  	s23 =	sadd.s32 $0x10, s23  }
0x8c: {  	[tilespmem:s16], [sflag:$0x3] =	stream.linear.gather [hbm4b:s23+s3], $0x80, $0x38;
	[tilespmem:$0x1C280] =	vst v63  }
0x8d: {  	_ =	swait.ge [sflag:s15], $0x80  }
0x8e: {  	[sflag:s15] =	ssyncset.done $0x0  }
0x8f: {  	s22 =	sadd.s32 $0x10, s30;
	[sflag:s15] =	ssyncadd.s32 $0xFFFFFF80  }
0x90: {  	[tilespmem:s17], [sflag:$0x3] =	stream.linear.gather [hbm4b:s22+s3], $0x80, $0x38;
	[tilespmem:$0x1C280] =	vst v63  }
0x91: {  	_ =	swait.ge [sflag:s15], $0x80  }
0x92: {  	[sflag:s15] =	ssyncset.done $0x0  }
0x93: {  	[sflag:s15] =	ssyncadd.s32 $0xFFFFFF80  }
0x94: {  	[tilespmem:s18], [sflag:$0x2] =	stream.indirect.gather [hbm4b:s5+s12], $0x80, s16, s12, $0xb8;
	[tilespmem:$0x1C280] =	vst v63  }
0x95: {  	_ =	swait.ge [sflag:s19], $0x4000  }
0x96: {  	[sflag:s19] =	ssyncset.done $0x0  }
0x97: {  	[sflag:s19] =	ssyncadd.s32 $0xFFFFC000  }
0x98: {  	[spmem:s2] =	stream.indirect.scatter.add.f32 [tilespmem:s14], [sflag:$0x3], $0x80, s12, s12, $0xb8;
	[tilespmem:$0x1C280] =	vst v63  }
0x99: {  	_ =	swait.ge [sflag:s15], $0x4000  }
0x9a: {  	[sflag:s15] =	ssyncset.done $0x0  }
0x9b: {  	[sflag:s15] =	ssyncadd.s32 $0xFFFFC000  }
0x9c: {  	_ =	swait.ge [sflag:s20], $0x4000  }
0x9d: {  	[sflag:s20] =	ssyncset.done $0x0  }
0x9e: {  	s31 =	sadd.s32 $0x0, s6;
	[sflag:s20] =	ssyncadd.s32 $0xFFFFC000  }
0x9f: {  	[spmem:s2] =	stream.indirect.scatter.add.f32 [tilespmem:s18], [sflag:$0x3], $0x80, s17, s12, $0xb8;
	[tilespmem:$0x1C280] =	vst v63  }
0xa0: {  	v2 =	vmov s31;
	_ =	swait.ge [sflag:s15], $0x4000  }
0xa1: {  	v5 =	vor.u32 s31, v1;
	v3 =	vor.u32 $0x10, v2;
	v4 =	vor.u32 $0x20, v2;
	[sflag:s15] =	ssyncset.done $0x0  }
0xa2: {  	v6 =	vor.u32 $0x40, v2;
	v7 =	vor.u32 $0x60, v2;
	v3 =	vbroadcast v3, $0x0;
	[sflag:s15] =	ssyncadd.s32 $0xFFFFC000  }
0xa3: {  	v61 =	vor.u32 $0x70, v2;
	v62 =	vor.u32 $0x50, v2;
	v4 =	vbroadcast v4, $0x0;
	[bflag:$0x0] =	sbarrier.arrive $0xFFFF  }
0xa4: {  	v2 =	vor.u32 $0x30, v2;
	v6 =	vbroadcast v6, $0x0;
	v3 =	vor.u32 v1, v3;
	[tilespmem:$0x200] =	vst v5  }
0xa5: {  	v2 =	vbroadcast v2, $0x0;
	v4 =	vor.u32 v1, v4;
	[tilespmem:$0x210] =	vst v3  }
0xa6: {  	v6 =	vor.u32 v1, v6;
	v3 =	vbroadcast v7, $0x0;
	[tilespmem:$0x220] =	vst v4  }
0xa7: {  	v2 =	vor.u32 v1, v2;
	v5 =	vbroadcast v61, $0x0;
	[tilespmem:$0x240] =	vst v6  }
0xa8: {  	v63 =	vbroadcast v62, $0x0;
	[tilespmem:$0x230] =	vst v2;
	v3 =	vor.u32 v1, v3  }
0xa9: {  	v5 =	vor.u32 v1, v5;
	[tilespmem:$0x260] =	vst v3  }
0xaa: {  	v3 =	vor.u32 v1, v63;
	[tilespmem:$0x270] =	vst v5  }
0xab: {  	s24 =	smov.u32 s11;
	s23 =	smov.u32 s11;
	s22 =	simm.s32 $0x80;
	[tilespmem:$0x250] =	vst v3  }
0xac: {  	[tilespmem:s14], [sflag:$0x1] =	stream.indirect.gather [spmem:s2], $0x80, s13, s12, $0xb8;
	[tilespmem:$0x1C280] =	vst v63  }
.LBB2_14:
0xad: {  	p1 =	sne.s32 s22, $0x200;
	_ =	swait.ge [sflag:s19], $0x4000;
	s23 =	sadd.s32 $0x800, s23  }
0xae: {  	s25 =	sadd.s32 s22, s6;
	s22 =	sadd.s32 $0x80, s22;
	[sflag:s19] =	ssyncset.done $0x0  }
0xaf: {  	[sflag:s19] =	ssyncadd.s32 $0xFFFFC000  }
0xb0: {  	v2 =	vmov s25;
	v3 =	vor.u32 s25, v1;
	[hbm4b:s24+s3] =	stream.linear.scatter [tilespmem:s14], [sflag:$0x3], $0x4000, $0x38;
	[tilespmem:$0x1C280] =	vst v63  }
0xb1: {  	v4 =	vor.u32 $0x10, v2;
	v5 =	vor.u32 $0x20, v2;
	v6 =	vor.u32 $0x70, v2;
	s24 =	smov.u32 s23;
	_ =	swait.ge [sflag:s15], $0x4000  }
0xb2: {  	v7 =	vor.u32 $0x40, v2;
	v4 =	vbroadcast v4, $0x0;
	v5 =	vbroadcast v5, $0x0;
	[sflag:s15] =	ssyncset.done $0x0  }
0xb3: {  	v8 =	vor.u32 $0x60, v2;
	v7 =	vbroadcast v7, $0x0;
	v6 =	vbroadcast v6, $0x0;
	[sflag:s15] =	ssyncadd.s32 $0xFFFFC000  }
0xb4: {  	[tilespmem:$0x200] =	vst v3;
	v3 =	vor.u32 v1, v4;
	v4 =	vor.u32 v1, v5;
	v5 =	vor.u32 $0x50, v2  }
0xb5: {  	v6 =	vor.u32 v1, v6;
	[tilespmem:$0x210] =	vst v3;
	v3 =	vor.u32 v1, v7;
	v7 =	vbroadcast v8, $0x0  }
0xb6: {  	v2 =	vor.u32 $0x30, v2;
	[tilespmem:$0x220] =	vst v4;
	v4 =	vbroadcast v5, $0x0  }
0xb7: {  	v2 =	vbroadcast v2, $0x0;
	[tilespmem:$0x240] =	vst v3;
	v3 =	vor.u32 v1, v7  }
.Ltmp6:
0xb8: {  	v4 =	vor.u32 v1, v4;
	[tilespmem:$0x260] =	vst v3;
	(pc) =	sbr.rel @p1 .LBB2_14-.Ltmp6, $4  }
0xb9: {  	v2 =	vor.u32 v1, v2;
	[tilespmem:$0x270] =	vst v6  }
0xba: {  	[tilespmem:$0x250] =	vst v4  }
0xbb: {  	[tilespmem:$0x230] =	vst v2  }
0xbc: {  	[tilespmem:s14], [sflag:$0x1] =	stream.indirect.gather [spmem:s2], $0x80, s13, s12, $0xb8;
	[tilespmem:$0x1C280] =	vst v63  }
0xbd: {  	_ =	swait.ge [sflag:s19], $0x4000  }
0xbe: {  	[sflag:s19] =	ssyncset.done $0x0  }
.Ltmp7:
0xbf: {  	[sflag:s19] =	ssyncadd.s32 $0xFFFFC000;
	(pc) =	sbr.rel .LBB2_16-.Ltmp7, $4  }
0xc0: {  	[hbm4b:s24+s3] =	stream.linear.scatter [tilespmem:s14], [sflag:$0x3], $0x4000, $0x38;
	[tilespmem:$0x1C280] =	vst v63  }
0xc1: {  	_ =	swait.ge [sflag:s15], $0x4000  }
0xc2: {  	[sflag:s15] =	ssyncset.done $0x0  }
0xc3: {  	[sflag:s15] =	ssyncadd.s32 $0xFFFFC000  }
.LBB2_6:
0xc4: {  	[tilespmem:s3], [sflag:$0x3] =	stream.linear.gather [hbm4b:s22+s3], $0x80, $0x38;
	[tilespmem:$0x1C280] =	vst v63  }
0xc5: {  	_ =	swait.ge [sflag:s15], $0x80  }
0xc6: {  	[sflag:s15] =	ssyncset.done $0x0  }
0xc7: {  	s23 =	sadd.s32 $0x0, s8;
	[sflag:s15] =	ssyncadd.s32 $0xFFFFFF80  }
0xc8: {  	[tilespmem:s12], [sflag:$0x3] =	stream.linear.gather [hbm4b:s23+s3], $0x80, $0x38;
	[tilespmem:$0x1C280] =	vst v63  }
0xc9: {  	_ =	swait.ge [sflag:s15], $0x80  }
0xca: {  	[sflag:s15] =	ssyncset.done $0x0  }
0xcb: {  	[sflag:s15] =	ssyncadd.s32 $0xFFFFFF80  }
0xcc: {  	[tilespmem:s14], [sflag:$0x1] =	stream.indirect.gather [hbm4b:s4+s12], $0x80, s3, s12, $0xb8;
	[tilespmem:$0x1C280] =	vst v63  }
0xcd: {  	s30 =	sadd.s32 $0x10, s22  }
0xce: {  	[tilespmem:s16], [sflag:$0x3] =	stream.linear.gather [hbm4b:s30+s3], $0x80, $0x38;
	[tilespmem:$0x1C280] =	vst v63  }
0xcf: {  	_ =	swait.ge [sflag:s15], $0x80  }
0xd0: {  	[sflag:s15] =	ssyncset.done $0x0  }
0xd1: {  	s31 =	sadd.s32 $0x10, s23;
	[sflag:s15] =	ssyncadd.s32 $0xFFFFFF80  }
0xd2: {  	[tilespmem:s17], [sflag:$0x3] =	stream.linear.gather [hbm4b:s31+s3], $0x80, $0x38;
	[tilespmem:$0x1C280] =	vst v63  }
0xd3: {  	_ =	swait.ge [sflag:s15], $0x80  }
0xd4: {  	[sflag:s15] =	ssyncset.done $0x0  }
0xd5: {  	[sflag:s15] =	ssyncadd.s32 $0xFFFFFF80  }
0xd6: {  	[tilespmem:s18], [sflag:$0x2] =	stream.indirect.gather [hbm4b:s4+s12], $0x80, s16, s12, $0xb8;
	[tilespmem:$0x1C280] =	vst v63  }
0xd7: {  	_ =	swait.ge [sflag:s19], $0x4000  }
0xd8: {  	[sflag:s19] =	ssyncset.done $0x0  }
0xd9: {  	[sflag:s19] =	ssyncadd.s32 $0xFFFFC000  }
0xda: {  	[spmem:s2] =	stream.indirect.scatter.add.f32 [tilespmem:s14], [sflag:$0x3], $0x80, s12, s12, $0xb8;
	[tilespmem:$0x1C280] =	vst v63  }
0xdb: {  	_ =	swait.ge [sflag:s15], $0x4000  }
0xdc: {  	[sflag:s15] =	ssyncset.done $0x0  }
0xdd: {  	[sflag:s15] =	ssyncadd.s32 $0xFFFFC000  }
0xde: {  	_ =	swait.ge [sflag:s20], $0x4000  }
0xdf: {  	[sflag:s20] =	ssyncset.done $0x0  }
0xe0: {  	[sflag:s20] =	ssyncadd.s32 $0xFFFFC000  }
0xe1: {  	[spmem:s2] =	stream.indirect.scatter.add.f32 [tilespmem:s18], [sflag:$0x3], $0x80, s17, s12, $0xb8;
	[tilespmem:$0x1C280] =	vst v63  }
0xe2: {  	_ =	swait.ge [sflag:s15], $0x4000  }
0xe3: {  	s22 =	simm.s32 $0x20;
	s24 =	simm.s32 $0x40;
	[sflag:s15] =	ssyncset.done $0x0  }
.LBB2_7:
0xe4: {  	s25 =	sadd.s32 s22, s9  }
0xe5: {  	[sflag:s15] =	ssyncadd.s32 $0xFFFFC000;
	s26 =	smov.u32 s24;
	s23 =	sadd.s32 $0x20, s24  }
0xe6: {  	[tilespmem:s3], [sflag:$0x3] =	stream.linear.gather [hbm4b:s25+s3], $0x80, $0x38;
	[tilespmem:$0x1C280] =	vst v63  }
0xe7: {  	p1 =	sne.s32 s24, $0x9C0;
	_ =	swait.ge [sflag:s15], $0x80  }
0xe8: {  	[sflag:s15] =	ssyncset.done $0x0  }
0xe9: {  	s24 =	sadd.s32 s22, s8;
	s22 =	smov.u32 s26;
	[sflag:s15] =	ssyncadd.s32 $0xFFFFFF80  }
0xea: {  	[tilespmem:s12], [sflag:$0x3] =	stream.linear.gather [hbm4b:s24+s3], $0x80, $0x38;
	[tilespmem:$0x1C280] =	vst v63  }
0xeb: {  	_ =	swait.ge [sflag:s15], $0x80  }
0xec: {  	[sflag:s15] =	ssyncset.done $0x0  }
0xed: {  	[sflag:s15] =	ssyncadd.s32 $0xFFFFFF80  }
0xee: {  	[tilespmem:s14], [sflag:$0x1] =	stream.indirect.gather [hbm4b:s4+s12], $0x80, s3, s12, $0xb8;
	[tilespmem:$0x1C280] =	vst v63  }
0xef: {  	s25 =	sadd.s32 $0x10, s25  }
0xf0: {  	[tilespmem:s16], [sflag:$0x3] =	stream.linear.gather [hbm4b:s25+s3], $0x80, $0x38;
	[tilespmem:$0x1C280] =	vst v63  }
0xf1: {  	_ =	swait.ge [sflag:s15], $0x80  }
0xf2: {  	[sflag:s15] =	ssyncset.done $0x0  }
0xf3: {  	s24 =	sadd.s32 $0x10, s24;
	[sflag:s15] =	ssyncadd.s32 $0xFFFFFF80  }
0xf4: {  	[tilespmem:s17], [sflag:$0x3] =	stream.linear.gather [hbm4b:s24+s3], $0x80, $0x38;
	[tilespmem:$0x1C280] =	vst v63  }
0xf5: {  	_ =	swait.ge [sflag:s15], $0x80  }
0xf6: {  	[sflag:s15] =	ssyncset.done $0x0  }
0xf7: {  	[sflag:s15] =	ssyncadd.s32 $0xFFFFFF80  }
0xf8: {  	[tilespmem:s18], [sflag:$0x2] =	stream.indirect.gather [hbm4b:s4+s12], $0x80, s16, s12, $0xb8;
	[tilespmem:$0x1C280] =	vst v63  }
0xf9: {  	_ =	swait.ge [sflag:s19], $0x4000  }
0xfa: {  	[sflag:s19] =	ssyncset.done $0x0  }
0xfb: {  	[sflag:s19] =	ssyncadd.s32 $0xFFFFC000  }
0xfc: {  	[spmem:s2] =	stream.indirect.scatter.add.f32 [tilespmem:s14], [sflag:$0x3], $0x80, s12, s12, $0xb8;
	[tilespmem:$0x1C280] =	vst v63  }
0xfd: {  	_ =	swait.ge [sflag:s15], $0x4000  }
0xfe: {  	[sflag:s15] =	ssyncset.done $0x0  }
0xff: {  	[sflag:s15] =	ssyncadd.s32 $0xFFFFC000  }
0x100: {  	_ =	swait.ge [sflag:s20], $0x4000  }
.Ltmp8:
0x101: {  	[sflag:s20] =	ssyncset.done $0x0;
	(pc) =	sbr.rel @p1 .LBB2_7-.Ltmp8, $4  }
0x102: {  	[sflag:s20] =	ssyncadd.s32 $0xFFFFC000  }
0x103: {  	[spmem:s2] =	stream.indirect.scatter.add.f32 [tilespmem:s18], [sflag:$0x3], $0x80, s17, s12, $0xb8;
	[tilespmem:$0x1C280] =	vst v63  }
0x104: {  	_ =	swait.ge [sflag:s15], $0x4000  }
0x105: {  	s24 =	smov.u32 s23;
	[sflag:s15] =	ssyncset.done $0x0  }
0x106: {  	s23 =	sadd.s32 s22, s9;
	[sflag:s15] =	ssyncadd.s32 $0xFFFFC000  }
0x107: {  	[tilespmem:s3], [sflag:$0x3] =	stream.linear.gather [hbm4b:s23+s3], $0x80, $0x38;
	[tilespmem:$0x1C280] =	vst v63  }
0x108: {  	_ =	swait.ge [sflag:s15], $0x80  }
0x109: {  	[sflag:s15] =	ssyncset.done $0x0  }
0x10a: {  	s30 =	sadd.s32 s22, s8;
	[sflag:s15] =	ssyncadd.s32 $0xFFFFFF80  }
0x10b: {  	[tilespmem:s12], [sflag:$0x3] =	stream.linear.gather [hbm4b:s30+s3], $0x80, $0x38;
	[tilespmem:$0x1C280] =	vst v63  }
0x10c: {  	_ =	swait.ge [sflag:s15], $0x80  }
0x10d: {  	[sflag:s15] =	ssyncset.done $0x0  }
0x10e: {  	[sflag:s15] =	ssyncadd.s32 $0xFFFFFF80  }
0x10f: {  	[tilespmem:s14], [sflag:$0x1] =	stream.indirect.gather [hbm4b:s4+s12], $0x80, s3, s12, $0xb8;
	[tilespmem:$0x1C280] =	vst v63  }
0x110: {  	s23 =	sadd.s32 $0x10, s23  }
0x111: {  	[tilespmem:s16], [sflag:$0x3] =	stream.linear.gather [hbm4b:s23+s3], $0x80, $0x38;
	[tilespmem:$0x1C280] =	vst v63  }
0x112: {  	_ =	swait.ge [sflag:s15], $0x80  }
0x113: {  	[sflag:s15] =	ssyncset.done $0x0  }
0x114: {  	s22 =	sadd.s32 $0x10, s30;
	[sflag:s15] =	ssyncadd.s32 $0xFFFFFF80  }
0x115: {  	[tilespmem:s17], [sflag:$0x3] =	stream.linear.gather [hbm4b:s22+s3], $0x80, $0x38;
	[tilespmem:$0x1C280] =	vst v63  }
0x116: {  	_ =	swait.ge [sflag:s15], $0x80  }
0x117: {  	[sflag:s15] =	ssyncset.done $0x0  }
0x118: {  	[sflag:s15] =	ssyncadd.s32 $0xFFFFFF80  }
0x119: {  	[tilespmem:s18], [sflag:$0x2] =	stream.indirect.gather [hbm4b:s4+s12], $0x80, s16, s12, $0xb8;
	[tilespmem:$0x1C280] =	vst v63  }
0x11a: {  	_ =	swait.ge [sflag:s19], $0x4000  }
0x11b: {  	[sflag:s19] =	ssyncset.done $0x0  }
0x11c: {  	[sflag:s19] =	ssyncadd.s32 $0xFFFFC000  }
0x11d: {  	[spmem:s2] =	stream.indirect.scatter.add.f32 [tilespmem:s14], [sflag:$0x3], $0x80, s12, s12, $0xb8;
	[tilespmem:$0x1C280] =	vst v63  }
0x11e: {  	_ =	swait.ge [sflag:s15], $0x4000  }
0x11f: {  	[sflag:s15] =	ssyncset.done $0x0  }
0x120: {  	[sflag:s15] =	ssyncadd.s32 $0xFFFFC000  }
0x121: {  	_ =	swait.ge [sflag:s20], $0x4000  }
0x122: {  	[sflag:s20] =	ssyncset.done $0x0  }
0x123: {  	s31 =	sadd.s32 $0x0, s6;
	[sflag:s20] =	ssyncadd.s32 $0xFFFFC000  }
0x124: {  	[spmem:s2] =	stream.indirect.scatter.add.f32 [tilespmem:s18], [sflag:$0x3], $0x80, s17, s12, $0xb8;
	[tilespmem:$0x1C280] =	vst v63  }
0x125: {  	v2 =	vmov s31;
	_ =	swait.ge [sflag:s15], $0x4000  }
0x126: {  	v5 =	vor.u32 s31, v1;
	v3 =	vor.u32 $0x10, v2;
	v4 =	vor.u32 $0x20, v2;
	[sflag:s15] =	ssyncset.done $0x0  }
0x127: {  	v6 =	vor.u32 $0x40, v2;
	v7 =	vor.u32 $0x60, v2;
	v3 =	vbroadcast v3, $0x0;
	[sflag:s15] =	ssyncadd.s32 $0xFFFFC000  }
0x128: {  	v61 =	vor.u32 $0x70, v2;
	v62 =	vor.u32 $0x50, v2;
	v4 =	vbroadcast v4, $0x0;
	[bflag:$0x0] =	sbarrier.arrive $0xFFFF  }
0x129: {  	v2 =	vor.u32 $0x30, v2;
	v6 =	vbroadcast v6, $0x0;
	v3 =	vor.u32 v1, v3;
	[tilespmem:$0x200] =	vst v5  }
0x12a: {  	v2 =	vbroadcast v2, $0x0;
	v4 =	vor.u32 v1, v4;
	[tilespmem:$0x210] =	vst v3  }
0x12b: {  	v6 =	vor.u32 v1, v6;
	v3 =	vbroadcast v7, $0x0;
	[tilespmem:$0x220] =	vst v4  }
0x12c: {  	v2 =	vor.u32 v1, v2;
	v5 =	vbroadcast v61, $0x0;
	[tilespmem:$0x240] =	vst v6  }
0x12d: {  	v63 =	vbroadcast v62, $0x0;
	[tilespmem:$0x230] =	vst v2;
	v3 =	vor.u32 v1, v3  }
0x12e: {  	v5 =	vor.u32 v1, v5;
	[tilespmem:$0x260] =	vst v3  }
0x12f: {  	v3 =	vor.u32 v1, v63;
	[tilespmem:$0x270] =	vst v5  }
0x130: {  	s24 =	smov.u32 s10;
	s23 =	smov.u32 s10;
	s22 =	simm.s32 $0x80;
	[tilespmem:$0x250] =	vst v3  }
0x131: {  	[tilespmem:s14], [sflag:$0x1] =	stream.indirect.gather [spmem:s2], $0x80, s13, s12, $0xb8;
	[tilespmem:$0x1C280] =	vst v63  }
.LBB2_9:
0x132: {  	p1 =	seq.s32 s22, $0x200;
	_ =	swait.ge [sflag:s19], $0x4000;
	s23 =	sadd.s32 $0x800, s23  }
0x133: {  	s25 =	sadd.s32 s22, s6;
	s22 =	sadd.s32 $0x80, s22;
	[sflag:s19] =	ssyncset.done $0x0  }
0x134: {  	[sflag:s19] =	ssyncadd.s32 $0xFFFFC000  }
0x135: {  	v2 =	vmov s25;
	v3 =	vor.u32 s25, v1;
	[hbm4b:s24+s3] =	stream.linear.scatter [tilespmem:s14], [sflag:$0x3], $0x4000, $0x38;
	[tilespmem:$0x1C280] =	vst v63  }
0x136: {  	v4 =	vor.u32 $0x10, v2;
	v5 =	vor.u32 $0x20, v2;
	v6 =	vor.u32 $0x70, v2;
	s24 =	smov.u32 s23;
	_ =	swait.ge [sflag:s15], $0x4000  }
0x137: {  	v7 =	vor.u32 $0x40, v2;
	v4 =	vbroadcast v4, $0x0;
	v5 =	vbroadcast v5, $0x0;
	[sflag:s15] =	ssyncset.done $0x0  }
0x138: {  	v8 =	vor.u32 $0x60, v2;
	v7 =	vbroadcast v7, $0x0;
	v6 =	vbroadcast v6, $0x0;
	[sflag:s15] =	ssyncadd.s32 $0xFFFFC000  }
0x139: {  	[tilespmem:$0x200] =	vst v3;
	v3 =	vor.u32 v1, v4;
	v4 =	vor.u32 v1, v5;
	v5 =	vor.u32 $0x50, v2  }
0x13a: {  	v6 =	vor.u32 v1, v6;
	[tilespmem:$0x210] =	vst v3;
	v3 =	vor.u32 v1, v7;
	v7 =	vbroadcast v8, $0x0  }
0x13b: {  	v2 =	vor.u32 $0x30, v2;
	[tilespmem:$0x220] =	vst v4;
	v4 =	vbroadcast v5, $0x0  }
0x13c: {  	v2 =	vbroadcast v2, $0x0;
	[tilespmem:$0x240] =	vst v3;
	v3 =	vor.u32 v1, v7  }
.Ltmp9:
0x13d: {  	v4 =	vor.u32 v1, v4;
	[tilespmem:$0x260] =	vst v3;
	(pc) =	sbr.rel @!p1 .LBB2_9-.Ltmp9, $4  }
0x13e: {  	v2 =	vor.u32 v1, v2;
	[tilespmem:$0x270] =	vst v6  }
0x13f: {  	[tilespmem:$0x250] =	vst v4  }
0x140: {  	[tilespmem:$0x230] =	vst v2  }
0x141: {  	[tilespmem:s14], [sflag:$0x1] =	stream.indirect.gather [spmem:s2], $0x80, s13, s12, $0xb8;
	[tilespmem:$0x1C280] =	vst v63  }
.Ltmp10:
0x142: {  	_ = 	snop;
	(pc) =	sbr.rel .LBB2_10-.Ltmp10, $1  }
0x143: {  	_ =	sdelay $0x3  }
.LBB2_17:
0x144: {  	_ =	sfence.sel $0x180000  }
0x145: {  	[bflag:$0x0] =	sbarrier.arrive $0xFFFF  }
0x146: {  	p0 =	sne.s32 s1, $0x0;
	_ =	strace $0x90000050  }
0x147: {  	s0 =	sadd.s32 @!p0 $0x100000, s0;
	[bflag:$0x2] =	sbarrier.arrive $0xFFFF  }
0x148: {  	[sflag:s0] =	ssyncadd.tile.s32 @!p0 $0x1;
	_ =	shalt  }
.Lfunc_end2:
_tile_overlayer_lowered:
.L_overlay_start_2:
0x149: {  	(tag) =	ssettag $0x2  }
0x14a: {  	s0 =	rddreg [dreg:$0x0];
	s2 =	stileid.u32  }
0x14b: {  	s1 =	rddreg [dreg:$0x1];
	p0 =	sne.s32 s2, $0x0  }
0x14c: {  	s3 =	rddreg [dreg:$0x2];
	[bflag:$0x3] =	sbarrier.arrive $0xFFFF;
	s2 =	simm.s32 @!p0 $0x1C03  }
0x14d: {  	[timem:s3], [sflag:s2] =	dma.local @!p0 [hbm:s0], s1  }
0x14e: {  	s0 =	simm.s32 @!p0 $0x3  }
0x14f: {  	_ =	swait.ge @!p0 [sflag:s0], s1  }
0x150: {  	s1 =	ssub.s32 @!p0 $0x0, s1;
	[sflag:s0] =	ssyncset.done @!p0 $0x0  }
0x151: {  	[sflag:s0] =	ssyncadd.s32 @!p0 s1  }
0x152: {  	[bflag:$0x3] =	sbarrier.arrive $0xFFFF  }
0x153: {  	_ =	shalt  }

</sc_bundles>
